<compile_context>
chip_gen: v7x
topology: tpu7x:2x2x1
jax: 0.10.2.dev20260603
libtpu: 0.0.44.dev20260713+nightly
codegen_flags: <defaults>
</compile_context>

<pallas_src>
import functools

import jax
import jax.numpy as jnp
from jax import lax
from jax.experimental import pallas as pl
from jax.experimental.pallas import tpu as pltpu
from jax.experimental.pallas import tpu_sc as plsc

D_MODEL = 64
SCALE = 8.0

NC = 2
NS = 16
NW = NC * NS
CHUNK = 128
DEPTH = 4


@functools.lru_cache(maxsize=None)
def _build(nchunks: int):
    assert nchunks % DEPTH == 0 and nchunks // DEPTH >= 3
    mesh = plsc.VectorSubcoreMesh(core_axis_name="c", subcore_axis_name="s")

    @functools.partial(
        pl.kernel,
        mesh=mesh,
        out_type=jax.ShapeDtypeStruct((NW, nchunks, CHUNK, D_MODEL), jnp.float32),
        scratch_types=[
            pltpu.VMEM((nchunks, CHUNK), jnp.int32),
            pltpu.VMEM((DEPTH, CHUNK, D_MODEL), jnp.float32),
            pltpu.VMEM((DEPTH, CHUNK, D_MODEL), jnp.float32),
            pltpu.SemaphoreType.DMA((DEPTH,)),
            pltpu.SemaphoreType.DMA((DEPTH,)),
        ],
        compiler_params=pltpu.CompilerParams(
            use_tc_tiling_on_sc=False, needs_layout_passes=False
        ),
    )
    def emb(x_hbm, table_hbm, out_hbm, idx_v, in_v, out_v, gsem, psem):
        wid = lax.axis_index("s") * NC + lax.axis_index("c")
        pltpu.sync_copy(x_hbm.at[wid], idx_v)

        def gather_start(c, b):
            pltpu.async_copy(table_hbm.at[idx_v.at[c]], in_v.at[b], gsem.at[b])

        def gather_wait(c, b):
            pltpu.make_async_copy(
                table_hbm.at[idx_v.at[c]], in_v.at[b], gsem.at[b]
            ).wait()

        def put_start(c, b):
            pltpu.async_copy(out_v.at[b], out_hbm.at[wid, c], psem.at[b])

        def put_wait(c, b):
            pltpu.make_async_copy(
                out_v.at[b], out_hbm.at[wid, c], psem.at[b]
            ).wait()

        def scale(b):
            @plsc.parallel_loop(0, CHUNK, 1, unroll=4)
            def row(i):
                for j in range(D_MODEL // 16):
                    sl = pl.ds(j * 16, 16)
                    out_v[b, i, sl] = in_v[b, i, sl] * SCALE

        for b in range(DEPTH):
            gather_start(b, b)
        for b in range(DEPTH):
            gather_wait(b, b)
            scale(b)
            put_start(b, b)
            gather_start(b + DEPTH, b)

        def steady(g, carry):
            for b in range(DEPTH):
                c = DEPTH * g + b
                gather_wait(c, b)
                put_wait(c - DEPTH, b)
                scale(b)
                put_start(c, b)
                gather_start(c + DEPTH, b)
            return carry

        lax.fori_loop(1, nchunks // DEPTH - 1, steady, 0)

        tail = nchunks - DEPTH
        for b in range(DEPTH):
            c = tail + b
            gather_wait(c, b)
            put_wait(c - DEPTH, b)
            scale(b)
            put_start(c, b)
        for b in range(DEPTH):
            put_wait(tail + b, b)

    return emb


def kernel(x, table):
    s0, s1 = x.shape
    total = s0 * s1
    assert total % (NW * CHUNK) == 0
    nchunks = total // (NW * CHUNK)
    xr = x.astype(jnp.int32).reshape(NW, nchunks, CHUNK)
    out = _build(nchunks)(xr, table)
    return out.reshape(s0, s1, D_MODEL)

# --- scband reference (transcript-rebuilt; emitter-appended) ---
"""Pipeline reference for scband-input-embeddings-17806934409878 (READ-ONLY COPY).

The authoritative reference and input builder live on the scoring server;
editing this copy changes nothing except your own understanding.
"""

import jax, jax.numpy as jnp
import numpy as np

D_MODEL = 64
VOCAB_SIZE = 1000000

def setup_inputs(seed: int = 0) -> dict:
    key = jax.random.key(seed)
    k1, k2 = jax.random.split(key)
    x = jax.random.randint(k1, (4096, 200), 0, VOCAB_SIZE, dtype=jnp.int64 if jax.config.jax_enable_x64 else jnp.int32)
    table = jax.random.normal(k2, (VOCAB_SIZE, D_MODEL), dtype=jnp.float32) * 0.02
    return {"x": x, "table": table}

def reference(x, table):
    # Faithful translation of InputEmbeddings.call:
    # embedding lookup followed by scaling with sqrt(d_model)
    emb = jnp.take(table, x, axis=0)
    return emb * jnp.sqrt(jnp.asarray(D_MODEL, dtype=jnp.float32))

if __name__ == "__main__":
    import jax
    _d = setup_inputs()
    print(jax.jit(kernel)(*tuple(_d.values())))

</pallas_src>

<mosaic_0001>
#map = affine_map<(d0, d1) -> (0, 0, 0)>
#map1 = affine_map<(d0, d1) -> (0, 0)>
#map2 = affine_map<(d0, d1) -> (0, 0, 0, 0)>
module attributes {stable_mosaic.version = 14 : i64} {
  func.func @emb(%arg0: i32, %arg1: i32, %arg2: memref<32x200x128xi32, #tpu.memory_space<hbm>>, %arg3: memref<1000000x64xf32, #tpu.memory_space<hbm>>, %arg4: memref<32x200x128x64xf32, #tpu.memory_space<hbm>>, %arg5: memref<200x128xi32, #tpu.memory_space<vmem>>, %arg6: memref<4x128x64xf32, #tpu.memory_space<vmem>>, %arg7: memref<4x128x64xf32, #tpu.memory_space<vmem>>, %arg8: memref<4x!tpu.dma_semaphore, #tpu.memory_space<semaphore_mem>>, %arg9: memref<4x!tpu.dma_semaphore, #tpu.memory_space<semaphore_mem>>) attributes {dimension_semantics = [#tpu.dimension_semantics<core_parallel>, #tpu.dimension_semantics<subcore_parallel>], iteration_bounds = array<i64: 2, 16>, scalar_prefetch = 0 : i64, scratch_operands = 5 : i64, tpu.core_type = #tpu.core_type<sc_vector_subcore>, window_params = [{transform_indices = #map}, {transform_indices = #map1}, {transform_indices = #map2}]} {
    %mul3A = arith.constant 2 : i32
    %mul3A_0 = arith.muli %arg1, %mul3A : i32
    %add3A = arith.addi %mul3A_0, %arg0 : i32
    "tpu.region"() ({
      %run_scoped3A = tpu.sem_alloc : memref<!tpu.dma_semaphore, #tpu.memory_space<semaphore_mem>>
      %dma_start3A_603 = arith.constant 0 : i32
      %dma_start3A_604 = arith.constant 0 : i32
      %dma_start3A_605 = tpu.memref_slice %arg2[%add3A, %dma_start3A_603, %dma_start3A_604] : memref<32x200x128xi32, #tpu.memory_space<hbm>> -> memref<1x200x128xi32, #tpu.memory_space<hbm>>
      %dma_start3A_606 = tpu.memref_squeeze %dma_start3A_605 : memref<1x200x128xi32, #tpu.memory_space<hbm>> -> memref<200x128xi32, #tpu.memory_space<hbm>>
      %dma_start3A_607 = arith.constant 0 : i32
      %dma_start3A_608 = arith.constant 0 : i32
      %dma_start3A_609 = tpu.memref_slice %arg2[%add3A, %dma_start3A_607, %dma_start3A_608] : memref<32x200x128xi32, #tpu.memory_space<hbm>> -> memref<1x200x128xi32, #tpu.memory_space<hbm>>
      %dma_start3A_610 = tpu.memref_squeeze %dma_start3A_609 : memref<1x200x128xi32, #tpu.memory_space<hbm>> -> memref<200x128xi32, #tpu.memory_space<hbm>>
      tpu.enqueue_dma source(%dma_start3A_610 : memref<200x128xi32, #tpu.memory_space<hbm>>) target(%arg5 : memref<200x128xi32, #tpu.memory_space<vmem>>) target_semaphore(%run_scoped3A : memref<!tpu.dma_semaphore, #tpu.memory_space<semaphore_mem>>)
      %dma_wait3A_611 = arith.constant 0 : i32
      %dma_wait3A_612 = arith.constant 0 : i32
      %dma_wait3A_613 = tpu.memref_slice %arg2[%add3A, %dma_wait3A_611, %dma_wait3A_612] : memref<32x200x128xi32, #tpu.memory_space<hbm>> -> memref<1x200x128xi32, #tpu.memory_space<hbm>>
      %dma_wait3A_614 = tpu.memref_squeeze %dma_wait3A_613 : memref<1x200x128xi32, #tpu.memory_space<hbm>> -> memref<200x128xi32, #tpu.memory_space<hbm>>
      %dma_wait3A_615 = arith.constant 0 : i32
      %dma_wait3A_616 = arith.constant 0 : i32
      %dma_wait3A_617 = tpu.memref_slice %arg2[%add3A, %dma_wait3A_615, %dma_wait3A_616] : memref<32x200x128xi32, #tpu.memory_space<hbm>> -> memref<1x200x128xi32, #tpu.memory_space<hbm>>
      %dma_wait3A_618 = tpu.memref_squeeze %dma_wait3A_617 : memref<1x200x128xi32, #tpu.memory_space<hbm>> -> memref<200x128xi32, #tpu.memory_space<hbm>>
      tpu.wait_dma2 semaphore(%run_scoped3A : memref<!tpu.dma_semaphore, #tpu.memory_space<semaphore_mem>>) src(%dma_wait3A_618 : memref<200x128xi32, #tpu.memory_space<hbm>>) dst(%arg5 : memref<200x128xi32, #tpu.memory_space<vmem>>)
      tpu.yield
    }) : () -> ()
    %dma_start3A = arith.constant 0 : i32
    %dma_start3A_1 = arith.constant 0 : i32
    %dma_start3A_2 = arith.constant 0 : i32
    %dma_start3A_3 = arith.constant 0 : i32
    %dma_start3A_4 = arith.constant 0 : i32
    %dma_start3A_5 = tpu.memref_slice %arg6[%dma_start3A_1, %dma_start3A_3, %dma_start3A_4] : memref<4x128x64xf32, #tpu.memory_space<vmem>> -> memref<1x128x64xf32, #tpu.memory_space<vmem>>
    %dma_start3A_6 = tpu.memref_squeeze %dma_start3A_5 : memref<1x128x64xf32, #tpu.memory_space<vmem>> -> memref<128x64xf32, #tpu.memory_space<vmem>>
    %dma_start3A_7 = arith.constant 0 : i32
    %dma_start3A_8 = tpu.memref_slice %arg5[%dma_start3A, %dma_start3A_7] : memref<200x128xi32, #tpu.memory_space<vmem>> -> memref<1x128xi32, #tpu.memory_space<vmem>>
    %dma_start3A_9 = tpu.memref_squeeze %dma_start3A_8 : memref<1x128xi32, #tpu.memory_space<vmem>> -> memref<128xi32, #tpu.memory_space<vmem>>
    %dma_start3A_10 = arith.constant 0 : i32
    %dma_start3A_11 = arith.constant 0 : i32
    %dma_start3A_12 = tpu.memref_slice %arg3[%dma_start3A_10, %dma_start3A_11] : memref<1000000x64xf32, #tpu.memory_space<hbm>> -> memref<1000000x64xf32, #tpu.memory_space<hbm>>
    %dma_start3A_13 = tpu.memref_slice %arg8[%dma_start3A_2] : memref<4x!tpu.dma_semaphore, #tpu.memory_space<semaphore_mem>> -> memref<1x!tpu.dma_semaphore, #tpu.memory_space<semaphore_mem>>
    %dma_start3A_14 = tpu.memref_squeeze %dma_start3A_13 : memref<1x!tpu.dma_semaphore, #tpu.memory_space<semaphore_mem>> -> memref<!tpu.dma_semaphore, #tpu.memory_space<semaphore_mem>>
    tpu.enqueue_indirect_dma source(%dma_start3A_12 : memref<1000000x64xf32, #tpu.memory_space<hbm>>) target(%dma_start3A_6 : memref<128x64xf32, #tpu.memory_space<vmem>>) offsets(%dma_start3A_9 : memref<128xi32, #tpu.memory_space<vmem>>) semaphore(%dma_start3A_14 : memref<!tpu.dma_semaphore, #tpu.memory_space<semaphore_mem>>)
    %dma_start3A_15 = arith.constant 1 : i32
    %dma_start3A_16 = arith.constant 1 : i32
    %dma_start3A_17 = arith.constant 1 : i32
    %dma_start3A_18 = arith.constant 0 : i32
    %dma_start3A_19 = arith.constant 0 : i32
    %dma_start3A_20 = tpu.memref_slice %arg6[%dma_start3A_16, %dma_start3A_18, %dma_start3A_19] : memref<4x128x64xf32, #tpu.memory_space<vmem>> -> memref<1x128x64xf32, #tpu.memory_space<vmem>>
    %dma_start3A_21 = tpu.memref_squeeze %dma_start3A_20 : memref<1x128x64xf32, #tpu.memory_space<vmem>> -> memref<128x64xf32, #tpu.memory_space<vmem>>
    %dma_start3A_22 = arith.constant 0 : i32
    %dma_start3A_23 = tpu.memref_slice %arg5[%dma_start3A_15, %dma_start3A_22] : memref<200x128xi32, #tpu.memory_space<vmem>> -> memref<1x128xi32, #tpu.memory_space<vmem>>
    %dma_start3A_24 = tpu.memref_squeeze %dma_start3A_23 : memref<1x128xi32, #tpu.memory_space<vmem>> -> memref<128xi32, #tpu.memory_space<vmem>>
    %dma_start3A_25 = arith.constant 0 : i32
    %dma_start3A_26 = arith.constant 0 : i32
    %dma_start3A_27 = tpu.memref_slice %arg3[%dma_start3A_25, %dma_start3A_26] : memref<1000000x64xf32, #tpu.memory_space<hbm>> -> memref<1000000x64xf32, #tpu.memory_space<hbm>>
    %dma_start3A_28 = tpu.memref_slice %arg8[%dma_start3A_17] : memref<4x!tpu.dma_semaphore, #tpu.memory_space<semaphore_mem>> -> memref<1x!tpu.dma_semaphore, #tpu.memory_space<semaphore_mem>>
    %dma_start3A_29 = tpu.memref_squeeze %dma_start3A_28 : memref<1x!tpu.dma_semaphore, #tpu.memory_space<semaphore_mem>> -> memref<!tpu.dma_semaphore, #tpu.memory_space<semaphore_mem>>
    tpu.enqueue_indirect_dma source(%dma_start3A_27 : memref<1000000x64xf32, #tpu.memory_space<hbm>>) target(%dma_start3A_21 : memref<128x64xf32, #tpu.memory_space<vmem>>) offsets(%dma_start3A_24 : memref<128xi32, #tpu.memory_space<vmem>>) semaphore(%dma_start3A_29 : memref<!tpu.dma_semaphore, #tpu.memory_space<semaphore_mem>>)
    %dma_start3A_30 = arith.constant 2 : i32
    %dma_start3A_31 = arith.constant 2 : i32
    %dma_start3A_32 = arith.constant 2 : i32
    %dma_start3A_33 = arith.constant 0 : i32
    %dma_start3A_34 = arith.constant 0 : i32
    %dma_start3A_35 = tpu.memref_slice %arg6[%dma_start3A_31, %dma_start3A_33, %dma_start3A_34] : memref<4x128x64xf32, #tpu.memory_space<vmem>> -> memref<1x128x64xf32, #tpu.memory_space<vmem>>
    %dma_start3A_36 = tpu.memref_squeeze %dma_start3A_35 : memref<1x128x64xf32, #tpu.memory_space<vmem>> -> memref<128x64xf32, #tpu.memory_space<vmem>>
    %dma_start3A_37 = arith.constant 0 : i32
    %dma_start3A_38 = tpu.memref_slice %arg5[%dma_start3A_30, %dma_start3A_37] : memref<200x128xi32, #tpu.memory_space<vmem>> -> memref<1x128xi32, #tpu.memory_space<vmem>>
    %dma_start3A_39 = tpu.memref_squeeze %dma_start3A_38 : memref<1x128xi32, #tpu.memory_space<vmem>> -> memref<128xi32, #tpu.memory_space<vmem>>
    %dma_start3A_40 = arith.constant 0 : i32
    %dma_start3A_41 = arith.constant 0 : i32
    %dma_start3A_42 = tpu.memref_slice %arg3[%dma_start3A_40, %dma_start3A_41] : memref<1000000x64xf32, #tpu.memory_space<hbm>> -> memref<1000000x64xf32, #tpu.memory_space<hbm>>
    %dma_start3A_43 = tpu.memref_slice %arg8[%dma_start3A_32] : memref<4x!tpu.dma_semaphore, #tpu.memory_space<semaphore_mem>> -> memref<1x!tpu.dma_semaphore, #tpu.memory_space<semaphore_mem>>
    %dma_start3A_44 = tpu.memref_squeeze %dma_start3A_43 : memref<1x!tpu.dma_semaphore, #tpu.memory_space<semaphore_mem>> -> memref<!tpu.dma_semaphore, #tpu.memory_space<semaphore_mem>>
    tpu.enqueue_indirect_dma source(%dma_start3A_42 : memref<1000000x64xf32, #tpu.memory_space<hbm>>) target(%dma_start3A_36 : memref<128x64xf32, #tpu.memory_space<vmem>>) offsets(%dma_start3A_39 : memref<128xi32, #tpu.memory_space<vmem>>) semaphore(%dma_start3A_44 : memref<!tpu.dma_semaphore, #tpu.memory_space<semaphore_mem>>)
    %dma_start3A_45 = arith.constant 3 : i32
    %dma_start3A_46 = arith.constant 3 : i32
    %dma_start3A_47 = arith.constant 3 : i32
    %dma_start3A_48 = arith.constant 0 : i32
    %dma_start3A_49 = arith.constant 0 : i32
    %dma_start3A_50 = tpu.memref_slice %arg6[%dma_start3A_46, %dma_start3A_48, %dma_start3A_49] : memref<4x128x64xf32, #tpu.memory_space<vmem>> -> memref<1x128x64xf32, #tpu.memory_space<vmem>>
    %dma_start3A_51 = tpu.memref_squeeze %dma_start3A_50 : memref<1x128x64xf32, #tpu.memory_space<vmem>> -> memref<128x64xf32, #tpu.memory_space<vmem>>
    %dma_start3A_52 = arith.constant 0 : i32
    %dma_start3A_53 = tpu.memref_slice %arg5[%dma_start3A_45, %dma_start3A_52] : memref<200x128xi32, #tpu.memory_space<vmem>> -> memref<1x128xi32, #tpu.memory_space<vmem>>
    %dma_start3A_54 = tpu.memref_squeeze %dma_start3A_53 : memref<1x128xi32, #tpu.memory_space<vmem>> -> memref<128xi32, #tpu.memory_space<vmem>>
    %dma_start3A_55 = arith.constant 0 : i32
    %dma_start3A_56 = arith.constant 0 : i32
    %dma_start3A_57 = tpu.memref_slice %arg3[%dma_start3A_55, %dma_start3A_56] : memref<1000000x64xf32, #tpu.memory_space<hbm>> -> memref<1000000x64xf32, #tpu.memory_space<hbm>>
    %dma_start3A_58 = tpu.memref_slice %arg8[%dma_start3A_47] : memref<4x!tpu.dma_semaphore, #tpu.memory_space<semaphore_mem>> -> memref<1x!tpu.dma_semaphore, #tpu.memory_space<semaphore_mem>>
    %dma_start3A_59 = tpu.memref_squeeze %dma_start3A_58 : memref<1x!tpu.dma_semaphore, #tpu.memory_space<semaphore_mem>> -> memref<!tpu.dma_semaphore, #tpu.memory_space<semaphore_mem>>
    tpu.enqueue_indirect_dma source(%dma_start3A_57 : memref<1000000x64xf32, #tpu.memory_space<hbm>>) target(%dma_start3A_51 : memref<128x64xf32, #tpu.memory_space<vmem>>) offsets(%dma_start3A_54 : memref<128xi32, #tpu.memory_space<vmem>>) semaphore(%dma_start3A_59 : memref<!tpu.dma_semaphore, #tpu.memory_space<semaphore_mem>>)
    %dma_wait3A = arith.constant 0 : i32
    %dma_wait3A_60 = arith.constant 0 : i32
    %dma_wait3A_61 = arith.constant 0 : i32
    %dma_wait3A_62 = arith.constant 0 : i32
    %dma_wait3A_63 = arith.constant 0 : i32
    %dma_wait3A_64 = tpu.memref_slice %arg6[%dma_wait3A_60, %dma_wait3A_62, %dma_wait3A_63] : memref<4x128x64xf32, #tpu.memory_space<vmem>> -> memref<1x128x64xf32, #tpu.memory_space<vmem>>
    %dma_wait3A_65 = tpu.memref_squeeze %dma_wait3A_64 : memref<1x128x64xf32, #tpu.memory_space<vmem>> -> memref<128x64xf32, #tpu.memory_space<vmem>>
    %dma_wait3A_66 = arith.constant 0 : i32
    %dma_wait3A_67 = tpu.memref_slice %arg5[%dma_wait3A, %dma_wait3A_66] : memref<200x128xi32, #tpu.memory_space<vmem>> -> memref<1x128xi32, #tpu.memory_space<vmem>>
    %dma_wait3A_68 = tpu.memref_squeeze %dma_wait3A_67 : memref<1x128xi32, #tpu.memory_space<vmem>> -> memref<128xi32, #tpu.memory_space<vmem>>
    %dma_wait3A_69 = arith.constant 0 : i32
    %dma_wait3A_70 = arith.constant 0 : i32
    %dma_wait3A_71 = tpu.memref_slice %arg3[%dma_wait3A_69, %dma_wait3A_70] : memref<1000000x64xf32, #tpu.memory_space<hbm>> -> memref<1000000x64xf32, #tpu.memory_space<hbm>>
    %dma_wait3A_72 = tpu.memref_slice %arg8[%dma_wait3A_61] : memref<4x!tpu.dma_semaphore, #tpu.memory_space<semaphore_mem>> -> memref<1x!tpu.dma_semaphore, #tpu.memory_space<semaphore_mem>>
    %dma_wait3A_73 = tpu.memref_squeeze %dma_wait3A_72 : memref<1x!tpu.dma_semaphore, #tpu.memory_space<semaphore_mem>> -> memref<!tpu.dma_semaphore, #tpu.memory_space<semaphore_mem>>
    tpu.wait_indirect_dma semaphore(%dma_wait3A_73 : memref<!tpu.dma_semaphore, #tpu.memory_space<semaphore_mem>>) src(%dma_wait3A_71 : memref<1000000x64xf32, #tpu.memory_space<hbm>>) dst(%dma_wait3A_65 : memref<128x64xf32, #tpu.memory_space<vmem>>)
    %parallel_loop3A = arith.constant 0 : i32
    %parallel_loop3A_74 = arith.constant 128 : i32
    %parallel_loop3A_75 = arith.constant 1 : i32
    scf.for %parallel_loop3A_603 = %parallel_loop3A to %parallel_loop3A_74 step %parallel_loop3A_75  : i32 {
      %parallel_loop3A_604 = arith.constant 0 : i32
      %parallel_loop3A_605 = arith.index_cast %parallel_loop3A_604 : i32 to index
      %parallel_loop3A_606 = arith.index_cast %parallel_loop3A_603 : i32 to index
      %parallel_loop3A_607 = arith.constant 0 : index
      %parallel_loop3A_608 = tpu.vector_load %arg6[%parallel_loop3A_605, %parallel_loop3A_606, %parallel_loop3A_607] {strides = array<i32>} : memref<4x128x64xf32, #tpu.memory_space<vmem>>, vector<16xf32>,
      %parallel_loop3A_609 = arith.constant 8.000000e+00 : f32
      %parallel_loop3A_610 = vector.broadcast %parallel_loop3A_609 : f32 to vector<16xf32>
      %parallel_loop3A_611 = arith.mulf %parallel_loop3A_608, %parallel_loop3A_610 : vector<16xf32>
      %parallel_loop3A_612 = arith.constant 0 : i32
      %parallel_loop3A_613 = arith.index_cast %parallel_loop3A_612 : i32 to index
      %parallel_loop3A_614 = arith.index_cast %parallel_loop3A_603 : i32 to index
      %parallel_loop3A_615 = arith.constant 0 : index
      %parallel_loop3A_616 = tpu.vector_load %arg7[%parallel_loop3A_613, %parallel_loop3A_614, %parallel_loop3A_615] {strides = array<i32>} : memref<4x128x64xf32, #tpu.memory_space<vmem>>, vector<16xf32>,
      tpu.vector_store %arg7[%parallel_loop3A_613, %parallel_loop3A_614, %parallel_loop3A_615], %parallel_loop3A_611 {strides = array<i32>} : memref<4x128x64xf32, #tpu.memory_space<vmem>>, vector<16xf32>,
      %parallel_loop3A_617 = arith.constant 0 : i32
      %parallel_loop3A_618 = arith.index_cast %parallel_loop3A_617 : i32 to index
      %parallel_loop3A_619 = arith.index_cast %parallel_loop3A_603 : i32 to index
      %parallel_loop3A_620 = arith.constant 16 : index
      %parallel_loop3A_621 = tpu.vector_load %arg6[%parallel_loop3A_618, %parallel_loop3A_619, %parallel_loop3A_620] {strides = array<i32>} : memref<4x128x64xf32, #tpu.memory_space<vmem>>, vector<16xf32>,
      %parallel_loop3A_622 = arith.constant 8.000000e+00 : f32
      %parallel_loop3A_623 = vector.broadcast %parallel_loop3A_622 : f32 to vector<16xf32>
      %parallel_loop3A_624 = arith.mulf %parallel_loop3A_621, %parallel_loop3A_623 : vector<16xf32>
      %parallel_loop3A_625 = arith.constant 0 : i32
      %parallel_loop3A_626 = arith.index_cast %parallel_loop3A_625 : i32 to index
      %parallel_loop3A_627 = arith.index_cast %parallel_loop3A_603 : i32 to index
      %parallel_loop3A_628 = arith.constant 16 : index
      %parallel_loop3A_629 = tpu.vector_load %arg7[%parallel_loop3A_626, %parallel_loop3A_627, %parallel_loop3A_628] {strides = array<i32>} : memref<4x128x64xf32, #tpu.memory_space<vmem>>, vector<16xf32>,
      tpu.vector_store %arg7[%parallel_loop3A_626, %parallel_loop3A_627, %parallel_loop3A_628], %parallel_loop3A_624 {strides = array<i32>} : memref<4x128x64xf32, #tpu.memory_space<vmem>>, vector<16xf32>,
      %parallel_loop3A_630 = arith.constant 0 : i32
      %parallel_loop3A_631 = arith.index_cast %parallel_loop3A_630 : i32 to index
      %parallel_loop3A_632 = arith.index_cast %parallel_loop3A_603 : i32 to index
      %parallel_loop3A_633 = arith.constant 32 : index
      %parallel_loop3A_634 = tpu.vector_load %arg6[%parallel_loop3A_631, %parallel_loop3A_632, %parallel_loop3A_633] {strides = array<i32>} : memref<4x128x64xf32, #tpu.memory_space<vmem>>, vector<16xf32>,
      %parallel_loop3A_635 = arith.constant 8.000000e+00 : f32
      %parallel_loop3A_636 = vector.broadcast %parallel_loop3A_635 : f32 to vector<16xf32>
      %parallel_loop3A_637 = arith.mulf %parallel_loop3A_634, %parallel_loop3A_636 : vector<16xf32>
      %parallel_loop3A_638 = arith.constant 0 : i32
      %parallel_loop3A_639 = arith.index_cast %parallel_loop3A_638 : i32 to index
      %parallel_loop3A_640 = arith.index_cast %parallel_loop3A_603 : i32 to index
      %parallel_loop3A_641 = arith.constant 32 : index
      %parallel_loop3A_642 = tpu.vector_load %arg7[%parallel_loop3A_639, %parallel_loop3A_640, %parallel_loop3A_641] {strides = array<i32>} : memref<4x128x64xf32, #tpu.memory_space<vmem>>, vector<16xf32>,
      tpu.vector_store %arg7[%parallel_loop3A_639, %parallel_loop3A_640, %parallel_loop3A_641], %parallel_loop3A_637 {strides = array<i32>} : memref<4x128x64xf32, #tpu.memory_space<vmem>>, vector<16xf32>,
      %parallel_loop3A_643 = arith.constant 0 : i32
      %parallel_loop3A_644 = arith.index_cast %parallel_loop3A_643 : i32 to index
      %parallel_loop3A_645 = arith.index_cast %parallel_loop3A_603 : i32 to index
      %parallel_loop3A_646 = arith.constant 48 : index
      %parallel_loop3A_647 = tpu.vector_load %arg6[%parallel_loop3A_644, %parallel_loop3A_645, %parallel_loop3A_646] {strides = array<i32>} : memref<4x128x64xf32, #tpu.memory_space<vmem>>, vector<16xf32>,
      %parallel_loop3A_648 = arith.constant 8.000000e+00 : f32
      %parallel_loop3A_649 = vector.broadcast %parallel_loop3A_648 : f32 to vector<16xf32>
      %parallel_loop3A_650 = arith.mulf %parallel_loop3A_647, %parallel_loop3A_649 : vector<16xf32>
      %parallel_loop3A_651 = arith.constant 0 : i32
      %parallel_loop3A_652 = arith.index_cast %parallel_loop3A_651 : i32 to index
      %parallel_loop3A_653 = arith.index_cast %parallel_loop3A_603 : i32 to index
      %parallel_loop3A_654 = arith.constant 48 : index
      %parallel_loop3A_655 = tpu.vector_load %arg7[%parallel_loop3A_652, %parallel_loop3A_653, %parallel_loop3A_654] {strides = array<i32>} : memref<4x128x64xf32, #tpu.memory_space<vmem>>, vector<16xf32>,
      tpu.vector_store %arg7[%parallel_loop3A_652, %parallel_loop3A_653, %parallel_loop3A_654], %parallel_loop3A_650 {strides = array<i32>} : memref<4x128x64xf32, #tpu.memory_space<vmem>>, vector<16xf32>,
    } {sc.loop_unroll_factor = 4 : i64, sc.parallel_access}
    %dma_start3A_76 = arith.constant 0 : i32
    %dma_start3A_77 = arith.constant 0 : i32
    %dma_start3A_78 = arith.constant 0 : i32
    %dma_start3A_79 = arith.constant 0 : i32
    %dma_start3A_80 = arith.constant 0 : i32
    %dma_start3A_81 = tpu.memref_slice %arg7[%dma_start3A_76, %dma_start3A_79, %dma_start3A_80] : memref<4x128x64xf32, #tpu.memory_space<vmem>> -> memref<1x128x64xf32, #tpu.memory_space<vmem>>
    %dma_start3A_82 = tpu.memref_squeeze %dma_start3A_81 : memref<1x128x64xf32, #tpu.memory_space<vmem>> -> memref<128x64xf32, #tpu.memory_space<vmem>>
    %dma_start3A_83 = arith.constant 0 : i32
    %dma_start3A_84 = arith.constant 0 : i32
    %dma_start3A_85 = tpu.memref_slice %arg4[%add3A, %dma_start3A_77, %dma_start3A_83, %dma_start3A_84] : memref<32x200x128x64xf32, #tpu.memory_space<hbm>> -> memref<1x1x128x64xf32, #tpu.memory_space<hbm>>
    %dma_start3A_86 = tpu.memref_squeeze %dma_start3A_85 : memref<1x1x128x64xf32, #tpu.memory_space<hbm>> -> memref<128x64xf32, #tpu.memory_space<hbm>>
    %dma_start3A_87 = tpu.memref_slice %arg9[%dma_start3A_78] : memref<4x!tpu.dma_semaphore, #tpu.memory_space<semaphore_mem>> -> memref<1x!tpu.dma_semaphore, #tpu.memory_space<semaphore_mem>>
    %dma_start3A_88 = tpu.memref_squeeze %dma_start3A_87 : memref<1x!tpu.dma_semaphore, #tpu.memory_space<semaphore_mem>> -> memref<!tpu.dma_semaphore, #tpu.memory_space<semaphore_mem>>
    %dma_start3A_89 = arith.constant 0 : i32
    %dma_start3A_90 = arith.constant 0 : i32
    %dma_start3A_91 = tpu.memref_slice %arg4[%add3A, %dma_start3A_77, %dma_start3A_89, %dma_start3A_90] : memref<32x200x128x64xf32, #tpu.memory_space<hbm>> -> memref<1x1x128x64xf32, #tpu.memory_space<hbm>>
    %dma_start3A_92 = tpu.memref_squeeze %dma_start3A_91 : memref<1x1x128x64xf32, #tpu.memory_space<hbm>> -> memref<128x64xf32, #tpu.memory_space<hbm>>
    %dma_start3A_93 = arith.constant 0 : i32
    %dma_start3A_94 = arith.constant 0 : i32
    %dma_start3A_95 = tpu.memref_slice %arg7[%dma_start3A_76, %dma_start3A_93, %dma_start3A_94] : memref<4x128x64xf32, #tpu.memory_space<vmem>> -> memref<1x128x64xf32, #tpu.memory_space<vmem>>
    %dma_start3A_96 = tpu.memref_squeeze %dma_start3A_95 : memref<1x128x64xf32, #tpu.memory_space<vmem>> -> memref<128x64xf32, #tpu.memory_space<vmem>>
    tpu.enqueue_dma source(%dma_start3A_96 : memref<128x64xf32, #tpu.memory_space<vmem>>) target(%dma_start3A_92 : memref<128x64xf32, #tpu.memory_space<hbm>>) target_semaphore(%dma_start3A_88 : memref<!tpu.dma_semaphore, #tpu.memory_space<semaphore_mem>>)
    %dma_start3A_97 = arith.constant 4 : i32
    %dma_start3A_98 = arith.constant 0 : i32
    %dma_start3A_99 = arith.constant 0 : i32
    %dma_start3A_100 = arith.constant 0 : i32
    %dma_start3A_101 = arith.constant 0 : i32
    %dma_start3A_102 = tpu.memref_slice %arg6[%dma_start3A_98, %dma_start3A_100, %dma_start3A_101] : memref<4x128x64xf32, #tpu.memory_space<vmem>> -> memref<1x128x64xf32, #tpu.memory_space<vmem>>
    %dma_start3A_103 = tpu.memref_squeeze %dma_start3A_102 : memref<1x128x64xf32, #tpu.memory_space<vmem>> -> memref<128x64xf32, #tpu.memory_space<vmem>>
    %dma_start3A_104 = arith.constant 0 : i32
    %dma_start3A_105 = tpu.memref_slice %arg5[%dma_start3A_97, %dma_start3A_104] : memref<200x128xi32, #tpu.memory_space<vmem>> -> memref<1x128xi32, #tpu.memory_space<vmem>>
    %dma_start3A_106 = tpu.memref_squeeze %dma_start3A_105 : memref<1x128xi32, #tpu.memory_space<vmem>> -> memref<128xi32, #tpu.memory_space<vmem>>
    %dma_start3A_107 = arith.constant 0 : i32
    %dma_start3A_108 = arith.constant 0 : i32
    %dma_start3A_109 = tpu.memref_slice %arg3[%dma_start3A_107, %dma_start3A_108] : memref<1000000x64xf32, #tpu.memory_space<hbm>> -> memref<1000000x64xf32, #tpu.memory_space<hbm>>
    %dma_start3A_110 = tpu.memref_slice %arg8[%dma_start3A_99] : memref<4x!tpu.dma_semaphore, #tpu.memory_space<semaphore_mem>> -> memref<1x!tpu.dma_semaphore, #tpu.memory_space<semaphore_mem>>
    %dma_start3A_111 = tpu.memref_squeeze %dma_start3A_110 : memref<1x!tpu.dma_semaphore, #tpu.memory_space<semaphore_mem>> -> memref<!tpu.dma_semaphore, #tpu.memory_space<semaphore_mem>>
    tpu.enqueue_indirect_dma source(%dma_start3A_109 : memref<1000000x64xf32, #tpu.memory_space<hbm>>) target(%dma_start3A_103 : memref<128x64xf32, #tpu.memory_space<vmem>>) offsets(%dma_start3A_106 : memref<128xi32, #tpu.memory_space<vmem>>) semaphore(%dma_start3A_111 : memref<!tpu.dma_semaphore, #tpu.memory_space<semaphore_mem>>)
    %dma_wait3A_112 = arith.constant 1 : i32
    %dma_wait3A_113 = arith.constant 1 : i32
    %dma_wait3A_114 = arith.constant 1 : i32
    %dma_wait3A_115 = arith.constant 0 : i32
    %dma_wait3A_116 = arith.constant 0 : i32
    %dma_wait3A_117 = tpu.memref_slice %arg6[%dma_wait3A_113, %dma_wait3A_115, %dma_wait3A_116] : memref<4x128x64xf32, #tpu.memory_space<vmem>> -> memref<1x128x64xf32, #tpu.memory_space<vmem>>
    %dma_wait3A_118 = tpu.memref_squeeze %dma_wait3A_117 : memref<1x128x64xf32, #tpu.memory_space<vmem>> -> memref<128x64xf32, #tpu.memory_space<vmem>>
    %dma_wait3A_119 = arith.constant 0 : i32
    %dma_wait3A_120 = tpu.memref_slice %arg5[%dma_wait3A_112, %dma_wait3A_119] : memref<200x128xi32, #tpu.memory_space<vmem>> -> memref<1x128xi32, #tpu.memory_space<vmem>>
    %dma_wait3A_121 = tpu.memref_squeeze %dma_wait3A_120 : memref<1x128xi32, #tpu.memory_space<vmem>> -> memref<128xi32, #tpu.memory_space<vmem>>
    %dma_wait3A_122 = arith.constant 0 : i32
    %dma_wait3A_123 = arith.constant 0 : i32
    %dma_wait3A_124 = tpu.memref_slice %arg3[%dma_wait3A_122, %dma_wait3A_123] : memref<1000000x64xf32, #tpu.memory_space<hbm>> -> memref<1000000x64xf32, #tpu.memory_space<hbm>>
    %dma_wait3A_125 = tpu.memref_slice %arg8[%dma_wait3A_114] : memref<4x!tpu.dma_semaphore, #tpu.memory_space<semaphore_mem>> -> memref<1x!tpu.dma_semaphore, #tpu.memory_space<semaphore_mem>>
    %dma_wait3A_126 = tpu.memref_squeeze %dma_wait3A_125 : memref<1x!tpu.dma_semaphore, #tpu.memory_space<semaphore_mem>> -> memref<!tpu.dma_semaphore, #tpu.memory_space<semaphore_mem>>
    tpu.wait_indirect_dma semaphore(%dma_wait3A_126 : memref<!tpu.dma_semaphore, #tpu.memory_space<semaphore_mem>>) src(%dma_wait3A_124 : memref<1000000x64xf32, #tpu.memory_space<hbm>>) dst(%dma_wait3A_118 : memref<128x64xf32, #tpu.memory_space<vmem>>)
    %parallel_loop3A_127 = arith.constant 0 : i32
    %parallel_loop3A_128 = arith.constant 128 : i32
    %parallel_loop3A_129 = arith.constant 1 : i32
    scf.for %parallel_loop3A_603 = %parallel_loop3A_127 to %parallel_loop3A_128 step %parallel_loop3A_129  : i32 {
      %parallel_loop3A_604 = arith.constant 1 : i32
      %parallel_loop3A_605 = arith.index_cast %parallel_loop3A_604 : i32 to index
      %parallel_loop3A_606 = arith.index_cast %parallel_loop3A_603 : i32 to index
      %parallel_loop3A_607 = arith.constant 0 : index
      %parallel_loop3A_608 = tpu.vector_load %arg6[%parallel_loop3A_605, %parallel_loop3A_606, %parallel_loop3A_607] {strides = array<i32>} : memref<4x128x64xf32, #tpu.memory_space<vmem>>, vector<16xf32>,
      %parallel_loop3A_609 = arith.constant 8.000000e+00 : f32
      %parallel_loop3A_610 = vector.broadcast %parallel_loop3A_609 : f32 to vector<16xf32>
      %parallel_loop3A_611 = arith.mulf %parallel_loop3A_608, %parallel_loop3A_610 : vector<16xf32>
      %parallel_loop3A_612 = arith.constant 1 : i32
      %parallel_loop3A_613 = arith.index_cast %parallel_loop3A_612 : i32 to index
      %parallel_loop3A_614 = arith.index_cast %parallel_loop3A_603 : i32 to index
      %parallel_loop3A_615 = arith.constant 0 : index
      %parallel_loop3A_616 = tpu.vector_load %arg7[%parallel_loop3A_613, %parallel_loop3A_614, %parallel_loop3A_615] {strides = array<i32>} : memref<4x128x64xf32, #tpu.memory_space<vmem>>, vector<16xf32>,
      tpu.vector_store %arg7[%parallel_loop3A_613, %parallel_loop3A_614, %parallel_loop3A_615], %parallel_loop3A_611 {strides = array<i32>} : memref<4x128x64xf32, #tpu.memory_space<vmem>>, vector<16xf32>,
      %parallel_loop3A_617 = arith.constant 1 : i32
      %parallel_loop3A_618 = arith.index_cast %parallel_loop3A_617 : i32 to index
      %parallel_loop3A_619 = arith.index_cast %parallel_loop3A_603 : i32 to index
      %parallel_loop3A_620 = arith.constant 16 : index
      %parallel_loop3A_621 = tpu.vector_load %arg6[%parallel_loop3A_618, %parallel_loop3A_619, %parallel_loop3A_620] {strides = array<i32>} : memref<4x128x64xf32, #tpu.memory_space<vmem>>, vector<16xf32>,
      %parallel_loop3A_622 = arith.constant 8.000000e+00 : f32
      %parallel_loop3A_623 = vector.broadcast %parallel_loop3A_622 : f32 to vector<16xf32>
      %parallel_loop3A_624 = arith.mulf %parallel_loop3A_621, %parallel_loop3A_623 : vector<16xf32>
      %parallel_loop3A_625 = arith.constant 1 : i32
      %parallel_loop3A_626 = arith.index_cast %parallel_loop3A_625 : i32 to index
      %parallel_loop3A_627 = arith.index_cast %parallel_loop3A_603 : i32 to index
      %parallel_loop3A_628 = arith.constant 16 : index
      %parallel_loop3A_629 = tpu.vector_load %arg7[%parallel_loop3A_626, %parallel_loop3A_627, %parallel_loop3A_628] {strides = array<i32>} : memref<4x128x64xf32, #tpu.memory_space<vmem>>, vector<16xf32>,
      tpu.vector_store %arg7[%parallel_loop3A_626, %parallel_loop3A_627, %parallel_loop3A_628], %parallel_loop3A_624 {strides = array<i32>} : memref<4x128x64xf32, #tpu.memory_space<vmem>>, vector<16xf32>,
      %parallel_loop3A_630 = arith.constant 1 : i32
      %parallel_loop3A_631 = arith.index_cast %parallel_loop3A_630 : i32 to index
      %parallel_loop3A_632 = arith.index_cast %parallel_loop3A_603 : i32 to index
      %parallel_loop3A_633 = arith.constant 32 : index
      %parallel_loop3A_634 = tpu.vector_load %arg6[%parallel_loop3A_631, %parallel_loop3A_632, %parallel_loop3A_633] {strides = array<i32>} : memref<4x128x64xf32, #tpu.memory_space<vmem>>, vector<16xf32>,
      %parallel_loop3A_635 = arith.constant 8.000000e+00 : f32
      %parallel_loop3A_636 = vector.broadcast %parallel_loop3A_635 : f32 to vector<16xf32>
      %parallel_loop3A_637 = arith.mulf %parallel_loop3A_634, %parallel_loop3A_636 : vector<16xf32>
      %parallel_loop3A_638 = arith.constant 1 : i32
      %parallel_loop3A_639 = arith.index_cast %parallel_loop3A_638 : i32 to index
      %parallel_loop3A_640 = arith.index_cast %parallel_loop3A_603 : i32 to index
      %parallel_loop3A_641 = arith.constant 32 : index
      %parallel_loop3A_642 = tpu.vector_load %arg7[%parallel_loop3A_639, %parallel_loop3A_640, %parallel_loop3A_641] {strides = array<i32>} : memref<4x128x64xf32, #tpu.memory_space<vmem>>, vector<16xf32>,
      tpu.vector_store %arg7[%parallel_loop3A_639, %parallel_loop3A_640, %parallel_loop3A_641], %parallel_loop3A_637 {strides = array<i32>} : memref<4x128x64xf32, #tpu.memory_space<vmem>>, vector<16xf32>,
      %parallel_loop3A_643 = arith.constant 1 : i32
      %parallel_loop3A_644 = arith.index_cast %parallel_loop3A_643 : i32 to index
      %parallel_loop3A_645 = arith.index_cast %parallel_loop3A_603 : i32 to index
      %parallel_loop3A_646 = arith.constant 48 : index
      %parallel_loop3A_647 = tpu.vector_load %arg6[%parallel_loop3A_644, %parallel_loop3A_645, %parallel_loop3A_646] {strides = array<i32>} : memref<4x128x64xf32, #tpu.memory_space<vmem>>, vector<16xf32>,
      %parallel_loop3A_648 = arith.constant 8.000000e+00 : f32
      %parallel_loop3A_649 = vector.broadcast %parallel_loop3A_648 : f32 to vector<16xf32>
      %parallel_loop3A_650 = arith.mulf %parallel_loop3A_647, %parallel_loop3A_649 : vector<16xf32>
      %parallel_loop3A_651 = arith.constant 1 : i32
      %parallel_loop3A_652 = arith.index_cast %parallel_loop3A_651 : i32 to index
      %parallel_loop3A_653 = arith.index_cast %parallel_loop3A_603 : i32 to index
      %parallel_loop3A_654 = arith.constant 48 : index
      %parallel_loop3A_655 = tpu.vector_load %arg7[%parallel_loop3A_652, %parallel_loop3A_653, %parallel_loop3A_654] {strides = array<i32>} : memref<4x128x64xf32, #tpu.memory_space<vmem>>, vector<16xf32>,
      tpu.vector_store %arg7[%parallel_loop3A_652, %parallel_loop3A_653, %parallel_loop3A_654], %parallel_loop3A_650 {strides = array<i32>} : memref<4x128x64xf32, #tpu.memory_space<vmem>>, vector<16xf32>,
    } {sc.loop_unroll_factor = 4 : i64, sc.parallel_access}
    %dma_start3A_130 = arith.constant 1 : i32
    %dma_start3A_131 = arith.constant 1 : i32
    %dma_start3A_132 = arith.constant 1 : i32
    %dma_start3A_133 = arith.constant 0 : i32
    %dma_start3A_134 = arith.constant 0 : i32
    %dma_start3A_135 = tpu.memref_slice %arg7[%dma_start3A_130, %dma_start3A_133, %dma_start3A_134] : memref<4x128x64xf32, #tpu.memory_space<vmem>> -> memref<1x128x64xf32, #tpu.memory_space<vmem>>
    %dma_start3A_136 = tpu.memref_squeeze %dma_start3A_135 : memref<1x128x64xf32, #tpu.memory_space<vmem>> -> memref<128x64xf32, #tpu.memory_space<vmem>>
    %dma_start3A_137 = arith.constant 0 : i32
    %dma_start3A_138 = arith.constant 0 : i32
    %dma_start3A_139 = tpu.memref_slice %arg4[%add3A, %dma_start3A_131, %dma_start3A_137, %dma_start3A_138] : memref<32x200x128x64xf32, #tpu.memory_space<hbm>> -> memref<1x1x128x64xf32, #tpu.memory_space<hbm>>
    %dma_start3A_140 = tpu.memref_squeeze %dma_start3A_139 : memref<1x1x128x64xf32, #tpu.memory_space<hbm>> -> memref<128x64xf32, #tpu.memory_space<hbm>>
    %dma_start3A_141 = tpu.memref_slice %arg9[%dma_start3A_132] : memref<4x!tpu.dma_semaphore, #tpu.memory_space<semaphore_mem>> -> memref<1x!tpu.dma_semaphore, #tpu.memory_space<semaphore_mem>>
    %dma_start3A_142 = tpu.memref_squeeze %dma_start3A_141 : memref<1x!tpu.dma_semaphore, #tpu.memory_space<semaphore_mem>> -> memref<!tpu.dma_semaphore, #tpu.memory_space<semaphore_mem>>
    %dma_start3A_143 = arith.constant 0 : i32
    %dma_start3A_144 = arith.constant 0 : i32
    %dma_start3A_145 = tpu.memref_slice %arg4[%add3A, %dma_start3A_131, %dma_start3A_143, %dma_start3A_144] : memref<32x200x128x64xf32, #tpu.memory_space<hbm>> -> memref<1x1x128x64xf32, #tpu.memory_space<hbm>>
    %dma_start3A_146 = tpu.memref_squeeze %dma_start3A_145 : memref<1x1x128x64xf32, #tpu.memory_space<hbm>> -> memref<128x64xf32, #tpu.memory_space<hbm>>
    %dma_start3A_147 = arith.constant 0 : i32
    %dma_start3A_148 = arith.constant 0 : i32
    %dma_start3A_149 = tpu.memref_slice %arg7[%dma_start3A_130, %dma_start3A_147, %dma_start3A_148] : memref<4x128x64xf32, #tpu.memory_space<vmem>> -> memref<1x128x64xf32, #tpu.memory_space<vmem>>
    %dma_start3A_150 = tpu.memref_squeeze %dma_start3A_149 : memref<1x128x64xf32, #tpu.memory_space<vmem>> -> memref<128x64xf32, #tpu.memory_space<vmem>>
    tpu.enqueue_dma source(%dma_start3A_150 : memref<128x64xf32, #tpu.memory_space<vmem>>) target(%dma_start3A_146 : memref<128x64xf32, #tpu.memory_space<hbm>>) target_semaphore(%dma_start3A_142 : memref<!tpu.dma_semaphore, #tpu.memory_space<semaphore_mem>>)
    %dma_start3A_151 = arith.constant 5 : i32
    %dma_start3A_152 = arith.constant 1 : i32
    %dma_start3A_153 = arith.constant 1 : i32
    %dma_start3A_154 = arith.constant 0 : i32
    %dma_start3A_155 = arith.constant 0 : i32
    %dma_start3A_156 = tpu.memref_slice %arg6[%dma_start3A_152, %dma_start3A_154, %dma_start3A_155] : memref<4x128x64xf32, #tpu.memory_space<vmem>> -> memref<1x128x64xf32, #tpu.memory_space<vmem>>
    %dma_start3A_157 = tpu.memref_squeeze %dma_start3A_156 : memref<1x128x64xf32, #tpu.memory_space<vmem>> -> memref<128x64xf32, #tpu.memory_space<vmem>>
    %dma_start3A_158 = arith.constant 0 : i32
    %dma_start3A_159 = tpu.memref_slice %arg5[%dma_start3A_151, %dma_start3A_158] : memref<200x128xi32, #tpu.memory_space<vmem>> -> memref<1x128xi32, #tpu.memory_space<vmem>>
    %dma_start3A_160 = tpu.memref_squeeze %dma_start3A_159 : memref<1x128xi32, #tpu.memory_space<vmem>> -> memref<128xi32, #tpu.memory_space<vmem>>
    %dma_start3A_161 = arith.constant 0 : i32
    %dma_start3A_162 = arith.constant 0 : i32
    %dma_start3A_163 = tpu.memref_slice %arg3[%dma_start3A_161, %dma_start3A_162] : memref<1000000x64xf32, #tpu.memory_space<hbm>> -> memref<1000000x64xf32, #tpu.memory_space<hbm>>
    %dma_start3A_164 = tpu.memref_slice %arg8[%dma_start3A_153] : memref<4x!tpu.dma_semaphore, #tpu.memory_space<semaphore_mem>> -> memref<1x!tpu.dma_semaphore, #tpu.memory_space<semaphore_mem>>
    %dma_start3A_165 = tpu.memref_squeeze %dma_start3A_164 : memref<1x!tpu.dma_semaphore, #tpu.memory_space<semaphore_mem>> -> memref<!tpu.dma_semaphore, #tpu.memory_space<semaphore_mem>>
    tpu.enqueue_indirect_dma source(%dma_start3A_163 : memref<1000000x64xf32, #tpu.memory_space<hbm>>) target(%dma_start3A_157 : memref<128x64xf32, #tpu.memory_space<vmem>>) offsets(%dma_start3A_160 : memref<128xi32, #tpu.memory_space<vmem>>) semaphore(%dma_start3A_165 : memref<!tpu.dma_semaphore, #tpu.memory_space<semaphore_mem>>)
    %dma_wait3A_166 = arith.constant 2 : i32
    %dma_wait3A_167 = arith.constant 2 : i32
    %dma_wait3A_168 = arith.constant 2 : i32
    %dma_wait3A_169 = arith.constant 0 : i32
    %dma_wait3A_170 = arith.constant 0 : i32
    %dma_wait3A_171 = tpu.memref_slice %arg6[%dma_wait3A_167, %dma_wait3A_169, %dma_wait3A_170] : memref<4x128x64xf32, #tpu.memory_space<vmem>> -> memref<1x128x64xf32, #tpu.memory_space<vmem>>
    %dma_wait3A_172 = tpu.memref_squeeze %dma_wait3A_171 : memref<1x128x64xf32, #tpu.memory_space<vmem>> -> memref<128x64xf32, #tpu.memory_space<vmem>>
    %dma_wait3A_173 = arith.constant 0 : i32
    %dma_wait3A_174 = tpu.memref_slice %arg5[%dma_wait3A_166, %dma_wait3A_173] : memref<200x128xi32, #tpu.memory_space<vmem>> -> memref<1x128xi32, #tpu.memory_space<vmem>>
    %dma_wait3A_175 = tpu.memref_squeeze %dma_wait3A_174 : memref<1x128xi32, #tpu.memory_space<vmem>> -> memref<128xi32, #tpu.memory_space<vmem>>
    %dma_wait3A_176 = arith.constant 0 : i32
    %dma_wait3A_177 = arith.constant 0 : i32
    %dma_wait3A_178 = tpu.memref_slice %arg3[%dma_wait3A_176, %dma_wait3A_177] : memref<1000000x64xf32, #tpu.memory_space<hbm>> -> memref<1000000x64xf32, #tpu.memory_space<hbm>>
    %dma_wait3A_179 = tpu.memref_slice %arg8[%dma_wait3A_168] : memref<4x!tpu.dma_semaphore, #tpu.memory_space<semaphore_mem>> -> memref<1x!tpu.dma_semaphore, #tpu.memory_space<semaphore_mem>>
    %dma_wait3A_180 = tpu.memref_squeeze %dma_wait3A_179 : memref<1x!tpu.dma_semaphore, #tpu.memory_space<semaphore_mem>> -> memref<!tpu.dma_semaphore, #tpu.memory_space<semaphore_mem>>
    tpu.wait_indirect_dma semaphore(%dma_wait3A_180 : memref<!tpu.dma_semaphore, #tpu.memory_space<semaphore_mem>>) src(%dma_wait3A_178 : memref<1000000x64xf32, #tpu.memory_space<hbm>>) dst(%dma_wait3A_172 : memref<128x64xf32, #tpu.memory_space<vmem>>)
    %parallel_loop3A_181 = arith.constant 0 : i32
    %parallel_loop3A_182 = arith.constant 128 : i32
    %parallel_loop3A_183 = arith.constant 1 : i32
    scf.for %parallel_loop3A_603 = %parallel_loop3A_181 to %parallel_loop3A_182 step %parallel_loop3A_183  : i32 {
      %parallel_loop3A_604 = arith.constant 2 : i32
      %parallel_loop3A_605 = arith.index_cast %parallel_loop3A_604 : i32 to index
      %parallel_loop3A_606 = arith.index_cast %parallel_loop3A_603 : i32 to index
      %parallel_loop3A_607 = arith.constant 0 : index
      %parallel_loop3A_608 = tpu.vector_load %arg6[%parallel_loop3A_605, %parallel_loop3A_606, %parallel_loop3A_607] {strides = array<i32>} : memref<4x128x64xf32, #tpu.memory_space<vmem>>, vector<16xf32>,
      %parallel_loop3A_609 = arith.constant 8.000000e+00 : f32
      %parallel_loop3A_610 = vector.broadcast %parallel_loop3A_609 : f32 to vector<16xf32>
      %parallel_loop3A_611 = arith.mulf %parallel_loop3A_608, %parallel_loop3A_610 : vector<16xf32>
      %parallel_loop3A_612 = arith.constant 2 : i32
      %parallel_loop3A_613 = arith.index_cast %parallel_loop3A_612 : i32 to index
      %parallel_loop3A_614 = arith.index_cast %parallel_loop3A_603 : i32 to index
      %parallel_loop3A_615 = arith.constant 0 : index
      %parallel_loop3A_616 = tpu.vector_load %arg7[%parallel_loop3A_613, %parallel_loop3A_614, %parallel_loop3A_615] {strides = array<i32>} : memref<4x128x64xf32, #tpu.memory_space<vmem>>, vector<16xf32>,
      tpu.vector_store %arg7[%parallel_loop3A_613, %parallel_loop3A_614, %parallel_loop3A_615], %parallel_loop3A_611 {strides = array<i32>} : memref<4x128x64xf32, #tpu.memory_space<vmem>>, vector<16xf32>,
      %parallel_loop3A_617 = arith.constant 2 : i32
      %parallel_loop3A_618 = arith.index_cast %parallel_loop3A_617 : i32 to index
      %parallel_loop3A_619 = arith.index_cast %parallel_loop3A_603 : i32 to index
      %parallel_loop3A_620 = arith.constant 16 : index
      %parallel_loop3A_621 = tpu.vector_load %arg6[%parallel_loop3A_618, %parallel_loop3A_619, %parallel_loop3A_620] {strides = array<i32>} : memref<4x128x64xf32, #tpu.memory_space<vmem>>, vector<16xf32>,
      %parallel_loop3A_622 = arith.constant 8.000000e+00 : f32
      %parallel_loop3A_623 = vector.broadcast %parallel_loop3A_622 : f32 to vector<16xf32>
      %parallel_loop3A_624 = arith.mulf %parallel_loop3A_621, %parallel_loop3A_623 : vector<16xf32>
      %parallel_loop3A_625 = arith.constant 2 : i32
      %parallel_loop3A_626 = arith.index_cast %parallel_loop3A_625 : i32 to index
      %parallel_loop3A_627 = arith.index_cast %parallel_loop3A_603 : i32 to index
      %parallel_loop3A_628 = arith.constant 16 : index
      %parallel_loop3A_629 = tpu.vector_load %arg7[%parallel_loop3A_626, %parallel_loop3A_627, %parallel_loop3A_628] {strides = array<i32>} : memref<4x128x64xf32, #tpu.memory_space<vmem>>, vector<16xf32>,
      tpu.vector_store %arg7[%parallel_loop3A_626, %parallel_loop3A_627, %parallel_loop3A_628], %parallel_loop3A_624 {strides = array<i32>} : memref<4x128x64xf32, #tpu.memory_space<vmem>>, vector<16xf32>,
      %parallel_loop3A_630 = arith.constant 2 : i32
      %parallel_loop3A_631 = arith.index_cast %parallel_loop3A_630 : i32 to index
      %parallel_loop3A_632 = arith.index_cast %parallel_loop3A_603 : i32 to index
      %parallel_loop3A_633 = arith.constant 32 : index
      %parallel_loop3A_634 = tpu.vector_load %arg6[%parallel_loop3A_631, %parallel_loop3A_632, %parallel_loop3A_633] {strides = array<i32>} : memref<4x128x64xf32, #tpu.memory_space<vmem>>, vector<16xf32>,
      %parallel_loop3A_635 = arith.constant 8.000000e+00 : f32
      %parallel_loop3A_636 = vector.broadcast %parallel_loop3A_635 : f32 to vector<16xf32>
      %parallel_loop3A_637 = arith.mulf %parallel_loop3A_634, %parallel_loop3A_636 : vector<16xf32>
      %parallel_loop3A_638 = arith.constant 2 : i32
      %parallel_loop3A_639 = arith.index_cast %parallel_loop3A_638 : i32 to index
      %parallel_loop3A_640 = arith.index_cast %parallel_loop3A_603 : i32 to index
      %parallel_loop3A_641 = arith.constant 32 : index
      %parallel_loop3A_642 = tpu.vector_load %arg7[%parallel_loop3A_639, %parallel_loop3A_640, %parallel_loop3A_641] {strides = array<i32>} : memref<4x128x64xf32, #tpu.memory_space<vmem>>, vector<16xf32>,
      tpu.vector_store %arg7[%parallel_loop3A_639, %parallel_loop3A_640, %parallel_loop3A_641], %parallel_loop3A_637 {strides = array<i32>} : memref<4x128x64xf32, #tpu.memory_space<vmem>>, vector<16xf32>,
      %parallel_loop3A_643 = arith.constant 2 : i32
      %parallel_loop3A_644 = arith.index_cast %parallel_loop3A_643 : i32 to index
      %parallel_loop3A_645 = arith.index_cast %parallel_loop3A_603 : i32 to index
      %parallel_loop3A_646 = arith.constant 48 : index
      %parallel_loop3A_647 = tpu.vector_load %arg6[%parallel_loop3A_644, %parallel_loop3A_645, %parallel_loop3A_646] {strides = array<i32>} : memref<4x128x64xf32, #tpu.memory_space<vmem>>, vector<16xf32>,
      %parallel_loop3A_648 = arith.constant 8.000000e+00 : f32
      %parallel_loop3A_649 = vector.broadcast %parallel_loop3A_648 : f32 to vector<16xf32>
      %parallel_loop3A_650 = arith.mulf %parallel_loop3A_647, %parallel_loop3A_649 : vector<16xf32>
      %parallel_loop3A_651 = arith.constant 2 : i32
      %parallel_loop3A_652 = arith.index_cast %parallel_loop3A_651 : i32 to index
      %parallel_loop3A_653 = arith.index_cast %parallel_loop3A_603 : i32 to index
      %parallel_loop3A_654 = arith.constant 48 : index
      %parallel_loop3A_655 = tpu.vector_load %arg7[%parallel_loop3A_652, %parallel_loop3A_653, %parallel_loop3A_654] {strides = array<i32>} : memref<4x128x64xf32, #tpu.memory_space<vmem>>, vector<16xf32>,
      tpu.vector_store %arg7[%parallel_loop3A_652, %parallel_loop3A_653, %parallel_loop3A_654], %parallel_loop3A_650 {strides = array<i32>} : memref<4x128x64xf32, #tpu.memory_space<vmem>>, vector<16xf32>,
    } {sc.loop_unroll_factor = 4 : i64, sc.parallel_access}
    %dma_start3A_184 = arith.constant 2 : i32
    %dma_start3A_185 = arith.constant 2 : i32
    %dma_start3A_186 = arith.constant 2 : i32
    %dma_start3A_187 = arith.constant 0 : i32
    %dma_start3A_188 = arith.constant 0 : i32
    %dma_start3A_189 = tpu.memref_slice %arg7[%dma_start3A_184, %dma_start3A_187, %dma_start3A_188] : memref<4x128x64xf32, #tpu.memory_space<vmem>> -> memref<1x128x64xf32, #tpu.memory_space<vmem>>
    %dma_start3A_190 = tpu.memref_squeeze %dma_start3A_189 : memref<1x128x64xf32, #tpu.memory_space<vmem>> -> memref<128x64xf32, #tpu.memory_space<vmem>>
    %dma_start3A_191 = arith.constant 0 : i32
    %dma_start3A_192 = arith.constant 0 : i32
    %dma_start3A_193 = tpu.memref_slice %arg4[%add3A, %dma_start3A_185, %dma_start3A_191, %dma_start3A_192] : memref<32x200x128x64xf32, #tpu.memory_space<hbm>> -> memref<1x1x128x64xf32, #tpu.memory_space<hbm>>
    %dma_start3A_194 = tpu.memref_squeeze %dma_start3A_193 : memref<1x1x128x64xf32, #tpu.memory_space<hbm>> -> memref<128x64xf32, #tpu.memory_space<hbm>>
    %dma_start3A_195 = tpu.memref_slice %arg9[%dma_start3A_186] : memref<4x!tpu.dma_semaphore, #tpu.memory_space<semaphore_mem>> -> memref<1x!tpu.dma_semaphore, #tpu.memory_space<semaphore_mem>>
    %dma_start3A_196 = tpu.memref_squeeze %dma_start3A_195 : memref<1x!tpu.dma_semaphore, #tpu.memory_space<semaphore_mem>> -> memref<!tpu.dma_semaphore, #tpu.memory_space<semaphore_mem>>
    %dma_start3A_197 = arith.constant 0 : i32
    %dma_start3A_198 = arith.constant 0 : i32
    %dma_start3A_199 = tpu.memref_slice %arg4[%add3A, %dma_start3A_185, %dma_start3A_197, %dma_start3A_198] : memref<32x200x128x64xf32, #tpu.memory_space<hbm>> -> memref<1x1x128x64xf32, #tpu.memory_space<hbm>>
    %dma_start3A_200 = tpu.memref_squeeze %dma_start3A_199 : memref<1x1x128x64xf32, #tpu.memory_space<hbm>> -> memref<128x64xf32, #tpu.memory_space<hbm>>
    %dma_start3A_201 = arith.constant 0 : i32
    %dma_start3A_202 = arith.constant 0 : i32
    %dma_start3A_203 = tpu.memref_slice %arg7[%dma_start3A_184, %dma_start3A_201, %dma_start3A_202] : memref<4x128x64xf32, #tpu.memory_space<vmem>> -> memref<1x128x64xf32, #tpu.memory_space<vmem>>
    %dma_start3A_204 = tpu.memref_squeeze %dma_start3A_203 : memref<1x128x64xf32, #tpu.memory_space<vmem>> -> memref<128x64xf32, #tpu.memory_space<vmem>>
    tpu.enqueue_dma source(%dma_start3A_204 : memref<128x64xf32, #tpu.memory_space<vmem>>) target(%dma_start3A_200 : memref<128x64xf32, #tpu.memory_space<hbm>>) target_semaphore(%dma_start3A_196 : memref<!tpu.dma_semaphore, #tpu.memory_space<semaphore_mem>>)
    %dma_start3A_205 = arith.constant 6 : i32
    %dma_start3A_206 = arith.constant 2 : i32
    %dma_start3A_207 = arith.constant 2 : i32
    %dma_start3A_208 = arith.constant 0 : i32
    %dma_start3A_209 = arith.constant 0 : i32
    %dma_start3A_210 = tpu.memref_slice %arg6[%dma_start3A_206, %dma_start3A_208, %dma_start3A_209] : memref<4x128x64xf32, #tpu.memory_space<vmem>> -> memref<1x128x64xf32, #tpu.memory_space<vmem>>
    %dma_start3A_211 = tpu.memref_squeeze %dma_start3A_210 : memref<1x128x64xf32, #tpu.memory_space<vmem>> -> memref<128x64xf32, #tpu.memory_space<vmem>>
    %dma_start3A_212 = arith.constant 0 : i32
    %dma_start3A_213 = tpu.memref_slice %arg5[%dma_start3A_205, %dma_start3A_212] : memref<200x128xi32, #tpu.memory_space<vmem>> -> memref<1x128xi32, #tpu.memory_space<vmem>>
    %dma_start3A_214 = tpu.memref_squeeze %dma_start3A_213 : memref<1x128xi32, #tpu.memory_space<vmem>> -> memref<128xi32, #tpu.memory_space<vmem>>
    %dma_start3A_215 = arith.constant 0 : i32
    %dma_start3A_216 = arith.constant 0 : i32
    %dma_start3A_217 = tpu.memref_slice %arg3[%dma_start3A_215, %dma_start3A_216] : memref<1000000x64xf32, #tpu.memory_space<hbm>> -> memref<1000000x64xf32, #tpu.memory_space<hbm>>
    %dma_start3A_218 = tpu.memref_slice %arg8[%dma_start3A_207] : memref<4x!tpu.dma_semaphore, #tpu.memory_space<semaphore_mem>> -> memref<1x!tpu.dma_semaphore, #tpu.memory_space<semaphore_mem>>
    %dma_start3A_219 = tpu.memref_squeeze %dma_start3A_218 : memref<1x!tpu.dma_semaphore, #tpu.memory_space<semaphore_mem>> -> memref<!tpu.dma_semaphore, #tpu.memory_space<semaphore_mem>>
    tpu.enqueue_indirect_dma source(%dma_start3A_217 : memref<1000000x64xf32, #tpu.memory_space<hbm>>) target(%dma_start3A_211 : memref<128x64xf32, #tpu.memory_space<vmem>>) offsets(%dma_start3A_214 : memref<128xi32, #tpu.memory_space<vmem>>) semaphore(%dma_start3A_219 : memref<!tpu.dma_semaphore, #tpu.memory_space<semaphore_mem>>)
    %dma_wait3A_220 = arith.constant 3 : i32
    %dma_wait3A_221 = arith.constant 3 : i32
    %dma_wait3A_222 = arith.constant 3 : i32
    %dma_wait3A_223 = arith.constant 0 : i32
    %dma_wait3A_224 = arith.constant 0 : i32
    %dma_wait3A_225 = tpu.memref_slice %arg6[%dma_wait3A_221, %dma_wait3A_223, %dma_wait3A_224] : memref<4x128x64xf32, #tpu.memory_space<vmem>> -> memref<1x128x64xf32, #tpu.memory_space<vmem>>
    %dma_wait3A_226 = tpu.memref_squeeze %dma_wait3A_225 : memref<1x128x64xf32, #tpu.memory_space<vmem>> -> memref<128x64xf32, #tpu.memory_space<vmem>>
    %dma_wait3A_227 = arith.constant 0 : i32
    %dma_wait3A_228 = tpu.memref_slice %arg5[%dma_wait3A_220, %dma_wait3A_227] : memref<200x128xi32, #tpu.memory_space<vmem>> -> memref<1x128xi32, #tpu.memory_space<vmem>>
    %dma_wait3A_229 = tpu.memref_squeeze %dma_wait3A_228 : memref<1x128xi32, #tpu.memory_space<vmem>> -> memref<128xi32, #tpu.memory_space<vmem>>
    %dma_wait3A_230 = arith.constant 0 : i32
    %dma_wait3A_231 = arith.constant 0 : i32
    %dma_wait3A_232 = tpu.memref_slice %arg3[%dma_wait3A_230, %dma_wait3A_231] : memref<1000000x64xf32, #tpu.memory_space<hbm>> -> memref<1000000x64xf32, #tpu.memory_space<hbm>>
    %dma_wait3A_233 = tpu.memref_slice %arg8[%dma_wait3A_222] : memref<4x!tpu.dma_semaphore, #tpu.memory_space<semaphore_mem>> -> memref<1x!tpu.dma_semaphore, #tpu.memory_space<semaphore_mem>>
    %dma_wait3A_234 = tpu.memref_squeeze %dma_wait3A_233 : memref<1x!tpu.dma_semaphore, #tpu.memory_space<semaphore_mem>> -> memref<!tpu.dma_semaphore, #tpu.memory_space<semaphore_mem>>
    tpu.wait_indirect_dma semaphore(%dma_wait3A_234 : memref<!tpu.dma_semaphore, #tpu.memory_space<semaphore_mem>>) src(%dma_wait3A_232 : memref<1000000x64xf32, #tpu.memory_space<hbm>>) dst(%dma_wait3A_226 : memref<128x64xf32, #tpu.memory_space<vmem>>)
    %parallel_loop3A_235 = arith.constant 0 : i32
    %parallel_loop3A_236 = arith.constant 128 : i32
    %parallel_loop3A_237 = arith.constant 1 : i32
    scf.for %parallel_loop3A_603 = %parallel_loop3A_235 to %parallel_loop3A_236 step %parallel_loop3A_237  : i32 {
      %parallel_loop3A_604 = arith.constant 3 : i32
      %parallel_loop3A_605 = arith.index_cast %parallel_loop3A_604 : i32 to index
      %parallel_loop3A_606 = arith.index_cast %parallel_loop3A_603 : i32 to index
      %parallel_loop3A_607 = arith.constant 0 : index
      %parallel_loop3A_608 = tpu.vector_load %arg6[%parallel_loop3A_605, %parallel_loop3A_606, %parallel_loop3A_607] {strides = array<i32>} : memref<4x128x64xf32, #tpu.memory_space<vmem>>, vector<16xf32>,
      %parallel_loop3A_609 = arith.constant 8.000000e+00 : f32
      %parallel_loop3A_610 = vector.broadcast %parallel_loop3A_609 : f32 to vector<16xf32>
      %parallel_loop3A_611 = arith.mulf %parallel_loop3A_608, %parallel_loop3A_610 : vector<16xf32>
      %parallel_loop3A_612 = arith.constant 3 : i32
      %parallel_loop3A_613 = arith.index_cast %parallel_loop3A_612 : i32 to index
      %parallel_loop3A_614 = arith.index_cast %parallel_loop3A_603 : i32 to index
      %parallel_loop3A_615 = arith.constant 0 : index
      %parallel_loop3A_616 = tpu.vector_load %arg7[%parallel_loop3A_613, %parallel_loop3A_614, %parallel_loop3A_615] {strides = array<i32>} : memref<4x128x64xf32, #tpu.memory_space<vmem>>, vector<16xf32>,
      tpu.vector_store %arg7[%parallel_loop3A_613, %parallel_loop3A_614, %parallel_loop3A_615], %parallel_loop3A_611 {strides = array<i32>} : memref<4x128x64xf32, #tpu.memory_space<vmem>>, vector<16xf32>,
      %parallel_loop3A_617 = arith.constant 3 : i32
      %parallel_loop3A_618 = arith.index_cast %parallel_loop3A_617 : i32 to index
      %parallel_loop3A_619 = arith.index_cast %parallel_loop3A_603 : i32 to index
      %parallel_loop3A_620 = arith.constant 16 : index
      %parallel_loop3A_621 = tpu.vector_load %arg6[%parallel_loop3A_618, %parallel_loop3A_619, %parallel_loop3A_620] {strides = array<i32>} : memref<4x128x64xf32, #tpu.memory_space<vmem>>, vector<16xf32>,
      %parallel_loop3A_622 = arith.constant 8.000000e+00 : f32
      %parallel_loop3A_623 = vector.broadcast %parallel_loop3A_622 : f32 to vector<16xf32>
      %parallel_loop3A_624 = arith.mulf %parallel_loop3A_621, %parallel_loop3A_623 : vector<16xf32>
      %parallel_loop3A_625 = arith.constant 3 : i32
      %parallel_loop3A_626 = arith.index_cast %parallel_loop3A_625 : i32 to index
      %parallel_loop3A_627 = arith.index_cast %parallel_loop3A_603 : i32 to index
      %parallel_loop3A_628 = arith.constant 16 : index
      %parallel_loop3A_629 = tpu.vector_load %arg7[%parallel_loop3A_626, %parallel_loop3A_627, %parallel_loop3A_628] {strides = array<i32>} : memref<4x128x64xf32, #tpu.memory_space<vmem>>, vector<16xf32>,
      tpu.vector_store %arg7[%parallel_loop3A_626, %parallel_loop3A_627, %parallel_loop3A_628], %parallel_loop3A_624 {strides = array<i32>} : memref<4x128x64xf32, #tpu.memory_space<vmem>>, vector<16xf32>,
      %parallel_loop3A_630 = arith.constant 3 : i32
      %parallel_loop3A_631 = arith.index_cast %parallel_loop3A_630 : i32 to index
      %parallel_loop3A_632 = arith.index_cast %parallel_loop3A_603 : i32 to index
      %parallel_loop3A_633 = arith.constant 32 : index
      %parallel_loop3A_634 = tpu.vector_load %arg6[%parallel_loop3A_631, %parallel_loop3A_632, %parallel_loop3A_633] {strides = array<i32>} : memref<4x128x64xf32, #tpu.memory_space<vmem>>, vector<16xf32>,
      %parallel_loop3A_635 = arith.constant 8.000000e+00 : f32
      %parallel_loop3A_636 = vector.broadcast %parallel_loop3A_635 : f32 to vector<16xf32>
      %parallel_loop3A_637 = arith.mulf %parallel_loop3A_634, %parallel_loop3A_636 : vector<16xf32>
      %parallel_loop3A_638 = arith.constant 3 : i32
      %parallel_loop3A_639 = arith.index_cast %parallel_loop3A_638 : i32 to index
      %parallel_loop3A_640 = arith.index_cast %parallel_loop3A_603 : i32 to index
      %parallel_loop3A_641 = arith.constant 32 : index
      %parallel_loop3A_642 = tpu.vector_load %arg7[%parallel_loop3A_639, %parallel_loop3A_640, %parallel_loop3A_641] {strides = array<i32>} : memref<4x128x64xf32, #tpu.memory_space<vmem>>, vector<16xf32>,
      tpu.vector_store %arg7[%parallel_loop3A_639, %parallel_loop3A_640, %parallel_loop3A_641], %parallel_loop3A_637 {strides = array<i32>} : memref<4x128x64xf32, #tpu.memory_space<vmem>>, vector<16xf32>,
      %parallel_loop3A_643 = arith.constant 3 : i32
      %parallel_loop3A_644 = arith.index_cast %parallel_loop3A_643 : i32 to index
      %parallel_loop3A_645 = arith.index_cast %parallel_loop3A_603 : i32 to index
      %parallel_loop3A_646 = arith.constant 48 : index
      %parallel_loop3A_647 = tpu.vector_load %arg6[%parallel_loop3A_644, %parallel_loop3A_645, %parallel_loop3A_646] {strides = array<i32>} : memref<4x128x64xf32, #tpu.memory_space<vmem>>, vector<16xf32>,
      %parallel_loop3A_648 = arith.constant 8.000000e+00 : f32
      %parallel_loop3A_649 = vector.broadcast %parallel_loop3A_648 : f32 to vector<16xf32>
      %parallel_loop3A_650 = arith.mulf %parallel_loop3A_647, %parallel_loop3A_649 : vector<16xf32>
      %parallel_loop3A_651 = arith.constant 3 : i32
      %parallel_loop3A_652 = arith.index_cast %parallel_loop3A_651 : i32 to index
      %parallel_loop3A_653 = arith.index_cast %parallel_loop3A_603 : i32 to index
      %parallel_loop3A_654 = arith.constant 48 : index
      %parallel_loop3A_655 = tpu.vector_load %arg7[%parallel_loop3A_652, %parallel_loop3A_653, %parallel_loop3A_654] {strides = array<i32>} : memref<4x128x64xf32, #tpu.memory_space<vmem>>, vector<16xf32>,
      tpu.vector_store %arg7[%parallel_loop3A_652, %parallel_loop3A_653, %parallel_loop3A_654], %parallel_loop3A_650 {strides = array<i32>} : memref<4x128x64xf32, #tpu.memory_space<vmem>>, vector<16xf32>,
    } {sc.loop_unroll_factor = 4 : i64, sc.parallel_access}
    %dma_start3A_238 = arith.constant 3 : i32
    %dma_start3A_239 = arith.constant 3 : i32
    %dma_start3A_240 = arith.constant 3 : i32
    %dma_start3A_241 = arith.constant 0 : i32
    %dma_start3A_242 = arith.constant 0 : i32
    %dma_start3A_243 = tpu.memref_slice %arg7[%dma_start3A_238, %dma_start3A_241, %dma_start3A_242] : memref<4x128x64xf32, #tpu.memory_space<vmem>> -> memref<1x128x64xf32, #tpu.memory_space<vmem>>
    %dma_start3A_244 = tpu.memref_squeeze %dma_start3A_243 : memref<1x128x64xf32, #tpu.memory_space<vmem>> -> memref<128x64xf32, #tpu.memory_space<vmem>>
    %dma_start3A_245 = arith.constant 0 : i32
    %dma_start3A_246 = arith.constant 0 : i32
    %dma_start3A_247 = tpu.memref_slice %arg4[%add3A, %dma_start3A_239, %dma_start3A_245, %dma_start3A_246] : memref<32x200x128x64xf32, #tpu.memory_space<hbm>> -> memref<1x1x128x64xf32, #tpu.memory_space<hbm>>
    %dma_start3A_248 = tpu.memref_squeeze %dma_start3A_247 : memref<1x1x128x64xf32, #tpu.memory_space<hbm>> -> memref<128x64xf32, #tpu.memory_space<hbm>>
    %dma_start3A_249 = tpu.memref_slice %arg9[%dma_start3A_240] : memref<4x!tpu.dma_semaphore, #tpu.memory_space<semaphore_mem>> -> memref<1x!tpu.dma_semaphore, #tpu.memory_space<semaphore_mem>>
    %dma_start3A_250 = tpu.memref_squeeze %dma_start3A_249 : memref<1x!tpu.dma_semaphore, #tpu.memory_space<semaphore_mem>> -> memref<!tpu.dma_semaphore, #tpu.memory_space<semaphore_mem>>
    %dma_start3A_251 = arith.constant 0 : i32
    %dma_start3A_252 = arith.constant 0 : i32
    %dma_start3A_253 = tpu.memref_slice %arg4[%add3A, %dma_start3A_239, %dma_start3A_251, %dma_start3A_252] : memref<32x200x128x64xf32, #tpu.memory_space<hbm>> -> memref<1x1x128x64xf32, #tpu.memory_space<hbm>>
    %dma_start3A_254 = tpu.memref_squeeze %dma_start3A_253 : memref<1x1x128x64xf32, #tpu.memory_space<hbm>> -> memref<128x64xf32, #tpu.memory_space<hbm>>
    %dma_start3A_255 = arith.constant 0 : i32
    %dma_start3A_256 = arith.constant 0 : i32
    %dma_start3A_257 = tpu.memref_slice %arg7[%dma_start3A_238, %dma_start3A_255, %dma_start3A_256] : memref<4x128x64xf32, #tpu.memory_space<vmem>> -> memref<1x128x64xf32, #tpu.memory_space<vmem>>
    %dma_start3A_258 = tpu.memref_squeeze %dma_start3A_257 : memref<1x128x64xf32, #tpu.memory_space<vmem>> -> memref<128x64xf32, #tpu.memory_space<vmem>>
    tpu.enqueue_dma source(%dma_start3A_258 : memref<128x64xf32, #tpu.memory_space<vmem>>) target(%dma_start3A_254 : memref<128x64xf32, #tpu.memory_space<hbm>>) target_semaphore(%dma_start3A_250 : memref<!tpu.dma_semaphore, #tpu.memory_space<semaphore_mem>>)
    %dma_start3A_259 = arith.constant 7 : i32
    %dma_start3A_260 = arith.constant 3 : i32
    %dma_start3A_261 = arith.constant 3 : i32
    %dma_start3A_262 = arith.constant 0 : i32
    %dma_start3A_263 = arith.constant 0 : i32
    %dma_start3A_264 = tpu.memref_slice %arg6[%dma_start3A_260, %dma_start3A_262, %dma_start3A_263] : memref<4x128x64xf32, #tpu.memory_space<vmem>> -> memref<1x128x64xf32, #tpu.memory_space<vmem>>
    %dma_start3A_265 = tpu.memref_squeeze %dma_start3A_264 : memref<1x128x64xf32, #tpu.memory_space<vmem>> -> memref<128x64xf32, #tpu.memory_space<vmem>>
    %dma_start3A_266 = arith.constant 0 : i32
    %dma_start3A_267 = tpu.memref_slice %arg5[%dma_start3A_259, %dma_start3A_266] : memref<200x128xi32, #tpu.memory_space<vmem>> -> memref<1x128xi32, #tpu.memory_space<vmem>>
    %dma_start3A_268 = tpu.memref_squeeze %dma_start3A_267 : memref<1x128xi32, #tpu.memory_space<vmem>> -> memref<128xi32, #tpu.memory_space<vmem>>
    %dma_start3A_269 = arith.constant 0 : i32
    %dma_start3A_270 = arith.constant 0 : i32
    %dma_start3A_271 = tpu.memref_slice %arg3[%dma_start3A_269, %dma_start3A_270] : memref<1000000x64xf32, #tpu.memory_space<hbm>> -> memref<1000000x64xf32, #tpu.memory_space<hbm>>
    %dma_start3A_272 = tpu.memref_slice %arg8[%dma_start3A_261] : memref<4x!tpu.dma_semaphore, #tpu.memory_space<semaphore_mem>> -> memref<1x!tpu.dma_semaphore, #tpu.memory_space<semaphore_mem>>
    %dma_start3A_273 = tpu.memref_squeeze %dma_start3A_272 : memref<1x!tpu.dma_semaphore, #tpu.memory_space<semaphore_mem>> -> memref<!tpu.dma_semaphore, #tpu.memory_space<semaphore_mem>>
    tpu.enqueue_indirect_dma source(%dma_start3A_271 : memref<1000000x64xf32, #tpu.memory_space<hbm>>) target(%dma_start3A_265 : memref<128x64xf32, #tpu.memory_space<vmem>>) offsets(%dma_start3A_268 : memref<128xi32, #tpu.memory_space<vmem>>) semaphore(%dma_start3A_273 : memref<!tpu.dma_semaphore, #tpu.memory_space<semaphore_mem>>)
    %scan3A = arith.constant 0 : i32
    %scan3A_274 = arith.constant 1 : i32
    %scan3A_275 = arith.constant 48 : i32
    %scan3A_276 = arith.addi %scan3A_274, %scan3A_275 : i32
    %scan3A_277 = arith.constant 1 : i32
    scf.for %scan3A_603 = %scan3A_274 to %scan3A_276 step %scan3A_277  : i32 {
      %mul3A_604 = arith.constant 4 : i32
      %mul3A_605 = arith.muli %mul3A_604, %scan3A_603 : i32
      %add3A_606 = arith.constant 0 : i32
      %add3A_607 = arith.addi %mul3A_605, %add3A_606 : i32
      %dma_wait3A_608 = arith.constant 0 : i32
      %dma_wait3A_609 = arith.constant 0 : i32
      %dma_wait3A_610 = arith.constant 0 : i32
      %dma_wait3A_611 = arith.constant 0 : i32
      %dma_wait3A_612 = tpu.memref_slice %arg6[%dma_wait3A_608, %dma_wait3A_610, %dma_wait3A_611] : memref<4x128x64xf32, #tpu.memory_space<vmem>> -> memref<1x128x64xf32, #tpu.memory_space<vmem>>
      %dma_wait3A_613 = tpu.memref_squeeze %dma_wait3A_612 : memref<1x128x64xf32, #tpu.memory_space<vmem>> -> memref<128x64xf32, #tpu.memory_space<vmem>>
      %dma_wait3A_614 = arith.constant 0 : i32
      %dma_wait3A_615 = tpu.memref_slice %arg5[%add3A_607, %dma_wait3A_614] : memref<200x128xi32, #tpu.memory_space<vmem>> -> memref<1x128xi32, #tpu.memory_space<vmem>>
      %dma_wait3A_616 = tpu.memref_squeeze %dma_wait3A_615 : memref<1x128xi32, #tpu.memory_space<vmem>> -> memref<128xi32, #tpu.memory_space<vmem>>
      %dma_wait3A_617 = arith.constant 0 : i32
      %dma_wait3A_618 = arith.constant 0 : i32
      %dma_wait3A_619 = tpu.memref_slice %arg3[%dma_wait3A_617, %dma_wait3A_618] : memref<1000000x64xf32, #tpu.memory_space<hbm>> -> memref<1000000x64xf32, #tpu.memory_space<hbm>>
      %dma_wait3A_620 = tpu.memref_slice %arg8[%dma_wait3A_609] : memref<4x!tpu.dma_semaphore, #tpu.memory_space<semaphore_mem>> -> memref<1x!tpu.dma_semaphore, #tpu.memory_space<semaphore_mem>>
      %dma_wait3A_621 = tpu.memref_squeeze %dma_wait3A_620 : memref<1x!tpu.dma_semaphore, #tpu.memory_space<semaphore_mem>> -> memref<!tpu.dma_semaphore, #tpu.memory_space<semaphore_mem>>
      tpu.wait_indirect_dma semaphore(%dma_wait3A_621 : memref<!tpu.dma_semaphore, #tpu.memory_space<semaphore_mem>>) src(%dma_wait3A_619 : memref<1000000x64xf32, #tpu.memory_space<hbm>>) dst(%dma_wait3A_613 : memref<128x64xf32, #tpu.memory_space<vmem>>)
      %sub3A = arith.constant 4 : i32
      %sub3A_622 = arith.subi %add3A_607, %sub3A : i32
      %dma_wait3A_623 = arith.constant 0 : i32
      %dma_wait3A_624 = arith.constant 0 : i32
      %dma_wait3A_625 = arith.constant 0 : i32
      %dma_wait3A_626 = arith.constant 0 : i32
      %dma_wait3A_627 = tpu.memref_slice %arg7[%dma_wait3A_623, %dma_wait3A_625, %dma_wait3A_626] : memref<4x128x64xf32, #tpu.memory_space<vmem>> -> memref<1x128x64xf32, #tpu.memory_space<vmem>>
      %dma_wait3A_628 = tpu.memref_squeeze %dma_wait3A_627 : memref<1x128x64xf32, #tpu.memory_space<vmem>> -> memref<128x64xf32, #tpu.memory_space<vmem>>
      %dma_wait3A_629 = arith.constant 0 : i32
      %dma_wait3A_630 = arith.constant 0 : i32
      %dma_wait3A_631 = tpu.memref_slice %arg4[%add3A, %sub3A_622, %dma_wait3A_629, %dma_wait3A_630] : memref<32x200x128x64xf32, #tpu.memory_space<hbm>> -> memref<1x1x128x64xf32, #tpu.memory_space<hbm>>
      %dma_wait3A_632 = tpu.memref_squeeze %dma_wait3A_631 : memref<1x1x128x64xf32, #tpu.memory_space<hbm>> -> memref<128x64xf32, #tpu.memory_space<hbm>>
      %dma_wait3A_633 = tpu.memref_slice %arg9[%dma_wait3A_624] : memref<4x!tpu.dma_semaphore, #tpu.memory_space<semaphore_mem>> -> memref<1x!tpu.dma_semaphore, #tpu.memory_space<semaphore_mem>>
      %dma_wait3A_634 = tpu.memref_squeeze %dma_wait3A_633 : memref<1x!tpu.dma_semaphore, #tpu.memory_space<semaphore_mem>> -> memref<!tpu.dma_semaphore, #tpu.memory_space<semaphore_mem>>
      %dma_wait3A_635 = arith.constant 0 : i32
      %dma_wait3A_636 = arith.constant 0 : i32
      %dma_wait3A_637 = tpu.memref_slice %arg4[%add3A, %sub3A_622, %dma_wait3A_635, %dma_wait3A_636] : memref<32x200x128x64xf32, #tpu.memory_space<hbm>> -> memref<1x1x128x64xf32, #tpu.memory_space<hbm>>
      %dma_wait3A_638 = tpu.memref_squeeze %dma_wait3A_637 : memref<1x1x128x64xf32, #tpu.memory_space<hbm>> -> memref<128x64xf32, #tpu.memory_space<hbm>>
      %dma_wait3A_639 = arith.constant 0 : i32
      %dma_wait3A_640 = arith.constant 0 : i32
      %dma_wait3A_641 = tpu.memref_slice %arg7[%dma_wait3A_623, %dma_wait3A_639, %dma_wait3A_640] : memref<4x128x64xf32, #tpu.memory_space<vmem>> -> memref<1x128x64xf32, #tpu.memory_space<vmem>>
      %dma_wait3A_642 = tpu.memref_squeeze %dma_wait3A_641 : memref<1x128x64xf32, #tpu.memory_space<vmem>> -> memref<128x64xf32, #tpu.memory_space<vmem>>
      tpu.wait_dma2 semaphore(%dma_wait3A_634 : memref<!tpu.dma_semaphore, #tpu.memory_space<semaphore_mem>>) src(%dma_wait3A_642 : memref<128x64xf32, #tpu.memory_space<vmem>>) dst(%dma_wait3A_638 : memref<128x64xf32, #tpu.memory_space<hbm>>)
      %parallel_loop3A_643 = arith.constant 0 : i32
      %parallel_loop3A_644 = arith.constant 128 : i32
      %parallel_loop3A_645 = arith.constant 1 : i32
      scf.for %parallel_loop3A_919 = %parallel_loop3A_643 to %parallel_loop3A_644 step %parallel_loop3A_645  : i32 {
        %parallel_loop3A_920 = arith.constant 0 : i32
        %parallel_loop3A_921 = arith.index_cast %parallel_loop3A_920 : i32 to index
        %parallel_loop3A_922 = arith.index_cast %parallel_loop3A_919 : i32 to index
        %parallel_loop3A_923 = arith.constant 0 : index
        %parallel_loop3A_924 = tpu.vector_load %arg6[%parallel_loop3A_921, %parallel_loop3A_922, %parallel_loop3A_923] {strides = array<i32>} : memref<4x128x64xf32, #tpu.memory_space<vmem>>, vector<16xf32>,
        %parallel_loop3A_925 = arith.constant 8.000000e+00 : f32
        %parallel_loop3A_926 = vector.broadcast %parallel_loop3A_925 : f32 to vector<16xf32>
        %parallel_loop3A_927 = arith.mulf %parallel_loop3A_924, %parallel_loop3A_926 : vector<16xf32>
        %parallel_loop3A_928 = arith.constant 0 : i32
        %parallel_loop3A_929 = arith.index_cast %parallel_loop3A_928 : i32 to index
        %parallel_loop3A_930 = arith.index_cast %parallel_loop3A_919 : i32 to index
        %parallel_loop3A_931 = arith.constant 0 : index
        %parallel_loop3A_932 = tpu.vector_load %arg7[%parallel_loop3A_929, %parallel_loop3A_930, %parallel_loop3A_931] {strides = array<i32>} : memref<4x128x64xf32, #tpu.memory_space<vmem>>, vector<16xf32>,
        tpu.vector_store %arg7[%parallel_loop3A_929, %parallel_loop3A_930, %parallel_loop3A_931], %parallel_loop3A_927 {strides = array<i32>} : memref<4x128x64xf32, #tpu.memory_space<vmem>>, vector<16xf32>,
        %parallel_loop3A_933 = arith.constant 0 : i32
        %parallel_loop3A_934 = arith.index_cast %parallel_loop3A_933 : i32 to index
        %parallel_loop3A_935 = arith.index_cast %parallel_loop3A_919 : i32 to index
        %parallel_loop3A_936 = arith.constant 16 : index
        %parallel_loop3A_937 = tpu.vector_load %arg6[%parallel_loop3A_934, %parallel_loop3A_935, %parallel_loop3A_936] {strides = array<i32>} : memref<4x128x64xf32, #tpu.memory_space<vmem>>, vector<16xf32>,
        %parallel_loop3A_938 = arith.constant 8.000000e+00 : f32
        %parallel_loop3A_939 = vector.broadcast %parallel_loop3A_938 : f32 to vector<16xf32>
        %parallel_loop3A_940 = arith.mulf %parallel_loop3A_937, %parallel_loop3A_939 : vector<16xf32>
        %parallel_loop3A_941 = arith.constant 0 : i32
        %parallel_loop3A_942 = arith.index_cast %parallel_loop3A_941 : i32 to index
        %parallel_loop3A_943 = arith.index_cast %parallel_loop3A_919 : i32 to index
        %parallel_loop3A_944 = arith.constant 16 : index
        %parallel_loop3A_945 = tpu.vector_load %arg7[%parallel_loop3A_942, %parallel_loop3A_943, %parallel_loop3A_944] {strides = array<i32>} : memref<4x128x64xf32, #tpu.memory_space<vmem>>, vector<16xf32>,
        tpu.vector_store %arg7[%parallel_loop3A_942, %parallel_loop3A_943, %parallel_loop3A_944], %parallel_loop3A_940 {strides = array<i32>} : memref<4x128x64xf32, #tpu.memory_space<vmem>>, vector<16xf32>,
        %parallel_loop3A_946 = arith.constant 0 : i32
        %parallel_loop3A_947 = arith.index_cast %parallel_loop3A_946 : i32 to index
        %parallel_loop3A_948 = arith.index_cast %parallel_loop3A_919 : i32 to index
        %parallel_loop3A_949 = arith.constant 32 : index
        %parallel_loop3A_950 = tpu.vector_load %arg6[%parallel_loop3A_947, %parallel_loop3A_948, %parallel_loop3A_949] {strides = array<i32>} : memref<4x128x64xf32, #tpu.memory_space<vmem>>, vector<16xf32>,
        %parallel_loop3A_951 = arith.constant 8.000000e+00 : f32
        %parallel_loop3A_952 = vector.broadcast %parallel_loop3A_951 : f32 to vector<16xf32>
        %parallel_loop3A_953 = arith.mulf %parallel_loop3A_950, %parallel_loop3A_952 : vector<16xf32>
        %parallel_loop3A_954 = arith.constant 0 : i32
        %parallel_loop3A_955 = arith.index_cast %parallel_loop3A_954 : i32 to index
        %parallel_loop3A_956 = arith.index_cast %parallel_loop3A_919 : i32 to index
        %parallel_loop3A_957 = arith.constant 32 : index
        %parallel_loop3A_958 = tpu.vector_load %arg7[%parallel_loop3A_955, %parallel_loop3A_956, %parallel_loop3A_957] {strides = array<i32>} : memref<4x128x64xf32, #tpu.memory_space<vmem>>, vector<16xf32>,
        tpu.vector_store %arg7[%parallel_loop3A_955, %parallel_loop3A_956, %parallel_loop3A_957], %parallel_loop3A_953 {strides = array<i32>} : memref<4x128x64xf32, #tpu.memory_space<vmem>>, vector<16xf32>,
        %parallel_loop3A_959 = arith.constant 0 : i32
        %parallel_loop3A_960 = arith.index_cast %parallel_loop3A_959 : i32 to index
        %parallel_loop3A_961 = arith.index_cast %parallel_loop3A_919 : i32 to index
        %parallel_loop3A_962 = arith.constant 48 : index
        %parallel_loop3A_963 = tpu.vector_load %arg6[%parallel_loop3A_960, %parallel_loop3A_961, %parallel_loop3A_962] {strides = array<i32>} : memref<4x128x64xf32, #tpu.memory_space<vmem>>, vector<16xf32>,
        %parallel_loop3A_964 = arith.constant 8.000000e+00 : f32
        %parallel_loop3A_965 = vector.broadcast %parallel_loop3A_964 : f32 to vector<16xf32>
        %parallel_loop3A_966 = arith.mulf %parallel_loop3A_963, %parallel_loop3A_965 : vector<16xf32>
        %parallel_loop3A_967 = arith.constant 0 : i32
        %parallel_loop3A_968 = arith.index_cast %parallel_loop3A_967 : i32 to index
        %parallel_loop3A_969 = arith.index_cast %parallel_loop3A_919 : i32 to index
        %parallel_loop3A_970 = arith.constant 48 : index
        %parallel_loop3A_971 = tpu.vector_load %arg7[%parallel_loop3A_968, %parallel_loop3A_969, %parallel_loop3A_970] {strides = array<i32>} : memref<4x128x64xf32, #tpu.memory_space<vmem>>, vector<16xf32>,
        tpu.vector_store %arg7[%parallel_loop3A_968, %parallel_loop3A_969, %parallel_loop3A_970], %parallel_loop3A_966 {strides = array<i32>} : memref<4x128x64xf32, #tpu.memory_space<vmem>>, vector<16xf32>,
      } {sc.loop_unroll_factor = 4 : i64, sc.parallel_access}
      %dma_start3A_646 = arith.constant 0 : i32
      %dma_start3A_647 = arith.constant 0 : i32
      %dma_start3A_648 = arith.constant 0 : i32
      %dma_start3A_649 = arith.constant 0 : i32
      %dma_start3A_650 = tpu.memref_slice %arg7[%dma_start3A_646, %dma_start3A_648, %dma_start3A_649] : memref<4x128x64xf32, #tpu.memory_space<vmem>> -> memref<1x128x64xf32, #tpu.memory_space<vmem>>
      %dma_start3A_651 = tpu.memref_squeeze %dma_start3A_650 : memref<1x128x64xf32, #tpu.memory_space<vmem>> -> memref<128x64xf32, #tpu.memory_space<vmem>>
      %dma_start3A_652 = arith.constant 0 : i32
      %dma_start3A_653 = arith.constant 0 : i32
      %dma_start3A_654 = tpu.memref_slice %arg4[%add3A, %add3A_607, %dma_start3A_652, %dma_start3A_653] : memref<32x200x128x64xf32, #tpu.memory_space<hbm>> -> memref<1x1x128x64xf32, #tpu.memory_space<hbm>>
      %dma_start3A_655 = tpu.memref_squeeze %dma_start3A_654 : memref<1x1x128x64xf32, #tpu.memory_space<hbm>> -> memref<128x64xf32, #tpu.memory_space<hbm>>
      %dma_start3A_656 = tpu.memref_slice %arg9[%dma_start3A_647] : memref<4x!tpu.dma_semaphore, #tpu.memory_space<semaphore_mem>> -> memref<1x!tpu.dma_semaphore, #tpu.memory_space<semaphore_mem>>
      %dma_start3A_657 = tpu.memref_squeeze %dma_start3A_656 : memref<1x!tpu.dma_semaphore, #tpu.memory_space<semaphore_mem>> -> memref<!tpu.dma_semaphore, #tpu.memory_space<semaphore_mem>>
      %dma_start3A_658 = arith.constant 0 : i32
      %dma_start3A_659 = arith.constant 0 : i32
      %dma_start3A_660 = tpu.memref_slice %arg4[%add3A, %add3A_607, %dma_start3A_658, %dma_start3A_659] : memref<32x200x128x64xf32, #tpu.memory_space<hbm>> -> memref<1x1x128x64xf32, #tpu.memory_space<hbm>>
      %dma_start3A_661 = tpu.memref_squeeze %dma_start3A_660 : memref<1x1x128x64xf32, #tpu.memory_space<hbm>> -> memref<128x64xf32, #tpu.memory_space<hbm>>
      %dma_start3A_662 = arith.constant 0 : i32
      %dma_start3A_663 = arith.constant 0 : i32
      %dma_start3A_664 = tpu.memref_slice %arg7[%dma_start3A_646, %dma_start3A_662, %dma_start3A_663] : memref<4x128x64xf32, #tpu.memory_space<vmem>> -> memref<1x128x64xf32, #tpu.memory_space<vmem>>
      %dma_start3A_665 = tpu.memref_squeeze %dma_start3A_664 : memref<1x128x64xf32, #tpu.memory_space<vmem>> -> memref<128x64xf32, #tpu.memory_space<vmem>>
      tpu.enqueue_dma source(%dma_start3A_665 : memref<128x64xf32, #tpu.memory_space<vmem>>) target(%dma_start3A_661 : memref<128x64xf32, #tpu.memory_space<hbm>>) target_semaphore(%dma_start3A_657 : memref<!tpu.dma_semaphore, #tpu.memory_space<semaphore_mem>>)
      %add3A_666 = arith.constant 4 : i32
      %add3A_667 = arith.addi %add3A_607, %add3A_666 : i32
      %dma_start3A_668 = arith.constant 0 : i32
      %dma_start3A_669 = arith.constant 0 : i32
      %dma_start3A_670 = arith.constant 0 : i32
      %dma_start3A_671 = arith.constant 0 : i32
      %dma_start3A_672 = tpu.memref_slice %arg6[%dma_start3A_668, %dma_start3A_670, %dma_start3A_671] : memref<4x128x64xf32, #tpu.memory_space<vmem>> -> memref<1x128x64xf32, #tpu.memory_space<vmem>>
      %dma_start3A_673 = tpu.memref_squeeze %dma_start3A_672 : memref<1x128x64xf32, #tpu.memory_space<vmem>> -> memref<128x64xf32, #tpu.memory_space<vmem>>
      %dma_start3A_674 = arith.constant 0 : i32
      %dma_start3A_675 = tpu.memref_slice %arg5[%add3A_667, %dma_start3A_674] : memref<200x128xi32, #tpu.memory_space<vmem>> -> memref<1x128xi32, #tpu.memory_space<vmem>>
      %dma_start3A_676 = tpu.memref_squeeze %dma_start3A_675 : memref<1x128xi32, #tpu.memory_space<vmem>> -> memref<128xi32, #tpu.memory_space<vmem>>
      %dma_start3A_677 = arith.constant 0 : i32
      %dma_start3A_678 = arith.constant 0 : i32
      %dma_start3A_679 = tpu.memref_slice %arg3[%dma_start3A_677, %dma_start3A_678] : memref<1000000x64xf32, #tpu.memory_space<hbm>> -> memref<1000000x64xf32, #tpu.memory_space<hbm>>
      %dma_start3A_680 = tpu.memref_slice %arg8[%dma_start3A_669] : memref<4x!tpu.dma_semaphore, #tpu.memory_space<semaphore_mem>> -> memref<1x!tpu.dma_semaphore, #tpu.memory_space<semaphore_mem>>
      %dma_start3A_681 = tpu.memref_squeeze %dma_start3A_680 : memref<1x!tpu.dma_semaphore, #tpu.memory_space<semaphore_mem>> -> memref<!tpu.dma_semaphore, #tpu.memory_space<semaphore_mem>>
      tpu.enqueue_indirect_dma source(%dma_start3A_679 : memref<1000000x64xf32, #tpu.memory_space<hbm>>) target(%dma_start3A_673 : memref<128x64xf32, #tpu.memory_space<vmem>>) offsets(%dma_start3A_676 : memref<128xi32, #tpu.memory_space<vmem>>) semaphore(%dma_start3A_681 : memref<!tpu.dma_semaphore, #tpu.memory_space<semaphore_mem>>)
      %mul3A_682 = arith.constant 4 : i32
      %mul3A_683 = arith.muli %mul3A_682, %scan3A_603 : i32
      %add3A_684 = arith.constant 1 : i32
      %add3A_685 = arith.addi %mul3A_683, %add3A_684 : i32
      %dma_wait3A_686 = arith.constant 1 : i32
      %dma_wait3A_687 = arith.constant 1 : i32
      %dma_wait3A_688 = arith.constant 0 : i32
      %dma_wait3A_689 = arith.constant 0 : i32
      %dma_wait3A_690 = tpu.memref_slice %arg6[%dma_wait3A_686, %dma_wait3A_688, %dma_wait3A_689] : memref<4x128x64xf32, #tpu.memory_space<vmem>> -> memref<1x128x64xf32, #tpu.memory_space<vmem>>
      %dma_wait3A_691 = tpu.memref_squeeze %dma_wait3A_690 : memref<1x128x64xf32, #tpu.memory_space<vmem>> -> memref<128x64xf32, #tpu.memory_space<vmem>>
      %dma_wait3A_692 = arith.constant 0 : i32
      %dma_wait3A_693 = tpu.memref_slice %arg5[%add3A_685, %dma_wait3A_692] : memref<200x128xi32, #tpu.memory_space<vmem>> -> memref<1x128xi32, #tpu.memory_space<vmem>>
      %dma_wait3A_694 = tpu.memref_squeeze %dma_wait3A_693 : memref<1x128xi32, #tpu.memory_space<vmem>> -> memref<128xi32, #tpu.memory_space<vmem>>
      %dma_wait3A_695 = arith.constant 0 : i32
      %dma_wait3A_696 = arith.constant 0 : i32
      %dma_wait3A_697 = tpu.memref_slice %arg3[%dma_wait3A_695, %dma_wait3A_696] : memref<1000000x64xf32, #tpu.memory_space<hbm>> -> memref<1000000x64xf32, #tpu.memory_space<hbm>>
      %dma_wait3A_698 = tpu.memref_slice %arg8[%dma_wait3A_687] : memref<4x!tpu.dma_semaphore, #tpu.memory_space<semaphore_mem>> -> memref<1x!tpu.dma_semaphore, #tpu.memory_space<semaphore_mem>>
      %dma_wait3A_699 = tpu.memref_squeeze %dma_wait3A_698 : memref<1x!tpu.dma_semaphore, #tpu.memory_space<semaphore_mem>> -> memref<!tpu.dma_semaphore, #tpu.memory_space<semaphore_mem>>
      tpu.wait_indirect_dma semaphore(%dma_wait3A_699 : memref<!tpu.dma_semaphore, #tpu.memory_space<semaphore_mem>>) src(%dma_wait3A_697 : memref<1000000x64xf32, #tpu.memory_space<hbm>>) dst(%dma_wait3A_691 : memref<128x64xf32, #tpu.memory_space<vmem>>)
      %sub3A_700 = arith.constant 4 : i32
      %sub3A_701 = arith.subi %add3A_685, %sub3A_700 : i32
      %dma_wait3A_702 = arith.constant 1 : i32
      %dma_wait3A_703 = arith.constant 1 : i32
      %dma_wait3A_704 = arith.constant 0 : i32
      %dma_wait3A_705 = arith.constant 0 : i32
      %dma_wait3A_706 = tpu.memref_slice %arg7[%dma_wait3A_702, %dma_wait3A_704, %dma_wait3A_705] : memref<4x128x64xf32, #tpu.memory_space<vmem>> -> memref<1x128x64xf32, #tpu.memory_space<vmem>>
      %dma_wait3A_707 = tpu.memref_squeeze %dma_wait3A_706 : memref<1x128x64xf32, #tpu.memory_space<vmem>> -> memref<128x64xf32, #tpu.memory_space<vmem>>
      %dma_wait3A_708 = arith.constant 0 : i32
      %dma_wait3A_709 = arith.constant 0 : i32
      %dma_wait3A_710 = tpu.memref_slice %arg4[%add3A, %sub3A_701, %dma_wait3A_708, %dma_wait3A_709] : memref<32x200x128x64xf32, #tpu.memory_space<hbm>> -> memref<1x1x128x64xf32, #tpu.memory_space<hbm>>
      %dma_wait3A_711 = tpu.memref_squeeze %dma_wait3A_710 : memref<1x1x128x64xf32, #tpu.memory_space<hbm>> -> memref<128x64xf32, #tpu.memory_space<hbm>>
      %dma_wait3A_712 = tpu.memref_slice %arg9[%dma_wait3A_703] : memref<4x!tpu.dma_semaphore, #tpu.memory_space<semaphore_mem>> -> memref<1x!tpu.dma_semaphore, #tpu.memory_space<semaphore_mem>>
      %dma_wait3A_713 = tpu.memref_squeeze %dma_wait3A_712 : memref<1x!tpu.dma_semaphore, #tpu.memory_space<semaphore_mem>> -> memref<!tpu.dma_semaphore, #tpu.memory_space<semaphore_mem>>
      %dma_wait3A_714 = arith.constant 0 : i32
      %dma_wait3A_715 = arith.constant 0 : i32
      %dma_wait3A_716 = tpu.memref_slice %arg4[%add3A, %sub3A_701, %dma_wait3A_714, %dma_wait3A_715] : memref<32x200x128x64xf32, #tpu.memory_space<hbm>> -> memref<1x1x128x64xf32, #tpu.memory_space<hbm>>
      %dma_wait3A_717 = tpu.memref_squeeze %dma_wait3A_716 : memref<1x1x128x64xf32, #tpu.memory_space<hbm>> -> memref<128x64xf32, #tpu.memory_space<hbm>>
      %dma_wait3A_718 = arith.constant 0 : i32
      %dma_wait3A_719 = arith.constant 0 : i32
      %dma_wait3A_720 = tpu.memref_slice %arg7[%dma_wait3A_702, %dma_wait3A_718, %dma_wait3A_719] : memref<4x128x64xf32, #tpu.memory_space<vmem>> -> memref<1x128x64xf32, #tpu.memory_space<vmem>>
      %dma_wait3A_721 = tpu.memref_squeeze %dma_wait3A_720 : memref<1x128x64xf32, #tpu.memory_space<vmem>> -> memref<128x64xf32, #tpu.memory_space<vmem>>
      tpu.wait_dma2 semaphore(%dma_wait3A_713 : memref<!tpu.dma_semaphore, #tpu.memory_space<semaphore_mem>>) src(%dma_wait3A_721 : memref<128x64xf32, #tpu.memory_space<vmem>>) dst(%dma_wait3A_717 : memref<128x64xf32, #tpu.memory_space<hbm>>)
      %parallel_loop3A_722 = arith.constant 0 : i32
      %parallel_loop3A_723 = arith.constant 128 : i32
      %parallel_loop3A_724 = arith.constant 1 : i32
      scf.for %parallel_loop3A_919 = %parallel_loop3A_722 to %parallel_loop3A_723 step %parallel_loop3A_724  : i32 {
        %parallel_loop3A_920 = arith.constant 1 : i32
        %parallel_loop3A_921 = arith.index_cast %parallel_loop3A_920 : i32 to index
        %parallel_loop3A_922 = arith.index_cast %parallel_loop3A_919 : i32 to index
        %parallel_loop3A_923 = arith.constant 0 : index
        %parallel_loop3A_924 = tpu.vector_load %arg6[%parallel_loop3A_921, %parallel_loop3A_922, %parallel_loop3A_923] {strides = array<i32>} : memref<4x128x64xf32, #tpu.memory_space<vmem>>, vector<16xf32>,
        %parallel_loop3A_925 = arith.constant 8.000000e+00 : f32
        %parallel_loop3A_926 = vector.broadcast %parallel_loop3A_925 : f32 to vector<16xf32>
        %parallel_loop3A_927 = arith.mulf %parallel_loop3A_924, %parallel_loop3A_926 : vector<16xf32>
        %parallel_loop3A_928 = arith.constant 1 : i32
        %parallel_loop3A_929 = arith.index_cast %parallel_loop3A_928 : i32 to index
        %parallel_loop3A_930 = arith.index_cast %parallel_loop3A_919 : i32 to index
        %parallel_loop3A_931 = arith.constant 0 : index
        %parallel_loop3A_932 = tpu.vector_load %arg7[%parallel_loop3A_929, %parallel_loop3A_930, %parallel_loop3A_931] {strides = array<i32>} : memref<4x128x64xf32, #tpu.memory_space<vmem>>, vector<16xf32>,
        tpu.vector_store %arg7[%parallel_loop3A_929, %parallel_loop3A_930, %parallel_loop3A_931], %parallel_loop3A_927 {strides = array<i32>} : memref<4x128x64xf32, #tpu.memory_space<vmem>>, vector<16xf32>,
        %parallel_loop3A_933 = arith.constant 1 : i32
        %parallel_loop3A_934 = arith.index_cast %parallel_loop3A_933 : i32 to index
        %parallel_loop3A_935 = arith.index_cast %parallel_loop3A_919 : i32 to index
        %parallel_loop3A_936 = arith.constant 16 : index
        %parallel_loop3A_937 = tpu.vector_load %arg6[%parallel_loop3A_934, %parallel_loop3A_935, %parallel_loop3A_936] {strides = array<i32>} : memref<4x128x64xf32, #tpu.memory_space<vmem>>, vector<16xf32>,
        %parallel_loop3A_938 = arith.constant 8.000000e+00 : f32
        %parallel_loop3A_939 = vector.broadcast %parallel_loop3A_938 : f32 to vector<16xf32>
        %parallel_loop3A_940 = arith.mulf %parallel_loop3A_937, %parallel_loop3A_939 : vector<16xf32>
        %parallel_loop3A_941 = arith.constant 1 : i32
        %parallel_loop3A_942 = arith.index_cast %parallel_loop3A_941 : i32 to index
        %parallel_loop3A_943 = arith.index_cast %parallel_loop3A_919 : i32 to index
        %parallel_loop3A_944 = arith.constant 16 : index
        %parallel_loop3A_945 = tpu.vector_load %arg7[%parallel_loop3A_942, %parallel_loop3A_943, %parallel_loop3A_944] {strides = array<i32>} : memref<4x128x64xf32, #tpu.memory_space<vmem>>, vector<16xf32>,
        tpu.vector_store %arg7[%parallel_loop3A_942, %parallel_loop3A_943, %parallel_loop3A_944], %parallel_loop3A_940 {strides = array<i32>} : memref<4x128x64xf32, #tpu.memory_space<vmem>>, vector<16xf32>,
        %parallel_loop3A_946 = arith.constant 1 : i32
        %parallel_loop3A_947 = arith.index_cast %parallel_loop3A_946 : i32 to index
        %parallel_loop3A_948 = arith.index_cast %parallel_loop3A_919 : i32 to index
        %parallel_loop3A_949 = arith.constant 32 : index
        %parallel_loop3A_950 = tpu.vector_load %arg6[%parallel_loop3A_947, %parallel_loop3A_948, %parallel_loop3A_949] {strides = array<i32>} : memref<4x128x64xf32, #tpu.memory_space<vmem>>, vector<16xf32>,
        %parallel_loop3A_951 = arith.constant 8.000000e+00 : f32
        %parallel_loop3A_952 = vector.broadcast %parallel_loop3A_951 : f32 to vector<16xf32>
        %parallel_loop3A_953 = arith.mulf %parallel_loop3A_950, %parallel_loop3A_952 : vector<16xf32>
        %parallel_loop3A_954 = arith.constant 1 : i32
        %parallel_loop3A_955 = arith.index_cast %parallel_loop3A_954 : i32 to index
        %parallel_loop3A_956 = arith.index_cast %parallel_loop3A_919 : i32 to index
        %parallel_loop3A_957 = arith.constant 32 : index
        %parallel_loop3A_958 = tpu.vector_load %arg7[%parallel_loop3A_955, %parallel_loop3A_956, %parallel_loop3A_957] {strides = array<i32>} : memref<4x128x64xf32, #tpu.memory_space<vmem>>, vector<16xf32>,
        tpu.vector_store %arg7[%parallel_loop3A_955, %parallel_loop3A_956, %parallel_loop3A_957], %parallel_loop3A_953 {strides = array<i32>} : memref<4x128x64xf32, #tpu.memory_space<vmem>>, vector<16xf32>,
        %parallel_loop3A_959 = arith.constant 1 : i32
        %parallel_loop3A_960 = arith.index_cast %parallel_loop3A_959 : i32 to index
        %parallel_loop3A_961 = arith.index_cast %parallel_loop3A_919 : i32 to index
        %parallel_loop3A_962 = arith.constant 48 : index
        %parallel_loop3A_963 = tpu.vector_load %arg6[%parallel_loop3A_960, %parallel_loop3A_961, %parallel_loop3A_962] {strides = array<i32>} : memref<4x128x64xf32, #tpu.memory_space<vmem>>, vector<16xf32>,
        %parallel_loop3A_964 = arith.constant 8.000000e+00 : f32
        %parallel_loop3A_965 = vector.broadcast %parallel_loop3A_964 : f32 to vector<16xf32>
        %parallel_loop3A_966 = arith.mulf %parallel_loop3A_963, %parallel_loop3A_965 : vector<16xf32>
        %parallel_loop3A_967 = arith.constant 1 : i32
        %parallel_loop3A_968 = arith.index_cast %parallel_loop3A_967 : i32 to index
        %parallel_loop3A_969 = arith.index_cast %parallel_loop3A_919 : i32 to index
        %parallel_loop3A_970 = arith.constant 48 : index
        %parallel_loop3A_971 = tpu.vector_load %arg7[%parallel_loop3A_968, %parallel_loop3A_969, %parallel_loop3A_970] {strides = array<i32>} : memref<4x128x64xf32, #tpu.memory_space<vmem>>, vector<16xf32>,
        tpu.vector_store %arg7[%parallel_loop3A_968, %parallel_loop3A_969, %parallel_loop3A_970], %parallel_loop3A_966 {strides = array<i32>} : memref<4x128x64xf32, #tpu.memory_space<vmem>>, vector<16xf32>,
      } {sc.loop_unroll_factor = 4 : i64, sc.parallel_access}
      %dma_start3A_725 = arith.constant 1 : i32
      %dma_start3A_726 = arith.constant 1 : i32
      %dma_start3A_727 = arith.constant 0 : i32
      %dma_start3A_728 = arith.constant 0 : i32
      %dma_start3A_729 = tpu.memref_slice %arg7[%dma_start3A_725, %dma_start3A_727, %dma_start3A_728] : memref<4x128x64xf32, #tpu.memory_space<vmem>> -> memref<1x128x64xf32, #tpu.memory_space<vmem>>
      %dma_start3A_730 = tpu.memref_squeeze %dma_start3A_729 : memref<1x128x64xf32, #tpu.memory_space<vmem>> -> memref<128x64xf32, #tpu.memory_space<vmem>>
      %dma_start3A_731 = arith.constant 0 : i32
      %dma_start3A_732 = arith.constant 0 : i32
      %dma_start3A_733 = tpu.memref_slice %arg4[%add3A, %add3A_685, %dma_start3A_731, %dma_start3A_732] : memref<32x200x128x64xf32, #tpu.memory_space<hbm>> -> memref<1x1x128x64xf32, #tpu.memory_space<hbm>>
      %dma_start3A_734 = tpu.memref_squeeze %dma_start3A_733 : memref<1x1x128x64xf32, #tpu.memory_space<hbm>> -> memref<128x64xf32, #tpu.memory_space<hbm>>
      %dma_start3A_735 = tpu.memref_slice %arg9[%dma_start3A_726] : memref<4x!tpu.dma_semaphore, #tpu.memory_space<semaphore_mem>> -> memref<1x!tpu.dma_semaphore, #tpu.memory_space<semaphore_mem>>
      %dma_start3A_736 = tpu.memref_squeeze %dma_start3A_735 : memref<1x!tpu.dma_semaphore, #tpu.memory_space<semaphore_mem>> -> memref<!tpu.dma_semaphore, #tpu.memory_space<semaphore_mem>>
      %dma_start3A_737 = arith.constant 0 : i32
      %dma_start3A_738 = arith.constant 0 : i32
      %dma_start3A_739 = tpu.memref_slice %arg4[%add3A, %add3A_685, %dma_start3A_737, %dma_start3A_738] : memref<32x200x128x64xf32, #tpu.memory_space<hbm>> -> memref<1x1x128x64xf32, #tpu.memory_space<hbm>>
      %dma_start3A_740 = tpu.memref_squeeze %dma_start3A_739 : memref<1x1x128x64xf32, #tpu.memory_space<hbm>> -> memref<128x64xf32, #tpu.memory_space<hbm>>
      %dma_start3A_741 = arith.constant 0 : i32
      %dma_start3A_742 = arith.constant 0 : i32
      %dma_start3A_743 = tpu.memref_slice %arg7[%dma_start3A_725, %dma_start3A_741, %dma_start3A_742] : memref<4x128x64xf32, #tpu.memory_space<vmem>> -> memref<1x128x64xf32, #tpu.memory_space<vmem>>
      %dma_start3A_744 = tpu.memref_squeeze %dma_start3A_743 : memref<1x128x64xf32, #tpu.memory_space<vmem>> -> memref<128x64xf32, #tpu.memory_space<vmem>>
      tpu.enqueue_dma source(%dma_start3A_744 : memref<128x64xf32, #tpu.memory_space<vmem>>) target(%dma_start3A_740 : memref<128x64xf32, #tpu.memory_space<hbm>>) target_semaphore(%dma_start3A_736 : memref<!tpu.dma_semaphore, #tpu.memory_space<semaphore_mem>>)
      %add3A_745 = arith.constant 4 : i32
      %add3A_746 = arith.addi %add3A_685, %add3A_745 : i32
      %dma_start3A_747 = arith.constant 1 : i32
      %dma_start3A_748 = arith.constant 1 : i32
      %dma_start3A_749 = arith.constant 0 : i32
      %dma_start3A_750 = arith.constant 0 : i32
      %dma_start3A_751 = tpu.memref_slice %arg6[%dma_start3A_747, %dma_start3A_749, %dma_start3A_750] : memref<4x128x64xf32, #tpu.memory_space<vmem>> -> memref<1x128x64xf32, #tpu.memory_space<vmem>>
      %dma_start3A_752 = tpu.memref_squeeze %dma_start3A_751 : memref<1x128x64xf32, #tpu.memory_space<vmem>> -> memref<128x64xf32, #tpu.memory_space<vmem>>
      %dma_start3A_753 = arith.constant 0 : i32
      %dma_start3A_754 = tpu.memref_slice %arg5[%add3A_746, %dma_start3A_753] : memref<200x128xi32, #tpu.memory_space<vmem>> -> memref<1x128xi32, #tpu.memory_space<vmem>>
      %dma_start3A_755 = tpu.memref_squeeze %dma_start3A_754 : memref<1x128xi32, #tpu.memory_space<vmem>> -> memref<128xi32, #tpu.memory_space<vmem>>
      %dma_start3A_756 = arith.constant 0 : i32
      %dma_start3A_757 = arith.constant 0 : i32
      %dma_start3A_758 = tpu.memref_slice %arg3[%dma_start3A_756, %dma_start3A_757] : memref<1000000x64xf32, #tpu.memory_space<hbm>> -> memref<1000000x64xf32, #tpu.memory_space<hbm>>
      %dma_start3A_759 = tpu.memref_slice %arg8[%dma_start3A_748] : memref<4x!tpu.dma_semaphore, #tpu.memory_space<semaphore_mem>> -> memref<1x!tpu.dma_semaphore, #tpu.memory_space<semaphore_mem>>
      %dma_start3A_760 = tpu.memref_squeeze %dma_start3A_759 : memref<1x!tpu.dma_semaphore, #tpu.memory_space<semaphore_mem>> -> memref<!tpu.dma_semaphore, #tpu.memory_space<semaphore_mem>>
      tpu.enqueue_indirect_dma source(%dma_start3A_758 : memref<1000000x64xf32, #tpu.memory_space<hbm>>) target(%dma_start3A_752 : memref<128x64xf32, #tpu.memory_space<vmem>>) offsets(%dma_start3A_755 : memref<128xi32, #tpu.memory_space<vmem>>) semaphore(%dma_start3A_760 : memref<!tpu.dma_semaphore, #tpu.memory_space<semaphore_mem>>)
      %mul3A_761 = arith.constant 4 : i32
      %mul3A_762 = arith.muli %mul3A_761, %scan3A_603 : i32
      %add3A_763 = arith.constant 2 : i32
      %add3A_764 = arith.addi %mul3A_762, %add3A_763 : i32
      %dma_wait3A_765 = arith.constant 2 : i32
      %dma_wait3A_766 = arith.constant 2 : i32
      %dma_wait3A_767 = arith.constant 0 : i32
      %dma_wait3A_768 = arith.constant 0 : i32
      %dma_wait3A_769 = tpu.memref_slice %arg6[%dma_wait3A_765, %dma_wait3A_767, %dma_wait3A_768] : memref<4x128x64xf32, #tpu.memory_space<vmem>> -> memref<1x128x64xf32, #tpu.memory_space<vmem>>
      %dma_wait3A_770 = tpu.memref_squeeze %dma_wait3A_769 : memref<1x128x64xf32, #tpu.memory_space<vmem>> -> memref<128x64xf32, #tpu.memory_space<vmem>>
      %dma_wait3A_771 = arith.constant 0 : i32
      %dma_wait3A_772 = tpu.memref_slice %arg5[%add3A_764, %dma_wait3A_771] : memref<200x128xi32, #tpu.memory_space<vmem>> -> memref<1x128xi32, #tpu.memory_space<vmem>>
      %dma_wait3A_773 = tpu.memref_squeeze %dma_wait3A_772 : memref<1x128xi32, #tpu.memory_space<vmem>> -> memref<128xi32, #tpu.memory_space<vmem>>
      %dma_wait3A_774 = arith.constant 0 : i32
      %dma_wait3A_775 = arith.constant 0 : i32
      %dma_wait3A_776 = tpu.memref_slice %arg3[%dma_wait3A_774, %dma_wait3A_775] : memref<1000000x64xf32, #tpu.memory_space<hbm>> -> memref<1000000x64xf32, #tpu.memory_space<hbm>>
      %dma_wait3A_777 = tpu.memref_slice %arg8[%dma_wait3A_766] : memref<4x!tpu.dma_semaphore, #tpu.memory_space<semaphore_mem>> -> memref<1x!tpu.dma_semaphore, #tpu.memory_space<semaphore_mem>>
      %dma_wait3A_778 = tpu.memref_squeeze %dma_wait3A_777 : memref<1x!tpu.dma_semaphore, #tpu.memory_space<semaphore_mem>> -> memref<!tpu.dma_semaphore, #tpu.memory_space<semaphore_mem>>
      tpu.wait_indirect_dma semaphore(%dma_wait3A_778 : memref<!tpu.dma_semaphore, #tpu.memory_space<semaphore_mem>>) src(%dma_wait3A_776 : memref<1000000x64xf32, #tpu.memory_space<hbm>>) dst(%dma_wait3A_770 : memref<128x64xf32, #tpu.memory_space<vmem>>)
      %sub3A_779 = arith.constant 4 : i32
      %sub3A_780 = arith.subi %add3A_764, %sub3A_779 : i32
      %dma_wait3A_781 = arith.constant 2 : i32
      %dma_wait3A_782 = arith.constant 2 : i32
      %dma_wait3A_783 = arith.constant 0 : i32
      %dma_wait3A_784 = arith.constant 0 : i32
      %dma_wait3A_785 = tpu.memref_slice %arg7[%dma_wait3A_781, %dma_wait3A_783, %dma_wait3A_784] : memref<4x128x64xf32, #tpu.memory_space<vmem>> -> memref<1x128x64xf32, #tpu.memory_space<vmem>>
      %dma_wait3A_786 = tpu.memref_squeeze %dma_wait3A_785 : memref<1x128x64xf32, #tpu.memory_space<vmem>> -> memref<128x64xf32, #tpu.memory_space<vmem>>
      %dma_wait3A_787 = arith.constant 0 : i32
      %dma_wait3A_788 = arith.constant 0 : i32
      %dma_wait3A_789 = tpu.memref_slice %arg4[%add3A, %sub3A_780, %dma_wait3A_787, %dma_wait3A_788] : memref<32x200x128x64xf32, #tpu.memory_space<hbm>> -> memref<1x1x128x64xf32, #tpu.memory_space<hbm>>
      %dma_wait3A_790 = tpu.memref_squeeze %dma_wait3A_789 : memref<1x1x128x64xf32, #tpu.memory_space<hbm>> -> memref<128x64xf32, #tpu.memory_space<hbm>>
      %dma_wait3A_791 = tpu.memref_slice %arg9[%dma_wait3A_782] : memref<4x!tpu.dma_semaphore, #tpu.memory_space<semaphore_mem>> -> memref<1x!tpu.dma_semaphore, #tpu.memory_space<semaphore_mem>>
      %dma_wait3A_792 = tpu.memref_squeeze %dma_wait3A_791 : memref<1x!tpu.dma_semaphore, #tpu.memory_space<semaphore_mem>> -> memref<!tpu.dma_semaphore, #tpu.memory_space<semaphore_mem>>
      %dma_wait3A_793 = arith.constant 0 : i32
      %dma_wait3A_794 = arith.constant 0 : i32
      %dma_wait3A_795 = tpu.memref_slice %arg4[%add3A, %sub3A_780, %dma_wait3A_793, %dma_wait3A_794] : memref<32x200x128x64xf32, #tpu.memory_space<hbm>> -> memref<1x1x128x64xf32, #tpu.memory_space<hbm>>
      %dma_wait3A_796 = tpu.memref_squeeze %dma_wait3A_795 : memref<1x1x128x64xf32, #tpu.memory_space<hbm>> -> memref<128x64xf32, #tpu.memory_space<hbm>>
      %dma_wait3A_797 = arith.constant 0 : i32
      %dma_wait3A_798 = arith.constant 0 : i32
      %dma_wait3A_799 = tpu.memref_slice %arg7[%dma_wait3A_781, %dma_wait3A_797, %dma_wait3A_798] : memref<4x128x64xf32, #tpu.memory_space<vmem>> -> memref<1x128x64xf32, #tpu.memory_space<vmem>>
      %dma_wait3A_800 = tpu.memref_squeeze %dma_wait3A_799 : memref<1x128x64xf32, #tpu.memory_space<vmem>> -> memref<128x64xf32, #tpu.memory_space<vmem>>
      tpu.wait_dma2 semaphore(%dma_wait3A_792 : memref<!tpu.dma_semaphore, #tpu.memory_space<semaphore_mem>>) src(%dma_wait3A_800 : memref<128x64xf32, #tpu.memory_space<vmem>>) dst(%dma_wait3A_796 : memref<128x64xf32, #tpu.memory_space<hbm>>)
      %parallel_loop3A_801 = arith.constant 0 : i32
      %parallel_loop3A_802 = arith.constant 128 : i32
      %parallel_loop3A_803 = arith.constant 1 : i32
      scf.for %parallel_loop3A_919 = %parallel_loop3A_801 to %parallel_loop3A_802 step %parallel_loop3A_803  : i32 {
        %parallel_loop3A_920 = arith.constant 2 : i32
        %parallel_loop3A_921 = arith.index_cast %parallel_loop3A_920 : i32 to index
        %parallel_loop3A_922 = arith.index_cast %parallel_loop3A_919 : i32 to index
        %parallel_loop3A_923 = arith.constant 0 : index
        %parallel_loop3A_924 = tpu.vector_load %arg6[%parallel_loop3A_921, %parallel_loop3A_922, %parallel_loop3A_923] {strides = array<i32>} : memref<4x128x64xf32, #tpu.memory_space<vmem>>, vector<16xf32>,
        %parallel_loop3A_925 = arith.constant 8.000000e+00 : f32
        %parallel_loop3A_926 = vector.broadcast %parallel_loop3A_925 : f32 to vector<16xf32>
        %parallel_loop3A_927 = arith.mulf %parallel_loop3A_924, %parallel_loop3A_926 : vector<16xf32>
        %parallel_loop3A_928 = arith.constant 2 : i32
        %parallel_loop3A_929 = arith.index_cast %parallel_loop3A_928 : i32 to index
        %parallel_loop3A_930 = arith.index_cast %parallel_loop3A_919 : i32 to index
        %parallel_loop3A_931 = arith.constant 0 : index
        %parallel_loop3A_932 = tpu.vector_load %arg7[%parallel_loop3A_929, %parallel_loop3A_930, %parallel_loop3A_931] {strides = array<i32>} : memref<4x128x64xf32, #tpu.memory_space<vmem>>, vector<16xf32>,
        tpu.vector_store %arg7[%parallel_loop3A_929, %parallel_loop3A_930, %parallel_loop3A_931], %parallel_loop3A_927 {strides = array<i32>} : memref<4x128x64xf32, #tpu.memory_space<vmem>>, vector<16xf32>,
        %parallel_loop3A_933 = arith.constant 2 : i32
        %parallel_loop3A_934 = arith.index_cast %parallel_loop3A_933 : i32 to index
        %parallel_loop3A_935 = arith.index_cast %parallel_loop3A_919 : i32 to index
        %parallel_loop3A_936 = arith.constant 16 : index
        %parallel_loop3A_937 = tpu.vector_load %arg6[%parallel_loop3A_934, %parallel_loop3A_935, %parallel_loop3A_936] {strides = array<i32>} : memref<4x128x64xf32, #tpu.memory_space<vmem>>, vector<16xf32>,
        %parallel_loop3A_938 = arith.constant 8.000000e+00 : f32
        %parallel_loop3A_939 = vector.broadcast %parallel_loop3A_938 : f32 to vector<16xf32>
        %parallel_loop3A_940 = arith.mulf %parallel_loop3A_937, %parallel_loop3A_939 : vector<16xf32>
        %parallel_loop3A_941 = arith.constant 2 : i32
        %parallel_loop3A_942 = arith.index_cast %parallel_loop3A_941 : i32 to index
        %parallel_loop3A_943 = arith.index_cast %parallel_loop3A_919 : i32 to index
        %parallel_loop3A_944 = arith.constant 16 : index
        %parallel_loop3A_945 = tpu.vector_load %arg7[%parallel_loop3A_942, %parallel_loop3A_943, %parallel_loop3A_944] {strides = array<i32>} : memref<4x128x64xf32, #tpu.memory_space<vmem>>, vector<16xf32>,
        tpu.vector_store %arg7[%parallel_loop3A_942, %parallel_loop3A_943, %parallel_loop3A_944], %parallel_loop3A_940 {strides = array<i32>} : memref<4x128x64xf32, #tpu.memory_space<vmem>>, vector<16xf32>,
        %parallel_loop3A_946 = arith.constant 2 : i32
        %parallel_loop3A_947 = arith.index_cast %parallel_loop3A_946 : i32 to index
        %parallel_loop3A_948 = arith.index_cast %parallel_loop3A_919 : i32 to index
        %parallel_loop3A_949 = arith.constant 32 : index
        %parallel_loop3A_950 = tpu.vector_load %arg6[%parallel_loop3A_947, %parallel_loop3A_948, %parallel_loop3A_949] {strides = array<i32>} : memref<4x128x64xf32, #tpu.memory_space<vmem>>, vector<16xf32>,
        %parallel_loop3A_951 = arith.constant 8.000000e+00 : f32
        %parallel_loop3A_952 = vector.broadcast %parallel_loop3A_951 : f32 to vector<16xf32>
        %parallel_loop3A_953 = arith.mulf %parallel_loop3A_950, %parallel_loop3A_952 : vector<16xf32>
        %parallel_loop3A_954 = arith.constant 2 : i32
        %parallel_loop3A_955 = arith.index_cast %parallel_loop3A_954 : i32 to index
        %parallel_loop3A_956 = arith.index_cast %parallel_loop3A_919 : i32 to index
        %parallel_loop3A_957 = arith.constant 32 : index
        %parallel_loop3A_958 = tpu.vector_load %arg7[%parallel_loop3A_955, %parallel_loop3A_956, %parallel_loop3A_957] {strides = array<i32>} : memref<4x128x64xf32, #tpu.memory_space<vmem>>, vector<16xf32>,
        tpu.vector_store %arg7[%parallel_loop3A_955, %parallel_loop3A_956, %parallel_loop3A_957], %parallel_loop3A_953 {strides = array<i32>} : memref<4x128x64xf32, #tpu.memory_space<vmem>>, vector<16xf32>,
        %parallel_loop3A_959 = arith.constant 2 : i32
        %parallel_loop3A_960 = arith.index_cast %parallel_loop3A_959 : i32 to index
        %parallel_loop3A_961 = arith.index_cast %parallel_loop3A_919 : i32 to index
        %parallel_loop3A_962 = arith.constant 48 : index
        %parallel_loop3A_963 = tpu.vector_load %arg6[%parallel_loop3A_960, %parallel_loop3A_961, %parallel_loop3A_962] {strides = array<i32>} : memref<4x128x64xf32, #tpu.memory_space<vmem>>, vector<16xf32>,
        %parallel_loop3A_964 = arith.constant 8.000000e+00 : f32
        %parallel_loop3A_965 = vector.broadcast %parallel_loop3A_964 : f32 to vector<16xf32>
        %parallel_loop3A_966 = arith.mulf %parallel_loop3A_963, %parallel_loop3A_965 : vector<16xf32>
        %parallel_loop3A_967 = arith.constant 2 : i32
        %parallel_loop3A_968 = arith.index_cast %parallel_loop3A_967 : i32 to index
        %parallel_loop3A_969 = arith.index_cast %parallel_loop3A_919 : i32 to index
        %parallel_loop3A_970 = arith.constant 48 : index
        %parallel_loop3A_971 = tpu.vector_load %arg7[%parallel_loop3A_968, %parallel_loop3A_969, %parallel_loop3A_970] {strides = array<i32>} : memref<4x128x64xf32, #tpu.memory_space<vmem>>, vector<16xf32>,
        tpu.vector_store %arg7[%parallel_loop3A_968, %parallel_loop3A_969, %parallel_loop3A_970], %parallel_loop3A_966 {strides = array<i32>} : memref<4x128x64xf32, #tpu.memory_space<vmem>>, vector<16xf32>,
      } {sc.loop_unroll_factor = 4 : i64, sc.parallel_access}
      %dma_start3A_804 = arith.constant 2 : i32
      %dma_start3A_805 = arith.constant 2 : i32
      %dma_start3A_806 = arith.constant 0 : i32
      %dma_start3A_807 = arith.constant 0 : i32
      %dma_start3A_808 = tpu.memref_slice %arg7[%dma_start3A_804, %dma_start3A_806, %dma_start3A_807] : memref<4x128x64xf32, #tpu.memory_space<vmem>> -> memref<1x128x64xf32, #tpu.memory_space<vmem>>
      %dma_start3A_809 = tpu.memref_squeeze %dma_start3A_808 : memref<1x128x64xf32, #tpu.memory_space<vmem>> -> memref<128x64xf32, #tpu.memory_space<vmem>>
      %dma_start3A_810 = arith.constant 0 : i32
      %dma_start3A_811 = arith.constant 0 : i32
      %dma_start3A_812 = tpu.memref_slice %arg4[%add3A, %add3A_764, %dma_start3A_810, %dma_start3A_811] : memref<32x200x128x64xf32, #tpu.memory_space<hbm>> -> memref<1x1x128x64xf32, #tpu.memory_space<hbm>>
      %dma_start3A_813 = tpu.memref_squeeze %dma_start3A_812 : memref<1x1x128x64xf32, #tpu.memory_space<hbm>> -> memref<128x64xf32, #tpu.memory_space<hbm>>
      %dma_start3A_814 = tpu.memref_slice %arg9[%dma_start3A_805] : memref<4x!tpu.dma_semaphore, #tpu.memory_space<semaphore_mem>> -> memref<1x!tpu.dma_semaphore, #tpu.memory_space<semaphore_mem>>
      %dma_start3A_815 = tpu.memref_squeeze %dma_start3A_814 : memref<1x!tpu.dma_semaphore, #tpu.memory_space<semaphore_mem>> -> memref<!tpu.dma_semaphore, #tpu.memory_space<semaphore_mem>>
      %dma_start3A_816 = arith.constant 0 : i32
      %dma_start3A_817 = arith.constant 0 : i32
      %dma_start3A_818 = tpu.memref_slice %arg4[%add3A, %add3A_764, %dma_start3A_816, %dma_start3A_817] : memref<32x200x128x64xf32, #tpu.memory_space<hbm>> -> memref<1x1x128x64xf32, #tpu.memory_space<hbm>>
      %dma_start3A_819 = tpu.memref_squeeze %dma_start3A_818 : memref<1x1x128x64xf32, #tpu.memory_space<hbm>> -> memref<128x64xf32, #tpu.memory_space<hbm>>
      %dma_start3A_820 = arith.constant 0 : i32
      %dma_start3A_821 = arith.constant 0 : i32
      %dma_start3A_822 = tpu.memref_slice %arg7[%dma_start3A_804, %dma_start3A_820, %dma_start3A_821] : memref<4x128x64xf32, #tpu.memory_space<vmem>> -> memref<1x128x64xf32, #tpu.memory_space<vmem>>
      %dma_start3A_823 = tpu.memref_squeeze %dma_start3A_822 : memref<1x128x64xf32, #tpu.memory_space<vmem>> -> memref<128x64xf32, #tpu.memory_space<vmem>>
      tpu.enqueue_dma source(%dma_start3A_823 : memref<128x64xf32, #tpu.memory_space<vmem>>) target(%dma_start3A_819 : memref<128x64xf32, #tpu.memory_space<hbm>>) target_semaphore(%dma_start3A_815 : memref<!tpu.dma_semaphore, #tpu.memory_space<semaphore_mem>>)
      %add3A_824 = arith.constant 4 : i32
      %add3A_825 = arith.addi %add3A_764, %add3A_824 : i32
      %dma_start3A_826 = arith.constant 2 : i32
      %dma_start3A_827 = arith.constant 2 : i32
      %dma_start3A_828 = arith.constant 0 : i32
      %dma_start3A_829 = arith.constant 0 : i32
      %dma_start3A_830 = tpu.memref_slice %arg6[%dma_start3A_826, %dma_start3A_828, %dma_start3A_829] : memref<4x128x64xf32, #tpu.memory_space<vmem>> -> memref<1x128x64xf32, #tpu.memory_space<vmem>>
      %dma_start3A_831 = tpu.memref_squeeze %dma_start3A_830 : memref<1x128x64xf32, #tpu.memory_space<vmem>> -> memref<128x64xf32, #tpu.memory_space<vmem>>
      %dma_start3A_832 = arith.constant 0 : i32
      %dma_start3A_833 = tpu.memref_slice %arg5[%add3A_825, %dma_start3A_832] : memref<200x128xi32, #tpu.memory_space<vmem>> -> memref<1x128xi32, #tpu.memory_space<vmem>>
      %dma_start3A_834 = tpu.memref_squeeze %dma_start3A_833 : memref<1x128xi32, #tpu.memory_space<vmem>> -> memref<128xi32, #tpu.memory_space<vmem>>
      %dma_start3A_835 = arith.constant 0 : i32
      %dma_start3A_836 = arith.constant 0 : i32
      %dma_start3A_837 = tpu.memref_slice %arg3[%dma_start3A_835, %dma_start3A_836] : memref<1000000x64xf32, #tpu.memory_space<hbm>> -> memref<1000000x64xf32, #tpu.memory_space<hbm>>
      %dma_start3A_838 = tpu.memref_slice %arg8[%dma_start3A_827] : memref<4x!tpu.dma_semaphore, #tpu.memory_space<semaphore_mem>> -> memref<1x!tpu.dma_semaphore, #tpu.memory_space<semaphore_mem>>
      %dma_start3A_839 = tpu.memref_squeeze %dma_start3A_838 : memref<1x!tpu.dma_semaphore, #tpu.memory_space<semaphore_mem>> -> memref<!tpu.dma_semaphore, #tpu.memory_space<semaphore_mem>>
      tpu.enqueue_indirect_dma source(%dma_start3A_837 : memref<1000000x64xf32, #tpu.memory_space<hbm>>) target(%dma_start3A_831 : memref<128x64xf32, #tpu.memory_space<vmem>>) offsets(%dma_start3A_834 : memref<128xi32, #tpu.memory_space<vmem>>) semaphore(%dma_start3A_839 : memref<!tpu.dma_semaphore, #tpu.memory_space<semaphore_mem>>)
      %mul3A_840 = arith.constant 4 : i32
      %mul3A_841 = arith.muli %mul3A_840, %scan3A_603 : i32
      %add3A_842 = arith.constant 3 : i32
      %add3A_843 = arith.addi %mul3A_841, %add3A_842 : i32
      %dma_wait3A_844 = arith.constant 3 : i32
      %dma_wait3A_845 = arith.constant 3 : i32
      %dma_wait3A_846 = arith.constant 0 : i32
      %dma_wait3A_847 = arith.constant 0 : i32
      %dma_wait3A_848 = tpu.memref_slice %arg6[%dma_wait3A_844, %dma_wait3A_846, %dma_wait3A_847] : memref<4x128x64xf32, #tpu.memory_space<vmem>> -> memref<1x128x64xf32, #tpu.memory_space<vmem>>
      %dma_wait3A_849 = tpu.memref_squeeze %dma_wait3A_848 : memref<1x128x64xf32, #tpu.memory_space<vmem>> -> memref<128x64xf32, #tpu.memory_space<vmem>>
      %dma_wait3A_850 = arith.constant 0 : i32
      %dma_wait3A_851 = tpu.memref_slice %arg5[%add3A_843, %dma_wait3A_850] : memref<200x128xi32, #tpu.memory_space<vmem>> -> memref<1x128xi32, #tpu.memory_space<vmem>>
      %dma_wait3A_852 = tpu.memref_squeeze %dma_wait3A_851 : memref<1x128xi32, #tpu.memory_space<vmem>> -> memref<128xi32, #tpu.memory_space<vmem>>
      %dma_wait3A_853 = arith.constant 0 : i32
      %dma_wait3A_854 = arith.constant 0 : i32
      %dma_wait3A_855 = tpu.memref_slice %arg3[%dma_wait3A_853, %dma_wait3A_854] : memref<1000000x64xf32, #tpu.memory_space<hbm>> -> memref<1000000x64xf32, #tpu.memory_space<hbm>>
      %dma_wait3A_856 = tpu.memref_slice %arg8[%dma_wait3A_845] : memref<4x!tpu.dma_semaphore, #tpu.memory_space<semaphore_mem>> -> memref<1x!tpu.dma_semaphore, #tpu.memory_space<semaphore_mem>>
      %dma_wait3A_857 = tpu.memref_squeeze %dma_wait3A_856 : memref<1x!tpu.dma_semaphore, #tpu.memory_space<semaphore_mem>> -> memref<!tpu.dma_semaphore, #tpu.memory_space<semaphore_mem>>
      tpu.wait_indirect_dma semaphore(%dma_wait3A_857 : memref<!tpu.dma_semaphore, #tpu.memory_space<semaphore_mem>>) src(%dma_wait3A_855 : memref<1000000x64xf32, #tpu.memory_space<hbm>>) dst(%dma_wait3A_849 : memref<128x64xf32, #tpu.memory_space<vmem>>)
      %sub3A_858 = arith.constant 4 : i32
      %sub3A_859 = arith.subi %add3A_843, %sub3A_858 : i32
      %dma_wait3A_860 = arith.constant 3 : i32
      %dma_wait3A_861 = arith.constant 3 : i32
      %dma_wait3A_862 = arith.constant 0 : i32
      %dma_wait3A_863 = arith.constant 0 : i32
      %dma_wait3A_864 = tpu.memref_slice %arg7[%dma_wait3A_860, %dma_wait3A_862, %dma_wait3A_863] : memref<4x128x64xf32, #tpu.memory_space<vmem>> -> memref<1x128x64xf32, #tpu.memory_space<vmem>>
      %dma_wait3A_865 = tpu.memref_squeeze %dma_wait3A_864 : memref<1x128x64xf32, #tpu.memory_space<vmem>> -> memref<128x64xf32, #tpu.memory_space<vmem>>
      %dma_wait3A_866 = arith.constant 0 : i32
      %dma_wait3A_867 = arith.constant 0 : i32
      %dma_wait3A_868 = tpu.memref_slice %arg4[%add3A, %sub3A_859, %dma_wait3A_866, %dma_wait3A_867] : memref<32x200x128x64xf32, #tpu.memory_space<hbm>> -> memref<1x1x128x64xf32, #tpu.memory_space<hbm>>
      %dma_wait3A_869 = tpu.memref_squeeze %dma_wait3A_868 : memref<1x1x128x64xf32, #tpu.memory_space<hbm>> -> memref<128x64xf32, #tpu.memory_space<hbm>>
      %dma_wait3A_870 = tpu.memref_slice %arg9[%dma_wait3A_861] : memref<4x!tpu.dma_semaphore, #tpu.memory_space<semaphore_mem>> -> memref<1x!tpu.dma_semaphore, #tpu.memory_space<semaphore_mem>>
      %dma_wait3A_871 = tpu.memref_squeeze %dma_wait3A_870 : memref<1x!tpu.dma_semaphore, #tpu.memory_space<semaphore_mem>> -> memref<!tpu.dma_semaphore, #tpu.memory_space<semaphore_mem>>
      %dma_wait3A_872 = arith.constant 0 : i32
      %dma_wait3A_873 = arith.constant 0 : i32
      %dma_wait3A_874 = tpu.memref_slice %arg4[%add3A, %sub3A_859, %dma_wait3A_872, %dma_wait3A_873] : memref<32x200x128x64xf32, #tpu.memory_space<hbm>> -> memref<1x1x128x64xf32, #tpu.memory_space<hbm>>
      %dma_wait3A_875 = tpu.memref_squeeze %dma_wait3A_874 : memref<1x1x128x64xf32, #tpu.memory_space<hbm>> -> memref<128x64xf32, #tpu.memory_space<hbm>>
      %dma_wait3A_876 = arith.constant 0 : i32
      %dma_wait3A_877 = arith.constant 0 : i32
      %dma_wait3A_878 = tpu.memref_slice %arg7[%dma_wait3A_860, %dma_wait3A_876, %dma_wait3A_877] : memref<4x128x64xf32, #tpu.memory_space<vmem>> -> memref<1x128x64xf32, #tpu.memory_space<vmem>>
      %dma_wait3A_879 = tpu.memref_squeeze %dma_wait3A_878 : memref<1x128x64xf32, #tpu.memory_space<vmem>> -> memref<128x64xf32, #tpu.memory_space<vmem>>
      tpu.wait_dma2 semaphore(%dma_wait3A_871 : memref<!tpu.dma_semaphore, #tpu.memory_space<semaphore_mem>>) src(%dma_wait3A_879 : memref<128x64xf32, #tpu.memory_space<vmem>>) dst(%dma_wait3A_875 : memref<128x64xf32, #tpu.memory_space<hbm>>)
      %parallel_loop3A_880 = arith.constant 0 : i32
      %parallel_loop3A_881 = arith.constant 128 : i32
      %parallel_loop3A_882 = arith.constant 1 : i32
      scf.for %parallel_loop3A_919 = %parallel_loop3A_880 to %parallel_loop3A_881 step %parallel_loop3A_882  : i32 {
        %parallel_loop3A_920 = arith.constant 3 : i32
        %parallel_loop3A_921 = arith.index_cast %parallel_loop3A_920 : i32 to index
        %parallel_loop3A_922 = arith.index_cast %parallel_loop3A_919 : i32 to index
        %parallel_loop3A_923 = arith.constant 0 : index
        %parallel_loop3A_924 = tpu.vector_load %arg6[%parallel_loop3A_921, %parallel_loop3A_922, %parallel_loop3A_923] {strides = array<i32>} : memref<4x128x64xf32, #tpu.memory_space<vmem>>, vector<16xf32>,
        %parallel_loop3A_925 = arith.constant 8.000000e+00 : f32
        %parallel_loop3A_926 = vector.broadcast %parallel_loop3A_925 : f32 to vector<16xf32>
        %parallel_loop3A_927 = arith.mulf %parallel_loop3A_924, %parallel_loop3A_926 : vector<16xf32>
        %parallel_loop3A_928 = arith.constant 3 : i32
        %parallel_loop3A_929 = arith.index_cast %parallel_loop3A_928 : i32 to index
        %parallel_loop3A_930 = arith.index_cast %parallel_loop3A_919 : i32 to index
        %parallel_loop3A_931 = arith.constant 0 : index
        %parallel_loop3A_932 = tpu.vector_load %arg7[%parallel_loop3A_929, %parallel_loop3A_930, %parallel_loop3A_931] {strides = array<i32>} : memref<4x128x64xf32, #tpu.memory_space<vmem>>, vector<16xf32>,
        tpu.vector_store %arg7[%parallel_loop3A_929, %parallel_loop3A_930, %parallel_loop3A_931], %parallel_loop3A_927 {strides = array<i32>} : memref<4x128x64xf32, #tpu.memory_space<vmem>>, vector<16xf32>,
        %parallel_loop3A_933 = arith.constant 3 : i32
        %parallel_loop3A_934 = arith.index_cast %parallel_loop3A_933 : i32 to index
        %parallel_loop3A_935 = arith.index_cast %parallel_loop3A_919 : i32 to index
        %parallel_loop3A_936 = arith.constant 16 : index
        %parallel_loop3A_937 = tpu.vector_load %arg6[%parallel_loop3A_934, %parallel_loop3A_935, %parallel_loop3A_936] {strides = array<i32>} : memref<4x128x64xf32, #tpu.memory_space<vmem>>, vector<16xf32>,
        %parallel_loop3A_938 = arith.constant 8.000000e+00 : f32
        %parallel_loop3A_939 = vector.broadcast %parallel_loop3A_938 : f32 to vector<16xf32>
        %parallel_loop3A_940 = arith.mulf %parallel_loop3A_937, %parallel_loop3A_939 : vector<16xf32>
        %parallel_loop3A_941 = arith.constant 3 : i32
        %parallel_loop3A_942 = arith.index_cast %parallel_loop3A_941 : i32 to index
        %parallel_loop3A_943 = arith.index_cast %parallel_loop3A_919 : i32 to index
        %parallel_loop3A_944 = arith.constant 16 : index
        %parallel_loop3A_945 = tpu.vector_load %arg7[%parallel_loop3A_942, %parallel_loop3A_943, %parallel_loop3A_944] {strides = array<i32>} : memref<4x128x64xf32, #tpu.memory_space<vmem>>, vector<16xf32>,
        tpu.vector_store %arg7[%parallel_loop3A_942, %parallel_loop3A_943, %parallel_loop3A_944], %parallel_loop3A_940 {strides = array<i32>} : memref<4x128x64xf32, #tpu.memory_space<vmem>>, vector<16xf32>,
        %parallel_loop3A_946 = arith.constant 3 : i32
        %parallel_loop3A_947 = arith.index_cast %parallel_loop3A_946 : i32 to index
        %parallel_loop3A_948 = arith.index_cast %parallel_loop3A_919 : i32 to index
        %parallel_loop3A_949 = arith.constant 32 : index
        %parallel_loop3A_950 = tpu.vector_load %arg6[%parallel_loop3A_947, %parallel_loop3A_948, %parallel_loop3A_949] {strides = array<i32>} : memref<4x128x64xf32, #tpu.memory_space<vmem>>, vector<16xf32>,
        %parallel_loop3A_951 = arith.constant 8.000000e+00 : f32
        %parallel_loop3A_952 = vector.broadcast %parallel_loop3A_951 : f32 to vector<16xf32>
        %parallel_loop3A_953 = arith.mulf %parallel_loop3A_950, %parallel_loop3A_952 : vector<16xf32>
        %parallel_loop3A_954 = arith.constant 3 : i32
        %parallel_loop3A_955 = arith.index_cast %parallel_loop3A_954 : i32 to index
        %parallel_loop3A_956 = arith.index_cast %parallel_loop3A_919 : i32 to index
        %parallel_loop3A_957 = arith.constant 32 : index
        %parallel_loop3A_958 = tpu.vector_load %arg7[%parallel_loop3A_955, %parallel_loop3A_956, %parallel_loop3A_957] {strides = array<i32>} : memref<4x128x64xf32, #tpu.memory_space<vmem>>, vector<16xf32>,
        tpu.vector_store %arg7[%parallel_loop3A_955, %parallel_loop3A_956, %parallel_loop3A_957], %parallel_loop3A_953 {strides = array<i32>} : memref<4x128x64xf32, #tpu.memory_space<vmem>>, vector<16xf32>,
        %parallel_loop3A_959 = arith.constant 3 : i32
        %parallel_loop3A_960 = arith.index_cast %parallel_loop3A_959 : i32 to index
        %parallel_loop3A_961 = arith.index_cast %parallel_loop3A_919 : i32 to index
        %parallel_loop3A_962 = arith.constant 48 : index
        %parallel_loop3A_963 = tpu.vector_load %arg6[%parallel_loop3A_960, %parallel_loop3A_961, %parallel_loop3A_962] {strides = array<i32>} : memref<4x128x64xf32, #tpu.memory_space<vmem>>, vector<16xf32>,
        %parallel_loop3A_964 = arith.constant 8.000000e+00 : f32
        %parallel_loop3A_965 = vector.broadcast %parallel_loop3A_964 : f32 to vector<16xf32>
        %parallel_loop3A_966 = arith.mulf %parallel_loop3A_963, %parallel_loop3A_965 : vector<16xf32>
        %parallel_loop3A_967 = arith.constant 3 : i32
        %parallel_loop3A_968 = arith.index_cast %parallel_loop3A_967 : i32 to index
        %parallel_loop3A_969 = arith.index_cast %parallel_loop3A_919 : i32 to index
        %parallel_loop3A_970 = arith.constant 48 : index
        %parallel_loop3A_971 = tpu.vector_load %arg7[%parallel_loop3A_968, %parallel_loop3A_969, %parallel_loop3A_970] {strides = array<i32>} : memref<4x128x64xf32, #tpu.memory_space<vmem>>, vector<16xf32>,
        tpu.vector_store %arg7[%parallel_loop3A_968, %parallel_loop3A_969, %parallel_loop3A_970], %parallel_loop3A_966 {strides = array<i32>} : memref<4x128x64xf32, #tpu.memory_space<vmem>>, vector<16xf32>,
      } {sc.loop_unroll_factor = 4 : i64, sc.parallel_access}
      %dma_start3A_883 = arith.constant 3 : i32
      %dma_start3A_884 = arith.constant 3 : i32
      %dma_start3A_885 = arith.constant 0 : i32
      %dma_start3A_886 = arith.constant 0 : i32
      %dma_start3A_887 = tpu.memref_slice %arg7[%dma_start3A_883, %dma_start3A_885, %dma_start3A_886] : memref<4x128x64xf32, #tpu.memory_space<vmem>> -> memref<1x128x64xf32, #tpu.memory_space<vmem>>
      %dma_start3A_888 = tpu.memref_squeeze %dma_start3A_887 : memref<1x128x64xf32, #tpu.memory_space<vmem>> -> memref<128x64xf32, #tpu.memory_space<vmem>>
      %dma_start3A_889 = arith.constant 0 : i32
      %dma_start3A_890 = arith.constant 0 : i32
      %dma_start3A_891 = tpu.memref_slice %arg4[%add3A, %add3A_843, %dma_start3A_889, %dma_start3A_890] : memref<32x200x128x64xf32, #tpu.memory_space<hbm>> -> memref<1x1x128x64xf32, #tpu.memory_space<hbm>>
      %dma_start3A_892 = tpu.memref_squeeze %dma_start3A_891 : memref<1x1x128x64xf32, #tpu.memory_space<hbm>> -> memref<128x64xf32, #tpu.memory_space<hbm>>
      %dma_start3A_893 = tpu.memref_slice %arg9[%dma_start3A_884] : memref<4x!tpu.dma_semaphore, #tpu.memory_space<semaphore_mem>> -> memref<1x!tpu.dma_semaphore, #tpu.memory_space<semaphore_mem>>
      %dma_start3A_894 = tpu.memref_squeeze %dma_start3A_893 : memref<1x!tpu.dma_semaphore, #tpu.memory_space<semaphore_mem>> -> memref<!tpu.dma_semaphore, #tpu.memory_space<semaphore_mem>>
      %dma_start3A_895 = arith.constant 0 : i32
      %dma_start3A_896 = arith.constant 0 : i32
      %dma_start3A_897 = tpu.memref_slice %arg4[%add3A, %add3A_843, %dma_start3A_895, %dma_start3A_896] : memref<32x200x128x64xf32, #tpu.memory_space<hbm>> -> memref<1x1x128x64xf32, #tpu.memory_space<hbm>>
      %dma_start3A_898 = tpu.memref_squeeze %dma_start3A_897 : memref<1x1x128x64xf32, #tpu.memory_space<hbm>> -> memref<128x64xf32, #tpu.memory_space<hbm>>
      %dma_start3A_899 = arith.constant 0 : i32
      %dma_start3A_900 = arith.constant 0 : i32
      %dma_start3A_901 = tpu.memref_slice %arg7[%dma_start3A_883, %dma_start3A_899, %dma_start3A_900] : memref<4x128x64xf32, #tpu.memory_space<vmem>> -> memref<1x128x64xf32, #tpu.memory_space<vmem>>
      %dma_start3A_902 = tpu.memref_squeeze %dma_start3A_901 : memref<1x128x64xf32, #tpu.memory_space<vmem>> -> memref<128x64xf32, #tpu.memory_space<vmem>>
      tpu.enqueue_dma source(%dma_start3A_902 : memref<128x64xf32, #tpu.memory_space<vmem>>) target(%dma_start3A_898 : memref<128x64xf32, #tpu.memory_space<hbm>>) target_semaphore(%dma_start3A_894 : memref<!tpu.dma_semaphore, #tpu.memory_space<semaphore_mem>>)
      %add3A_903 = arith.constant 4 : i32
      %add3A_904 = arith.addi %add3A_843, %add3A_903 : i32
      %dma_start3A_905 = arith.constant 3 : i32
      %dma_start3A_906 = arith.constant 3 : i32
      %dma_start3A_907 = arith.constant 0 : i32
      %dma_start3A_908 = arith.constant 0 : i32
      %dma_start3A_909 = tpu.memref_slice %arg6[%dma_start3A_905, %dma_start3A_907, %dma_start3A_908] : memref<4x128x64xf32, #tpu.memory_space<vmem>> -> memref<1x128x64xf32, #tpu.memory_space<vmem>>
      %dma_start3A_910 = tpu.memref_squeeze %dma_start3A_909 : memref<1x128x64xf32, #tpu.memory_space<vmem>> -> memref<128x64xf32, #tpu.memory_space<vmem>>
      %dma_start3A_911 = arith.constant 0 : i32
      %dma_start3A_912 = tpu.memref_slice %arg5[%add3A_904, %dma_start3A_911] : memref<200x128xi32, #tpu.memory_space<vmem>> -> memref<1x128xi32, #tpu.memory_space<vmem>>
      %dma_start3A_913 = tpu.memref_squeeze %dma_start3A_912 : memref<1x128xi32, #tpu.memory_space<vmem>> -> memref<128xi32, #tpu.memory_space<vmem>>
      %dma_start3A_914 = arith.constant 0 : i32
      %dma_start3A_915 = arith.constant 0 : i32
      %dma_start3A_916 = tpu.memref_slice %arg3[%dma_start3A_914, %dma_start3A_915] : memref<1000000x64xf32, #tpu.memory_space<hbm>> -> memref<1000000x64xf32, #tpu.memory_space<hbm>>
      %dma_start3A_917 = tpu.memref_slice %arg8[%dma_start3A_906] : memref<4x!tpu.dma_semaphore, #tpu.memory_space<semaphore_mem>> -> memref<1x!tpu.dma_semaphore, #tpu.memory_space<semaphore_mem>>
      %dma_start3A_918 = tpu.memref_squeeze %dma_start3A_917 : memref<1x!tpu.dma_semaphore, #tpu.memory_space<semaphore_mem>> -> memref<!tpu.dma_semaphore, #tpu.memory_space<semaphore_mem>>
      tpu.enqueue_indirect_dma source(%dma_start3A_916 : memref<1000000x64xf32, #tpu.memory_space<hbm>>) target(%dma_start3A_910 : memref<128x64xf32, #tpu.memory_space<vmem>>) offsets(%dma_start3A_913 : memref<128xi32, #tpu.memory_space<vmem>>) semaphore(%dma_start3A_918 : memref<!tpu.dma_semaphore, #tpu.memory_space<semaphore_mem>>)
    }
    %scan3A_278 = arith.constant 48 : i32
    %dma_wait3A_279 = arith.constant 196 : i32
    %dma_wait3A_280 = arith.constant 0 : i32
    %dma_wait3A_281 = arith.constant 0 : i32
    %dma_wait3A_282 = arith.constant 0 : i32
    %dma_wait3A_283 = arith.constant 0 : i32
    %dma_wait3A_284 = tpu.memref_slice %arg6[%dma_wait3A_280, %dma_wait3A_282, %dma_wait3A_283] : memref<4x128x64xf32, #tpu.memory_space<vmem>> -> memref<1x128x64xf32, #tpu.memory_space<vmem>>
    %dma_wait3A_285 = tpu.memref_squeeze %dma_wait3A_284 : memref<1x128x64xf32, #tpu.memory_space<vmem>> -> memref<128x64xf32, #tpu.memory_space<vmem>>
    %dma_wait3A_286 = arith.constant 0 : i32
    %dma_wait3A_287 = tpu.memref_slice %arg5[%dma_wait3A_279, %dma_wait3A_286] : memref<200x128xi32, #tpu.memory_space<vmem>> -> memref<1x128xi32, #tpu.memory_space<vmem>>
    %dma_wait3A_288 = tpu.memref_squeeze %dma_wait3A_287 : memref<1x128xi32, #tpu.memory_space<vmem>> -> memref<128xi32, #tpu.memory_space<vmem>>
    %dma_wait3A_289 = arith.constant 0 : i32
    %dma_wait3A_290 = arith.constant 0 : i32
    %dma_wait3A_291 = tpu.memref_slice %arg3[%dma_wait3A_289, %dma_wait3A_290] : memref<1000000x64xf32, #tpu.memory_space<hbm>> -> memref<1000000x64xf32, #tpu.memory_space<hbm>>
    %dma_wait3A_292 = tpu.memref_slice %arg8[%dma_wait3A_281] : memref<4x!tpu.dma_semaphore, #tpu.memory_space<semaphore_mem>> -> memref<1x!tpu.dma_semaphore, #tpu.memory_space<semaphore_mem>>
    %dma_wait3A_293 = tpu.memref_squeeze %dma_wait3A_292 : memref<1x!tpu.dma_semaphore, #tpu.memory_space<semaphore_mem>> -> memref<!tpu.dma_semaphore, #tpu.memory_space<semaphore_mem>>
    tpu.wait_indirect_dma semaphore(%dma_wait3A_293 : memref<!tpu.dma_semaphore, #tpu.memory_space<semaphore_mem>>) src(%dma_wait3A_291 : memref<1000000x64xf32, #tpu.memory_space<hbm>>) dst(%dma_wait3A_285 : memref<128x64xf32, #tpu.memory_space<vmem>>)
    %dma_wait3A_294 = arith.constant 0 : i32
    %dma_wait3A_295 = arith.constant 192 : i32
    %dma_wait3A_296 = arith.constant 0 : i32
    %dma_wait3A_297 = arith.constant 0 : i32
    %dma_wait3A_298 = arith.constant 0 : i32
    %dma_wait3A_299 = tpu.memref_slice %arg7[%dma_wait3A_294, %dma_wait3A_297, %dma_wait3A_298] : memref<4x128x64xf32, #tpu.memory_space<vmem>> -> memref<1x128x64xf32, #tpu.memory_space<vmem>>
    %dma_wait3A_300 = tpu.memref_squeeze %dma_wait3A_299 : memref<1x128x64xf32, #tpu.memory_space<vmem>> -> memref<128x64xf32, #tpu.memory_space<vmem>>
    %dma_wait3A_301 = arith.constant 0 : i32
    %dma_wait3A_302 = arith.constant 0 : i32
    %dma_wait3A_303 = tpu.memref_slice %arg4[%add3A, %dma_wait3A_295, %dma_wait3A_301, %dma_wait3A_302] : memref<32x200x128x64xf32, #tpu.memory_space<hbm>> -> memref<1x1x128x64xf32, #tpu.memory_space<hbm>>
    %dma_wait3A_304 = tpu.memref_squeeze %dma_wait3A_303 : memref<1x1x128x64xf32, #tpu.memory_space<hbm>> -> memref<128x64xf32, #tpu.memory_space<hbm>>
    %dma_wait3A_305 = tpu.memref_slice %arg9[%dma_wait3A_296] : memref<4x!tpu.dma_semaphore, #tpu.memory_space<semaphore_mem>> -> memref<1x!tpu.dma_semaphore, #tpu.memory_space<semaphore_mem>>
    %dma_wait3A_306 = tpu.memref_squeeze %dma_wait3A_305 : memref<1x!tpu.dma_semaphore, #tpu.memory_space<semaphore_mem>> -> memref<!tpu.dma_semaphore, #tpu.memory_space<semaphore_mem>>
    %dma_wait3A_307 = arith.constant 0 : i32
    %dma_wait3A_308 = arith.constant 0 : i32
    %dma_wait3A_309 = tpu.memref_slice %arg4[%add3A, %dma_wait3A_295, %dma_wait3A_307, %dma_wait3A_308] : memref<32x200x128x64xf32, #tpu.memory_space<hbm>> -> memref<1x1x128x64xf32, #tpu.memory_space<hbm>>
    %dma_wait3A_310 = tpu.memref_squeeze %dma_wait3A_309 : memref<1x1x128x64xf32, #tpu.memory_space<hbm>> -> memref<128x64xf32, #tpu.memory_space<hbm>>
    %dma_wait3A_311 = arith.constant 0 : i32
    %dma_wait3A_312 = arith.constant 0 : i32
    %dma_wait3A_313 = tpu.memref_slice %arg7[%dma_wait3A_294, %dma_wait3A_311, %dma_wait3A_312] : memref<4x128x64xf32, #tpu.memory_space<vmem>> -> memref<1x128x64xf32, #tpu.memory_space<vmem>>
    %dma_wait3A_314 = tpu.memref_squeeze %dma_wait3A_313 : memref<1x128x64xf32, #tpu.memory_space<vmem>> -> memref<128x64xf32, #tpu.memory_space<vmem>>
    tpu.wait_dma2 semaphore(%dma_wait3A_306 : memref<!tpu.dma_semaphore, #tpu.memory_space<semaphore_mem>>) src(%dma_wait3A_314 : memref<128x64xf32, #tpu.memory_space<vmem>>) dst(%dma_wait3A_310 : memref<128x64xf32, #tpu.memory_space<hbm>>)
    %parallel_loop3A_315 = arith.constant 0 : i32
    %parallel_loop3A_316 = arith.constant 128 : i32
    %parallel_loop3A_317 = arith.constant 1 : i32
    scf.for %parallel_loop3A_603 = %parallel_loop3A_315 to %parallel_loop3A_316 step %parallel_loop3A_317  : i32 {
      %parallel_loop3A_604 = arith.constant 0 : i32
      %parallel_loop3A_605 = arith.index_cast %parallel_loop3A_604 : i32 to index
      %parallel_loop3A_606 = arith.index_cast %parallel_loop3A_603 : i32 to index
      %parallel_loop3A_607 = arith.constant 0 : index
      %parallel_loop3A_608 = tpu.vector_load %arg6[%parallel_loop3A_605, %parallel_loop3A_606, %parallel_loop3A_607] {strides = array<i32>} : memref<4x128x64xf32, #tpu.memory_space<vmem>>, vector<16xf32>,
      %parallel_loop3A_609 = arith.constant 8.000000e+00 : f32
      %parallel_loop3A_610 = vector.broadcast %parallel_loop3A_609 : f32 to vector<16xf32>
      %parallel_loop3A_611 = arith.mulf %parallel_loop3A_608, %parallel_loop3A_610 : vector<16xf32>
      %parallel_loop3A_612 = arith.constant 0 : i32
      %parallel_loop3A_613 = arith.index_cast %parallel_loop3A_612 : i32 to index
      %parallel_loop3A_614 = arith.index_cast %parallel_loop3A_603 : i32 to index
      %parallel_loop3A_615 = arith.constant 0 : index
      %parallel_loop3A_616 = tpu.vector_load %arg7[%parallel_loop3A_613, %parallel_loop3A_614, %parallel_loop3A_615] {strides = array<i32>} : memref<4x128x64xf32, #tpu.memory_space<vmem>>, vector<16xf32>,
      tpu.vector_store %arg7[%parallel_loop3A_613, %parallel_loop3A_614, %parallel_loop3A_615], %parallel_loop3A_611 {strides = array<i32>} : memref<4x128x64xf32, #tpu.memory_space<vmem>>, vector<16xf32>,
      %parallel_loop3A_617 = arith.constant 0 : i32
      %parallel_loop3A_618 = arith.index_cast %parallel_loop3A_617 : i32 to index
      %parallel_loop3A_619 = arith.index_cast %parallel_loop3A_603 : i32 to index
      %parallel_loop3A_620 = arith.constant 16 : index
      %parallel_loop3A_621 = tpu.vector_load %arg6[%parallel_loop3A_618, %parallel_loop3A_619, %parallel_loop3A_620] {strides = array<i32>} : memref<4x128x64xf32, #tpu.memory_space<vmem>>, vector<16xf32>,
      %parallel_loop3A_622 = arith.constant 8.000000e+00 : f32
      %parallel_loop3A_623 = vector.broadcast %parallel_loop3A_622 : f32 to vector<16xf32>
      %parallel_loop3A_624 = arith.mulf %parallel_loop3A_621, %parallel_loop3A_623 : vector<16xf32>
      %parallel_loop3A_625 = arith.constant 0 : i32
      %parallel_loop3A_626 = arith.index_cast %parallel_loop3A_625 : i32 to index
      %parallel_loop3A_627 = arith.index_cast %parallel_loop3A_603 : i32 to index
      %parallel_loop3A_628 = arith.constant 16 : index
      %parallel_loop3A_629 = tpu.vector_load %arg7[%parallel_loop3A_626, %parallel_loop3A_627, %parallel_loop3A_628] {strides = array<i32>} : memref<4x128x64xf32, #tpu.memory_space<vmem>>, vector<16xf32>,
      tpu.vector_store %arg7[%parallel_loop3A_626, %parallel_loop3A_627, %parallel_loop3A_628], %parallel_loop3A_624 {strides = array<i32>} : memref<4x128x64xf32, #tpu.memory_space<vmem>>, vector<16xf32>,
      %parallel_loop3A_630 = arith.constant 0 : i32
      %parallel_loop3A_631 = arith.index_cast %parallel_loop3A_630 : i32 to index
      %parallel_loop3A_632 = arith.index_cast %parallel_loop3A_603 : i32 to index
      %parallel_loop3A_633 = arith.constant 32 : index
      %parallel_loop3A_634 = tpu.vector_load %arg6[%parallel_loop3A_631, %parallel_loop3A_632, %parallel_loop3A_633] {strides = array<i32>} : memref<4x128x64xf32, #tpu.memory_space<vmem>>, vector<16xf32>,
      %parallel_loop3A_635 = arith.constant 8.000000e+00 : f32
      %parallel_loop3A_636 = vector.broadcast %parallel_loop3A_635 : f32 to vector<16xf32>
      %parallel_loop3A_637 = arith.mulf %parallel_loop3A_634, %parallel_loop3A_636 : vector<16xf32>
      %parallel_loop3A_638 = arith.constant 0 : i32
      %parallel_loop3A_639 = arith.index_cast %parallel_loop3A_638 : i32 to index
      %parallel_loop3A_640 = arith.index_cast %parallel_loop3A_603 : i32 to index
      %parallel_loop3A_641 = arith.constant 32 : index
      %parallel_loop3A_642 = tpu.vector_load %arg7[%parallel_loop3A_639, %parallel_loop3A_640, %parallel_loop3A_641] {strides = array<i32>} : memref<4x128x64xf32, #tpu.memory_space<vmem>>, vector<16xf32>,
      tpu.vector_store %arg7[%parallel_loop3A_639, %parallel_loop3A_640, %parallel_loop3A_641], %parallel_loop3A_637 {strides = array<i32>} : memref<4x128x64xf32, #tpu.memory_space<vmem>>, vector<16xf32>,
      %parallel_loop3A_643 = arith.constant 0 : i32
      %parallel_loop3A_644 = arith.index_cast %parallel_loop3A_643 : i32 to index
      %parallel_loop3A_645 = arith.index_cast %parallel_loop3A_603 : i32 to index
      %parallel_loop3A_646 = arith.constant 48 : index
      %parallel_loop3A_647 = tpu.vector_load %arg6[%parallel_loop3A_644, %parallel_loop3A_645, %parallel_loop3A_646] {strides = array<i32>} : memref<4x128x64xf32, #tpu.memory_space<vmem>>, vector<16xf32>,
      %parallel_loop3A_648 = arith.constant 8.000000e+00 : f32
      %parallel_loop3A_649 = vector.broadcast %parallel_loop3A_648 : f32 to vector<16xf32>
      %parallel_loop3A_650 = arith.mulf %parallel_loop3A_647, %parallel_loop3A_649 : vector<16xf32>
      %parallel_loop3A_651 = arith.constant 0 : i32
      %parallel_loop3A_652 = arith.index_cast %parallel_loop3A_651 : i32 to index
      %parallel_loop3A_653 = arith.index_cast %parallel_loop3A_603 : i32 to index
      %parallel_loop3A_654 = arith.constant 48 : index
      %parallel_loop3A_655 = tpu.vector_load %arg7[%parallel_loop3A_652, %parallel_loop3A_653, %parallel_loop3A_654] {strides = array<i32>} : memref<4x128x64xf32, #tpu.memory_space<vmem>>, vector<16xf32>,
      tpu.vector_store %arg7[%parallel_loop3A_652, %parallel_loop3A_653, %parallel_loop3A_654], %parallel_loop3A_650 {strides = array<i32>} : memref<4x128x64xf32, #tpu.memory_space<vmem>>, vector<16xf32>,
    } {sc.loop_unroll_factor = 4 : i64, sc.parallel_access}
    %dma_start3A_318 = arith.constant 0 : i32
    %dma_start3A_319 = arith.constant 196 : i32
    %dma_start3A_320 = arith.constant 0 : i32
    %dma_start3A_321 = arith.constant 0 : i32
    %dma_start3A_322 = arith.constant 0 : i32
    %dma_start3A_323 = tpu.memref_slice %arg7[%dma_start3A_318, %dma_start3A_321, %dma_start3A_322] : memref<4x128x64xf32, #tpu.memory_space<vmem>> -> memref<1x128x64xf32, #tpu.memory_space<vmem>>
    %dma_start3A_324 = tpu.memref_squeeze %dma_start3A_323 : memref<1x128x64xf32, #tpu.memory_space<vmem>> -> memref<128x64xf32, #tpu.memory_space<vmem>>
    %dma_start3A_325 = arith.constant 0 : i32
    %dma_start3A_326 = arith.constant 0 : i32
    %dma_start3A_327 = tpu.memref_slice %arg4[%add3A, %dma_start3A_319, %dma_start3A_325, %dma_start3A_326] : memref<32x200x128x64xf32, #tpu.memory_space<hbm>> -> memref<1x1x128x64xf32, #tpu.memory_space<hbm>>
    %dma_start3A_328 = tpu.memref_squeeze %dma_start3A_327 : memref<1x1x128x64xf32, #tpu.memory_space<hbm>> -> memref<128x64xf32, #tpu.memory_space<hbm>>
    %dma_start3A_329 = tpu.memref_slice %arg9[%dma_start3A_320] : memref<4x!tpu.dma_semaphore, #tpu.memory_space<semaphore_mem>> -> memref<1x!tpu.dma_semaphore, #tpu.memory_space<semaphore_mem>>
    %dma_start3A_330 = tpu.memref_squeeze %dma_start3A_329 : memref<1x!tpu.dma_semaphore, #tpu.memory_space<semaphore_mem>> -> memref<!tpu.dma_semaphore, #tpu.memory_space<semaphore_mem>>
    %dma_start3A_331 = arith.constant 0 : i32
    %dma_start3A_332 = arith.constant 0 : i32
    %dma_start3A_333 = tpu.memref_slice %arg4[%add3A, %dma_start3A_319, %dma_start3A_331, %dma_start3A_332] : memref<32x200x128x64xf32, #tpu.memory_space<hbm>> -> memref<1x1x128x64xf32, #tpu.memory_space<hbm>>
    %dma_start3A_334 = tpu.memref_squeeze %dma_start3A_333 : memref<1x1x128x64xf32, #tpu.memory_space<hbm>> -> memref<128x64xf32, #tpu.memory_space<hbm>>
    %dma_start3A_335 = arith.constant 0 : i32
    %dma_start3A_336 = arith.constant 0 : i32
    %dma_start3A_337 = tpu.memref_slice %arg7[%dma_start3A_318, %dma_start3A_335, %dma_start3A_336] : memref<4x128x64xf32, #tpu.memory_space<vmem>> -> memref<1x128x64xf32, #tpu.memory_space<vmem>>
    %dma_start3A_338 = tpu.memref_squeeze %dma_start3A_337 : memref<1x128x64xf32, #tpu.memory_space<vmem>> -> memref<128x64xf32, #tpu.memory_space<vmem>>
    tpu.enqueue_dma source(%dma_start3A_338 : memref<128x64xf32, #tpu.memory_space<vmem>>) target(%dma_start3A_334 : memref<128x64xf32, #tpu.memory_space<hbm>>) target_semaphore(%dma_start3A_330 : memref<!tpu.dma_semaphore, #tpu.memory_space<semaphore_mem>>)
    %dma_wait3A_339 = arith.constant 197 : i32
    %dma_wait3A_340 = arith.constant 1 : i32
    %dma_wait3A_341 = arith.constant 1 : i32
    %dma_wait3A_342 = arith.constant 0 : i32
    %dma_wait3A_343 = arith.constant 0 : i32
    %dma_wait3A_344 = tpu.memref_slice %arg6[%dma_wait3A_340, %dma_wait3A_342, %dma_wait3A_343] : memref<4x128x64xf32, #tpu.memory_space<vmem>> -> memref<1x128x64xf32, #tpu.memory_space<vmem>>
    %dma_wait3A_345 = tpu.memref_squeeze %dma_wait3A_344 : memref<1x128x64xf32, #tpu.memory_space<vmem>> -> memref<128x64xf32, #tpu.memory_space<vmem>>
    %dma_wait3A_346 = arith.constant 0 : i32
    %dma_wait3A_347 = tpu.memref_slice %arg5[%dma_wait3A_339, %dma_wait3A_346] : memref<200x128xi32, #tpu.memory_space<vmem>> -> memref<1x128xi32, #tpu.memory_space<vmem>>
    %dma_wait3A_348 = tpu.memref_squeeze %dma_wait3A_347 : memref<1x128xi32, #tpu.memory_space<vmem>> -> memref<128xi32, #tpu.memory_space<vmem>>
    %dma_wait3A_349 = arith.constant 0 : i32
    %dma_wait3A_350 = arith.constant 0 : i32
    %dma_wait3A_351 = tpu.memref_slice %arg3[%dma_wait3A_349, %dma_wait3A_350] : memref<1000000x64xf32, #tpu.memory_space<hbm>> -> memref<1000000x64xf32, #tpu.memory_space<hbm>>
    %dma_wait3A_352 = tpu.memref_slice %arg8[%dma_wait3A_341] : memref<4x!tpu.dma_semaphore, #tpu.memory_space<semaphore_mem>> -> memref<1x!tpu.dma_semaphore, #tpu.memory_space<semaphore_mem>>
    %dma_wait3A_353 = tpu.memref_squeeze %dma_wait3A_352 : memref<1x!tpu.dma_semaphore, #tpu.memory_space<semaphore_mem>> -> memref<!tpu.dma_semaphore, #tpu.memory_space<semaphore_mem>>
    tpu.wait_indirect_dma semaphore(%dma_wait3A_353 : memref<!tpu.dma_semaphore, #tpu.memory_space<semaphore_mem>>) src(%dma_wait3A_351 : memref<1000000x64xf32, #tpu.memory_space<hbm>>) dst(%dma_wait3A_345 : memref<128x64xf32, #tpu.memory_space<vmem>>)
    %dma_wait3A_354 = arith.constant 1 : i32
    %dma_wait3A_355 = arith.constant 193 : i32
    %dma_wait3A_356 = arith.constant 1 : i32
    %dma_wait3A_357 = arith.constant 0 : i32
    %dma_wait3A_358 = arith.constant 0 : i32
    %dma_wait3A_359 = tpu.memref_slice %arg7[%dma_wait3A_354, %dma_wait3A_357, %dma_wait3A_358] : memref<4x128x64xf32, #tpu.memory_space<vmem>> -> memref<1x128x64xf32, #tpu.memory_space<vmem>>
    %dma_wait3A_360 = tpu.memref_squeeze %dma_wait3A_359 : memref<1x128x64xf32, #tpu.memory_space<vmem>> -> memref<128x64xf32, #tpu.memory_space<vmem>>
    %dma_wait3A_361 = arith.constant 0 : i32
    %dma_wait3A_362 = arith.constant 0 : i32
    %dma_wait3A_363 = tpu.memref_slice %arg4[%add3A, %dma_wait3A_355, %dma_wait3A_361, %dma_wait3A_362] : memref<32x200x128x64xf32, #tpu.memory_space<hbm>> -> memref<1x1x128x64xf32, #tpu.memory_space<hbm>>
    %dma_wait3A_364 = tpu.memref_squeeze %dma_wait3A_363 : memref<1x1x128x64xf32, #tpu.memory_space<hbm>> -> memref<128x64xf32, #tpu.memory_space<hbm>>
    %dma_wait3A_365 = tpu.memref_slice %arg9[%dma_wait3A_356] : memref<4x!tpu.dma_semaphore, #tpu.memory_space<semaphore_mem>> -> memref<1x!tpu.dma_semaphore, #tpu.memory_space<semaphore_mem>>
    %dma_wait3A_366 = tpu.memref_squeeze %dma_wait3A_365 : memref<1x!tpu.dma_semaphore, #tpu.memory_space<semaphore_mem>> -> memref<!tpu.dma_semaphore, #tpu.memory_space<semaphore_mem>>
    %dma_wait3A_367 = arith.constant 0 : i32
    %dma_wait3A_368 = arith.constant 0 : i32
    %dma_wait3A_369 = tpu.memref_slice %arg4[%add3A, %dma_wait3A_355, %dma_wait3A_367, %dma_wait3A_368] : memref<32x200x128x64xf32, #tpu.memory_space<hbm>> -> memref<1x1x128x64xf32, #tpu.memory_space<hbm>>
    %dma_wait3A_370 = tpu.memref_squeeze %dma_wait3A_369 : memref<1x1x128x64xf32, #tpu.memory_space<hbm>> -> memref<128x64xf32, #tpu.memory_space<hbm>>
    %dma_wait3A_371 = arith.constant 0 : i32
    %dma_wait3A_372 = arith.constant 0 : i32
    %dma_wait3A_373 = tpu.memref_slice %arg7[%dma_wait3A_354, %dma_wait3A_371, %dma_wait3A_372] : memref<4x128x64xf32, #tpu.memory_space<vmem>> -> memref<1x128x64xf32, #tpu.memory_space<vmem>>
    %dma_wait3A_374 = tpu.memref_squeeze %dma_wait3A_373 : memref<1x128x64xf32, #tpu.memory_space<vmem>> -> memref<128x64xf32, #tpu.memory_space<vmem>>
    tpu.wait_dma2 semaphore(%dma_wait3A_366 : memref<!tpu.dma_semaphore, #tpu.memory_space<semaphore_mem>>) src(%dma_wait3A_374 : memref<128x64xf32, #tpu.memory_space<vmem>>) dst(%dma_wait3A_370 : memref<128x64xf32, #tpu.memory_space<hbm>>)
    %parallel_loop3A_375 = arith.constant 0 : i32
    %parallel_loop3A_376 = arith.constant 128 : i32
    %parallel_loop3A_377 = arith.constant 1 : i32
    scf.for %parallel_loop3A_603 = %parallel_loop3A_375 to %parallel_loop3A_376 step %parallel_loop3A_377  : i32 {
      %parallel_loop3A_604 = arith.constant 1 : i32
      %parallel_loop3A_605 = arith.index_cast %parallel_loop3A_604 : i32 to index
      %parallel_loop3A_606 = arith.index_cast %parallel_loop3A_603 : i32 to index
      %parallel_loop3A_607 = arith.constant 0 : index
      %parallel_loop3A_608 = tpu.vector_load %arg6[%parallel_loop3A_605, %parallel_loop3A_606, %parallel_loop3A_607] {strides = array<i32>} : memref<4x128x64xf32, #tpu.memory_space<vmem>>, vector<16xf32>,
      %parallel_loop3A_609 = arith.constant 8.000000e+00 : f32
      %parallel_loop3A_610 = vector.broadcast %parallel_loop3A_609 : f32 to vector<16xf32>
      %parallel_loop3A_611 = arith.mulf %parallel_loop3A_608, %parallel_loop3A_610 : vector<16xf32>
      %parallel_loop3A_612 = arith.constant 1 : i32
      %parallel_loop3A_613 = arith.index_cast %parallel_loop3A_612 : i32 to index
      %parallel_loop3A_614 = arith.index_cast %parallel_loop3A_603 : i32 to index
      %parallel_loop3A_615 = arith.constant 0 : index
      %parallel_loop3A_616 = tpu.vector_load %arg7[%parallel_loop3A_613, %parallel_loop3A_614, %parallel_loop3A_615] {strides = array<i32>} : memref<4x128x64xf32, #tpu.memory_space<vmem>>, vector<16xf32>,
      tpu.vector_store %arg7[%parallel_loop3A_613, %parallel_loop3A_614, %parallel_loop3A_615], %parallel_loop3A_611 {strides = array<i32>} : memref<4x128x64xf32, #tpu.memory_space<vmem>>, vector<16xf32>,
      %parallel_loop3A_617 = arith.constant 1 : i32
      %parallel_loop3A_618 = arith.index_cast %parallel_loop3A_617 : i32 to index
      %parallel_loop3A_619 = arith.index_cast %parallel_loop3A_603 : i32 to index
      %parallel_loop3A_620 = arith.constant 16 : index
      %parallel_loop3A_621 = tpu.vector_load %arg6[%parallel_loop3A_618, %parallel_loop3A_619, %parallel_loop3A_620] {strides = array<i32>} : memref<4x128x64xf32, #tpu.memory_space<vmem>>, vector<16xf32>,
      %parallel_loop3A_622 = arith.constant 8.000000e+00 : f32
      %parallel_loop3A_623 = vector.broadcast %parallel_loop3A_622 : f32 to vector<16xf32>
      %parallel_loop3A_624 = arith.mulf %parallel_loop3A_621, %parallel_loop3A_623 : vector<16xf32>
      %parallel_loop3A_625 = arith.constant 1 : i32
      %parallel_loop3A_626 = arith.index_cast %parallel_loop3A_625 : i32 to index
      %parallel_loop3A_627 = arith.index_cast %parallel_loop3A_603 : i32 to index
      %parallel_loop3A_628 = arith.constant 16 : index
      %parallel_loop3A_629 = tpu.vector_load %arg7[%parallel_loop3A_626, %parallel_loop3A_627, %parallel_loop3A_628] {strides = array<i32>} : memref<4x128x64xf32, #tpu.memory_space<vmem>>, vector<16xf32>,
      tpu.vector_store %arg7[%parallel_loop3A_626, %parallel_loop3A_627, %parallel_loop3A_628], %parallel_loop3A_624 {strides = array<i32>} : memref<4x128x64xf32, #tpu.memory_space<vmem>>, vector<16xf32>,
      %parallel_loop3A_630 = arith.constant 1 : i32
      %parallel_loop3A_631 = arith.index_cast %parallel_loop3A_630 : i32 to index
      %parallel_loop3A_632 = arith.index_cast %parallel_loop3A_603 : i32 to index
      %parallel_loop3A_633 = arith.constant 32 : index
      %parallel_loop3A_634 = tpu.vector_load %arg6[%parallel_loop3A_631, %parallel_loop3A_632, %parallel_loop3A_633] {strides = array<i32>} : memref<4x128x64xf32, #tpu.memory_space<vmem>>, vector<16xf32>,
      %parallel_loop3A_635 = arith.constant 8.000000e+00 : f32
      %parallel_loop3A_636 = vector.broadcast %parallel_loop3A_635 : f32 to vector<16xf32>
      %parallel_loop3A_637 = arith.mulf %parallel_loop3A_634, %parallel_loop3A_636 : vector<16xf32>
      %parallel_loop3A_638 = arith.constant 1 : i32
      %parallel_loop3A_639 = arith.index_cast %parallel_loop3A_638 : i32 to index
      %parallel_loop3A_640 = arith.index_cast %parallel_loop3A_603 : i32 to index
      %parallel_loop3A_641 = arith.constant 32 : index
      %parallel_loop3A_642 = tpu.vector_load %arg7[%parallel_loop3A_639, %parallel_loop3A_640, %parallel_loop3A_641] {strides = array<i32>} : memref<4x128x64xf32, #tpu.memory_space<vmem>>, vector<16xf32>,
      tpu.vector_store %arg7[%parallel_loop3A_639, %parallel_loop3A_640, %parallel_loop3A_641], %parallel_loop3A_637 {strides = array<i32>} : memref<4x128x64xf32, #tpu.memory_space<vmem>>, vector<16xf32>,
      %parallel_loop3A_643 = arith.constant 1 : i32
      %parallel_loop3A_644 = arith.index_cast %parallel_loop3A_643 : i32 to index
      %parallel_loop3A_645 = arith.index_cast %parallel_loop3A_603 : i32 to index
      %parallel_loop3A_646 = arith.constant 48 : index
      %parallel_loop3A_647 = tpu.vector_load %arg6[%parallel_loop3A_644, %parallel_loop3A_645, %parallel_loop3A_646] {strides = array<i32>} : memref<4x128x64xf32, #tpu.memory_space<vmem>>, vector<16xf32>,
      %parallel_loop3A_648 = arith.constant 8.000000e+00 : f32
      %parallel_loop3A_649 = vector.broadcast %parallel_loop3A_648 : f32 to vector<16xf32>
      %parallel_loop3A_650 = arith.mulf %parallel_loop3A_647, %parallel_loop3A_649 : vector<16xf32>
      %parallel_loop3A_651 = arith.constant 1 : i32
      %parallel_loop3A_652 = arith.index_cast %parallel_loop3A_651 : i32 to index
      %parallel_loop3A_653 = arith.index_cast %parallel_loop3A_603 : i32 to index
      %parallel_loop3A_654 = arith.constant 48 : index
      %parallel_loop3A_655 = tpu.vector_load %arg7[%parallel_loop3A_652, %parallel_loop3A_653, %parallel_loop3A_654] {strides = array<i32>} : memref<4x128x64xf32, #tpu.memory_space<vmem>>, vector<16xf32>,
      tpu.vector_store %arg7[%parallel_loop3A_652, %parallel_loop3A_653, %parallel_loop3A_654], %parallel_loop3A_650 {strides = array<i32>} : memref<4x128x64xf32, #tpu.memory_space<vmem>>, vector<16xf32>,
    } {sc.loop_unroll_factor = 4 : i64, sc.parallel_access}
    %dma_start3A_378 = arith.constant 1 : i32
    %dma_start3A_379 = arith.constant 197 : i32
    %dma_start3A_380 = arith.constant 1 : i32
    %dma_start3A_381 = arith.constant 0 : i32
    %dma_start3A_382 = arith.constant 0 : i32
    %dma_start3A_383 = tpu.memref_slice %arg7[%dma_start3A_378, %dma_start3A_381, %dma_start3A_382] : memref<4x128x64xf32, #tpu.memory_space<vmem>> -> memref<1x128x64xf32, #tpu.memory_space<vmem>>
    %dma_start3A_384 = tpu.memref_squeeze %dma_start3A_383 : memref<1x128x64xf32, #tpu.memory_space<vmem>> -> memref<128x64xf32, #tpu.memory_space<vmem>>
    %dma_start3A_385 = arith.constant 0 : i32
    %dma_start3A_386 = arith.constant 0 : i32
    %dma_start3A_387 = tpu.memref_slice %arg4[%add3A, %dma_start3A_379, %dma_start3A_385, %dma_start3A_386] : memref<32x200x128x64xf32, #tpu.memory_space<hbm>> -> memref<1x1x128x64xf32, #tpu.memory_space<hbm>>
    %dma_start3A_388 = tpu.memref_squeeze %dma_start3A_387 : memref<1x1x128x64xf32, #tpu.memory_space<hbm>> -> memref<128x64xf32, #tpu.memory_space<hbm>>
    %dma_start3A_389 = tpu.memref_slice %arg9[%dma_start3A_380] : memref<4x!tpu.dma_semaphore, #tpu.memory_space<semaphore_mem>> -> memref<1x!tpu.dma_semaphore, #tpu.memory_space<semaphore_mem>>
    %dma_start3A_390 = tpu.memref_squeeze %dma_start3A_389 : memref<1x!tpu.dma_semaphore, #tpu.memory_space<semaphore_mem>> -> memref<!tpu.dma_semaphore, #tpu.memory_space<semaphore_mem>>
    %dma_start3A_391 = arith.constant 0 : i32
    %dma_start3A_392 = arith.constant 0 : i32
    %dma_start3A_393 = tpu.memref_slice %arg4[%add3A, %dma_start3A_379, %dma_start3A_391, %dma_start3A_392] : memref<32x200x128x64xf32, #tpu.memory_space<hbm>> -> memref<1x1x128x64xf32, #tpu.memory_space<hbm>>
    %dma_start3A_394 = tpu.memref_squeeze %dma_start3A_393 : memref<1x1x128x64xf32, #tpu.memory_space<hbm>> -> memref<128x64xf32, #tpu.memory_space<hbm>>
    %dma_start3A_395 = arith.constant 0 : i32
    %dma_start3A_396 = arith.constant 0 : i32
    %dma_start3A_397 = tpu.memref_slice %arg7[%dma_start3A_378, %dma_start3A_395, %dma_start3A_396] : memref<4x128x64xf32, #tpu.memory_space<vmem>> -> memref<1x128x64xf32, #tpu.memory_space<vmem>>
    %dma_start3A_398 = tpu.memref_squeeze %dma_start3A_397 : memref<1x128x64xf32, #tpu.memory_space<vmem>> -> memref<128x64xf32, #tpu.memory_space<vmem>>
    tpu.enqueue_dma source(%dma_start3A_398 : memref<128x64xf32, #tpu.memory_space<vmem>>) target(%dma_start3A_394 : memref<128x64xf32, #tpu.memory_space<hbm>>) target_semaphore(%dma_start3A_390 : memref<!tpu.dma_semaphore, #tpu.memory_space<semaphore_mem>>)
    %dma_wait3A_399 = arith.constant 198 : i32
    %dma_wait3A_400 = arith.constant 2 : i32
    %dma_wait3A_401 = arith.constant 2 : i32
    %dma_wait3A_402 = arith.constant 0 : i32
    %dma_wait3A_403 = arith.constant 0 : i32
    %dma_wait3A_404 = tpu.memref_slice %arg6[%dma_wait3A_400, %dma_wait3A_402, %dma_wait3A_403] : memref<4x128x64xf32, #tpu.memory_space<vmem>> -> memref<1x128x64xf32, #tpu.memory_space<vmem>>
    %dma_wait3A_405 = tpu.memref_squeeze %dma_wait3A_404 : memref<1x128x64xf32, #tpu.memory_space<vmem>> -> memref<128x64xf32, #tpu.memory_space<vmem>>
    %dma_wait3A_406 = arith.constant 0 : i32
    %dma_wait3A_407 = tpu.memref_slice %arg5[%dma_wait3A_399, %dma_wait3A_406] : memref<200x128xi32, #tpu.memory_space<vmem>> -> memref<1x128xi32, #tpu.memory_space<vmem>>
    %dma_wait3A_408 = tpu.memref_squeeze %dma_wait3A_407 : memref<1x128xi32, #tpu.memory_space<vmem>> -> memref<128xi32, #tpu.memory_space<vmem>>
    %dma_wait3A_409 = arith.constant 0 : i32
    %dma_wait3A_410 = arith.constant 0 : i32
    %dma_wait3A_411 = tpu.memref_slice %arg3[%dma_wait3A_409, %dma_wait3A_410] : memref<1000000x64xf32, #tpu.memory_space<hbm>> -> memref<1000000x64xf32, #tpu.memory_space<hbm>>
    %dma_wait3A_412 = tpu.memref_slice %arg8[%dma_wait3A_401] : memref<4x!tpu.dma_semaphore, #tpu.memory_space<semaphore_mem>> -> memref<1x!tpu.dma_semaphore, #tpu.memory_space<semaphore_mem>>
    %dma_wait3A_413 = tpu.memref_squeeze %dma_wait3A_412 : memref<1x!tpu.dma_semaphore, #tpu.memory_space<semaphore_mem>> -> memref<!tpu.dma_semaphore, #tpu.memory_space<semaphore_mem>>
    tpu.wait_indirect_dma semaphore(%dma_wait3A_413 : memref<!tpu.dma_semaphore, #tpu.memory_space<semaphore_mem>>) src(%dma_wait3A_411 : memref<1000000x64xf32, #tpu.memory_space<hbm>>) dst(%dma_wait3A_405 : memref<128x64xf32, #tpu.memory_space<vmem>>)
    %dma_wait3A_414 = arith.constant 2 : i32
    %dma_wait3A_415 = arith.constant 194 : i32
    %dma_wait3A_416 = arith.constant 2 : i32
    %dma_wait3A_417 = arith.constant 0 : i32
    %dma_wait3A_418 = arith.constant 0 : i32
    %dma_wait3A_419 = tpu.memref_slice %arg7[%dma_wait3A_414, %dma_wait3A_417, %dma_wait3A_418] : memref<4x128x64xf32, #tpu.memory_space<vmem>> -> memref<1x128x64xf32, #tpu.memory_space<vmem>>
    %dma_wait3A_420 = tpu.memref_squeeze %dma_wait3A_419 : memref<1x128x64xf32, #tpu.memory_space<vmem>> -> memref<128x64xf32, #tpu.memory_space<vmem>>
    %dma_wait3A_421 = arith.constant 0 : i32
    %dma_wait3A_422 = arith.constant 0 : i32
    %dma_wait3A_423 = tpu.memref_slice %arg4[%add3A, %dma_wait3A_415, %dma_wait3A_421, %dma_wait3A_422] : memref<32x200x128x64xf32, #tpu.memory_space<hbm>> -> memref<1x1x128x64xf32, #tpu.memory_space<hbm>>
    %dma_wait3A_424 = tpu.memref_squeeze %dma_wait3A_423 : memref<1x1x128x64xf32, #tpu.memory_space<hbm>> -> memref<128x64xf32, #tpu.memory_space<hbm>>
    %dma_wait3A_425 = tpu.memref_slice %arg9[%dma_wait3A_416] : memref<4x!tpu.dma_semaphore, #tpu.memory_space<semaphore_mem>> -> memref<1x!tpu.dma_semaphore, #tpu.memory_space<semaphore_mem>>
    %dma_wait3A_426 = tpu.memref_squeeze %dma_wait3A_425 : memref<1x!tpu.dma_semaphore, #tpu.memory_space<semaphore_mem>> -> memref<!tpu.dma_semaphore, #tpu.memory_space<semaphore_mem>>
    %dma_wait3A_427 = arith.constant 0 : i32
    %dma_wait3A_428 = arith.constant 0 : i32
    %dma_wait3A_429 = tpu.memref_slice %arg4[%add3A, %dma_wait3A_415, %dma_wait3A_427, %dma_wait3A_428] : memref<32x200x128x64xf32, #tpu.memory_space<hbm>> -> memref<1x1x128x64xf32, #tpu.memory_space<hbm>>
    %dma_wait3A_430 = tpu.memref_squeeze %dma_wait3A_429 : memref<1x1x128x64xf32, #tpu.memory_space<hbm>> -> memref<128x64xf32, #tpu.memory_space<hbm>>
    %dma_wait3A_431 = arith.constant 0 : i32
    %dma_wait3A_432 = arith.constant 0 : i32
    %dma_wait3A_433 = tpu.memref_slice %arg7[%dma_wait3A_414, %dma_wait3A_431, %dma_wait3A_432] : memref<4x128x64xf32, #tpu.memory_space<vmem>> -> memref<1x128x64xf32, #tpu.memory_space<vmem>>
    %dma_wait3A_434 = tpu.memref_squeeze %dma_wait3A_433 : memref<1x128x64xf32, #tpu.memory_space<vmem>> -> memref<128x64xf32, #tpu.memory_space<vmem>>
    tpu.wait_dma2 semaphore(%dma_wait3A_426 : memref<!tpu.dma_semaphore, #tpu.memory_space<semaphore_mem>>) src(%dma_wait3A_434 : memref<128x64xf32, #tpu.memory_space<vmem>>) dst(%dma_wait3A_430 : memref<128x64xf32, #tpu.memory_space<hbm>>)
    %parallel_loop3A_435 = arith.constant 0 : i32
    %parallel_loop3A_436 = arith.constant 128 : i32
    %parallel_loop3A_437 = arith.constant 1 : i32
    scf.for %parallel_loop3A_603 = %parallel_loop3A_435 to %parallel_loop3A_436 step %parallel_loop3A_437  : i32 {
      %parallel_loop3A_604 = arith.constant 2 : i32
      %parallel_loop3A_605 = arith.index_cast %parallel_loop3A_604 : i32 to index
      %parallel_loop3A_606 = arith.index_cast %parallel_loop3A_603 : i32 to index
      %parallel_loop3A_607 = arith.constant 0 : index
      %parallel_loop3A_608 = tpu.vector_load %arg6[%parallel_loop3A_605, %parallel_loop3A_606, %parallel_loop3A_607] {strides = array<i32>} : memref<4x128x64xf32, #tpu.memory_space<vmem>>, vector<16xf32>,
      %parallel_loop3A_609 = arith.constant 8.000000e+00 : f32
      %parallel_loop3A_610 = vector.broadcast %parallel_loop3A_609 : f32 to vector<16xf32>
      %parallel_loop3A_611 = arith.mulf %parallel_loop3A_608, %parallel_loop3A_610 : vector<16xf32>
      %parallel_loop3A_612 = arith.constant 2 : i32
      %parallel_loop3A_613 = arith.index_cast %parallel_loop3A_612 : i32 to index
      %parallel_loop3A_614 = arith.index_cast %parallel_loop3A_603 : i32 to index
      %parallel_loop3A_615 = arith.constant 0 : index
      %parallel_loop3A_616 = tpu.vector_load %arg7[%parallel_loop3A_613, %parallel_loop3A_614, %parallel_loop3A_615] {strides = array<i32>} : memref<4x128x64xf32, #tpu.memory_space<vmem>>, vector<16xf32>,
      tpu.vector_store %arg7[%parallel_loop3A_613, %parallel_loop3A_614, %parallel_loop3A_615], %parallel_loop3A_611 {strides = array<i32>} : memref<4x128x64xf32, #tpu.memory_space<vmem>>, vector<16xf32>,
      %parallel_loop3A_617 = arith.constant 2 : i32
      %parallel_loop3A_618 = arith.index_cast %parallel_loop3A_617 : i32 to index
      %parallel_loop3A_619 = arith.index_cast %parallel_loop3A_603 : i32 to index
      %parallel_loop3A_620 = arith.constant 16 : index
      %parallel_loop3A_621 = tpu.vector_load %arg6[%parallel_loop3A_618, %parallel_loop3A_619, %parallel_loop3A_620] {strides = array<i32>} : memref<4x128x64xf32, #tpu.memory_space<vmem>>, vector<16xf32>,
      %parallel_loop3A_622 = arith.constant 8.000000e+00 : f32
      %parallel_loop3A_623 = vector.broadcast %parallel_loop3A_622 : f32 to vector<16xf32>
      %parallel_loop3A_624 = arith.mulf %parallel_loop3A_621, %parallel_loop3A_623 : vector<16xf32>
      %parallel_loop3A_625 = arith.constant 2 : i32
      %parallel_loop3A_626 = arith.index_cast %parallel_loop3A_625 : i32 to index
      %parallel_loop3A_627 = arith.index_cast %parallel_loop3A_603 : i32 to index
      %parallel_loop3A_628 = arith.constant 16 : index
      %parallel_loop3A_629 = tpu.vector_load %arg7[%parallel_loop3A_626, %parallel_loop3A_627, %parallel_loop3A_628] {strides = array<i32>} : memref<4x128x64xf32, #tpu.memory_space<vmem>>, vector<16xf32>,
      tpu.vector_store %arg7[%parallel_loop3A_626, %parallel_loop3A_627, %parallel_loop3A_628], %parallel_loop3A_624 {strides = array<i32>} : memref<4x128x64xf32, #tpu.memory_space<vmem>>, vector<16xf32>,
      %parallel_loop3A_630 = arith.constant 2 : i32
      %parallel_loop3A_631 = arith.index_cast %parallel_loop3A_630 : i32 to index
      %parallel_loop3A_632 = arith.index_cast %parallel_loop3A_603 : i32 to index
      %parallel_loop3A_633 = arith.constant 32 : index
      %parallel_loop3A_634 = tpu.vector_load %arg6[%parallel_loop3A_631, %parallel_loop3A_632, %parallel_loop3A_633] {strides = array<i32>} : memref<4x128x64xf32, #tpu.memory_space<vmem>>, vector<16xf32>,
      %parallel_loop3A_635 = arith.constant 8.000000e+00 : f32
      %parallel_loop3A_636 = vector.broadcast %parallel_loop3A_635 : f32 to vector<16xf32>
      %parallel_loop3A_637 = arith.mulf %parallel_loop3A_634, %parallel_loop3A_636 : vector<16xf32>
      %parallel_loop3A_638 = arith.constant 2 : i32
      %parallel_loop3A_639 = arith.index_cast %parallel_loop3A_638 : i32 to index
      %parallel_loop3A_640 = arith.index_cast %parallel_loop3A_603 : i32 to index
      %parallel_loop3A_641 = arith.constant 32 : index
      %parallel_loop3A_642 = tpu.vector_load %arg7[%parallel_loop3A_639, %parallel_loop3A_640, %parallel_loop3A_641] {strides = array<i32>} : memref<4x128x64xf32, #tpu.memory_space<vmem>>, vector<16xf32>,
      tpu.vector_store %arg7[%parallel_loop3A_639, %parallel_loop3A_640, %parallel_loop3A_641], %parallel_loop3A_637 {strides = array<i32>} : memref<4x128x64xf32, #tpu.memory_space<vmem>>, vector<16xf32>,
      %parallel_loop3A_643 = arith.constant 2 : i32
      %parallel_loop3A_644 = arith.index_cast %parallel_loop3A_643 : i32 to index
      %parallel_loop3A_645 = arith.index_cast %parallel_loop3A_603 : i32 to index
      %parallel_loop3A_646 = arith.constant 48 : index
      %parallel_loop3A_647 = tpu.vector_load %arg6[%parallel_loop3A_644, %parallel_loop3A_645, %parallel_loop3A_646] {strides = array<i32>} : memref<4x128x64xf32, #tpu.memory_space<vmem>>, vector<16xf32>,
      %parallel_loop3A_648 = arith.constant 8.000000e+00 : f32
      %parallel_loop3A_649 = vector.broadcast %parallel_loop3A_648 : f32 to vector<16xf32>
      %parallel_loop3A_650 = arith.mulf %parallel_loop3A_647, %parallel_loop3A_649 : vector<16xf32>
      %parallel_loop3A_651 = arith.constant 2 : i32
      %parallel_loop3A_652 = arith.index_cast %parallel_loop3A_651 : i32 to index
      %parallel_loop3A_653 = arith.index_cast %parallel_loop3A_603 : i32 to index
      %parallel_loop3A_654 = arith.constant 48 : index
      %parallel_loop3A_655 = tpu.vector_load %arg7[%parallel_loop3A_652, %parallel_loop3A_653, %parallel_loop3A_654] {strides = array<i32>} : memref<4x128x64xf32, #tpu.memory_space<vmem>>, vector<16xf32>,
      tpu.vector_store %arg7[%parallel_loop3A_652, %parallel_loop3A_653, %parallel_loop3A_654], %parallel_loop3A_650 {strides = array<i32>} : memref<4x128x64xf32, #tpu.memory_space<vmem>>, vector<16xf32>,
    } {sc.loop_unroll_factor = 4 : i64, sc.parallel_access}
    %dma_start3A_438 = arith.constant 2 : i32
    %dma_start3A_439 = arith.constant 198 : i32
    %dma_start3A_440 = arith.constant 2 : i32
    %dma_start3A_441 = arith.constant 0 : i32
    %dma_start3A_442 = arith.constant 0 : i32
    %dma_start3A_443 = tpu.memref_slice %arg7[%dma_start3A_438, %dma_start3A_441, %dma_start3A_442] : memref<4x128x64xf32, #tpu.memory_space<vmem>> -> memref<1x128x64xf32, #tpu.memory_space<vmem>>
    %dma_start3A_444 = tpu.memref_squeeze %dma_start3A_443 : memref<1x128x64xf32, #tpu.memory_space<vmem>> -> memref<128x64xf32, #tpu.memory_space<vmem>>
    %dma_start3A_445 = arith.constant 0 : i32
    %dma_start3A_446 = arith.constant 0 : i32
    %dma_start3A_447 = tpu.memref_slice %arg4[%add3A, %dma_start3A_439, %dma_start3A_445, %dma_start3A_446] : memref<32x200x128x64xf32, #tpu.memory_space<hbm>> -> memref<1x1x128x64xf32, #tpu.memory_space<hbm>>
    %dma_start3A_448 = tpu.memref_squeeze %dma_start3A_447 : memref<1x1x128x64xf32, #tpu.memory_space<hbm>> -> memref<128x64xf32, #tpu.memory_space<hbm>>
    %dma_start3A_449 = tpu.memref_slice %arg9[%dma_start3A_440] : memref<4x!tpu.dma_semaphore, #tpu.memory_space<semaphore_mem>> -> memref<1x!tpu.dma_semaphore, #tpu.memory_space<semaphore_mem>>
    %dma_start3A_450 = tpu.memref_squeeze %dma_start3A_449 : memref<1x!tpu.dma_semaphore, #tpu.memory_space<semaphore_mem>> -> memref<!tpu.dma_semaphore, #tpu.memory_space<semaphore_mem>>
    %dma_start3A_451 = arith.constant 0 : i32
    %dma_start3A_452 = arith.constant 0 : i32
    %dma_start3A_453 = tpu.memref_slice %arg4[%add3A, %dma_start3A_439, %dma_start3A_451, %dma_start3A_452] : memref<32x200x128x64xf32, #tpu.memory_space<hbm>> -> memref<1x1x128x64xf32, #tpu.memory_space<hbm>>
    %dma_start3A_454 = tpu.memref_squeeze %dma_start3A_453 : memref<1x1x128x64xf32, #tpu.memory_space<hbm>> -> memref<128x64xf32, #tpu.memory_space<hbm>>
    %dma_start3A_455 = arith.constant 0 : i32
    %dma_start3A_456 = arith.constant 0 : i32
    %dma_start3A_457 = tpu.memref_slice %arg7[%dma_start3A_438, %dma_start3A_455, %dma_start3A_456] : memref<4x128x64xf32, #tpu.memory_space<vmem>> -> memref<1x128x64xf32, #tpu.memory_space<vmem>>
    %dma_start3A_458 = tpu.memref_squeeze %dma_start3A_457 : memref<1x128x64xf32, #tpu.memory_space<vmem>> -> memref<128x64xf32, #tpu.memory_space<vmem>>
    tpu.enqueue_dma source(%dma_start3A_458 : memref<128x64xf32, #tpu.memory_space<vmem>>) target(%dma_start3A_454 : memref<128x64xf32, #tpu.memory_space<hbm>>) target_semaphore(%dma_start3A_450 : memref<!tpu.dma_semaphore, #tpu.memory_space<semaphore_mem>>)
    %dma_wait3A_459 = arith.constant 199 : i32
    %dma_wait3A_460 = arith.constant 3 : i32
    %dma_wait3A_461 = arith.constant 3 : i32
    %dma_wait3A_462 = arith.constant 0 : i32
    %dma_wait3A_463 = arith.constant 0 : i32
    %dma_wait3A_464 = tpu.memref_slice %arg6[%dma_wait3A_460, %dma_wait3A_462, %dma_wait3A_463] : memref<4x128x64xf32, #tpu.memory_space<vmem>> -> memref<1x128x64xf32, #tpu.memory_space<vmem>>
    %dma_wait3A_465 = tpu.memref_squeeze %dma_wait3A_464 : memref<1x128x64xf32, #tpu.memory_space<vmem>> -> memref<128x64xf32, #tpu.memory_space<vmem>>
    %dma_wait3A_466 = arith.constant 0 : i32
    %dma_wait3A_467 = tpu.memref_slice %arg5[%dma_wait3A_459, %dma_wait3A_466] : memref<200x128xi32, #tpu.memory_space<vmem>> -> memref<1x128xi32, #tpu.memory_space<vmem>>
    %dma_wait3A_468 = tpu.memref_squeeze %dma_wait3A_467 : memref<1x128xi32, #tpu.memory_space<vmem>> -> memref<128xi32, #tpu.memory_space<vmem>>
    %dma_wait3A_469 = arith.constant 0 : i32
    %dma_wait3A_470 = arith.constant 0 : i32
    %dma_wait3A_471 = tpu.memref_slice %arg3[%dma_wait3A_469, %dma_wait3A_470] : memref<1000000x64xf32, #tpu.memory_space<hbm>> -> memref<1000000x64xf32, #tpu.memory_space<hbm>>
    %dma_wait3A_472 = tpu.memref_slice %arg8[%dma_wait3A_461] : memref<4x!tpu.dma_semaphore, #tpu.memory_space<semaphore_mem>> -> memref<1x!tpu.dma_semaphore, #tpu.memory_space<semaphore_mem>>
    %dma_wait3A_473 = tpu.memref_squeeze %dma_wait3A_472 : memref<1x!tpu.dma_semaphore, #tpu.memory_space<semaphore_mem>> -> memref<!tpu.dma_semaphore, #tpu.memory_space<semaphore_mem>>
    tpu.wait_indirect_dma semaphore(%dma_wait3A_473 : memref<!tpu.dma_semaphore, #tpu.memory_space<semaphore_mem>>) src(%dma_wait3A_471 : memref<1000000x64xf32, #tpu.memory_space<hbm>>) dst(%dma_wait3A_465 : memref<128x64xf32, #tpu.memory_space<vmem>>)
    %dma_wait3A_474 = arith.constant 3 : i32
    %dma_wait3A_475 = arith.constant 195 : i32
    %dma_wait3A_476 = arith.constant 3 : i32
    %dma_wait3A_477 = arith.constant 0 : i32
    %dma_wait3A_478 = arith.constant 0 : i32
    %dma_wait3A_479 = tpu.memref_slice %arg7[%dma_wait3A_474, %dma_wait3A_477, %dma_wait3A_478] : memref<4x128x64xf32, #tpu.memory_space<vmem>> -> memref<1x128x64xf32, #tpu.memory_space<vmem>>
    %dma_wait3A_480 = tpu.memref_squeeze %dma_wait3A_479 : memref<1x128x64xf32, #tpu.memory_space<vmem>> -> memref<128x64xf32, #tpu.memory_space<vmem>>
    %dma_wait3A_481 = arith.constant 0 : i32
    %dma_wait3A_482 = arith.constant 0 : i32
    %dma_wait3A_483 = tpu.memref_slice %arg4[%add3A, %dma_wait3A_475, %dma_wait3A_481, %dma_wait3A_482] : memref<32x200x128x64xf32, #tpu.memory_space<hbm>> -> memref<1x1x128x64xf32, #tpu.memory_space<hbm>>
    %dma_wait3A_484 = tpu.memref_squeeze %dma_wait3A_483 : memref<1x1x128x64xf32, #tpu.memory_space<hbm>> -> memref<128x64xf32, #tpu.memory_space<hbm>>
    %dma_wait3A_485 = tpu.memref_slice %arg9[%dma_wait3A_476] : memref<4x!tpu.dma_semaphore, #tpu.memory_space<semaphore_mem>> -> memref<1x!tpu.dma_semaphore, #tpu.memory_space<semaphore_mem>>
    %dma_wait3A_486 = tpu.memref_squeeze %dma_wait3A_485 : memref<1x!tpu.dma_semaphore, #tpu.memory_space<semaphore_mem>> -> memref<!tpu.dma_semaphore, #tpu.memory_space<semaphore_mem>>
    %dma_wait3A_487 = arith.constant 0 : i32
    %dma_wait3A_488 = arith.constant 0 : i32
    %dma_wait3A_489 = tpu.memref_slice %arg4[%add3A, %dma_wait3A_475, %dma_wait3A_487, %dma_wait3A_488] : memref<32x200x128x64xf32, #tpu.memory_space<hbm>> -> memref<1x1x128x64xf32, #tpu.memory_space<hbm>>
    %dma_wait3A_490 = tpu.memref_squeeze %dma_wait3A_489 : memref<1x1x128x64xf32, #tpu.memory_space<hbm>> -> memref<128x64xf32, #tpu.memory_space<hbm>>
    %dma_wait3A_491 = arith.constant 0 : i32
    %dma_wait3A_492 = arith.constant 0 : i32
    %dma_wait3A_493 = tpu.memref_slice %arg7[%dma_wait3A_474, %dma_wait3A_491, %dma_wait3A_492] : memref<4x128x64xf32, #tpu.memory_space<vmem>> -> memref<1x128x64xf32, #tpu.memory_space<vmem>>
    %dma_wait3A_494 = tpu.memref_squeeze %dma_wait3A_493 : memref<1x128x64xf32, #tpu.memory_space<vmem>> -> memref<128x64xf32, #tpu.memory_space<vmem>>
    tpu.wait_dma2 semaphore(%dma_wait3A_486 : memref<!tpu.dma_semaphore, #tpu.memory_space<semaphore_mem>>) src(%dma_wait3A_494 : memref<128x64xf32, #tpu.memory_space<vmem>>) dst(%dma_wait3A_490 : memref<128x64xf32, #tpu.memory_space<hbm>>)
    %parallel_loop3A_495 = arith.constant 0 : i32
    %parallel_loop3A_496 = arith.constant 128 : i32
    %parallel_loop3A_497 = arith.constant 1 : i32
    scf.for %parallel_loop3A_603 = %parallel_loop3A_495 to %parallel_loop3A_496 step %parallel_loop3A_497  : i32 {
      %parallel_loop3A_604 = arith.constant 3 : i32
      %parallel_loop3A_605 = arith.index_cast %parallel_loop3A_604 : i32 to index
      %parallel_loop3A_606 = arith.index_cast %parallel_loop3A_603 : i32 to index
      %parallel_loop3A_607 = arith.constant 0 : index
      %parallel_loop3A_608 = tpu.vector_load %arg6[%parallel_loop3A_605, %parallel_loop3A_606, %parallel_loop3A_607] {strides = array<i32>} : memref<4x128x64xf32, #tpu.memory_space<vmem>>, vector<16xf32>,
      %parallel_loop3A_609 = arith.constant 8.000000e+00 : f32
      %parallel_loop3A_610 = vector.broadcast %parallel_loop3A_609 : f32 to vector<16xf32>
      %parallel_loop3A_611 = arith.mulf %parallel_loop3A_608, %parallel_loop3A_610 : vector<16xf32>
      %parallel_loop3A_612 = arith.constant 3 : i32
      %parallel_loop3A_613 = arith.index_cast %parallel_loop3A_612 : i32 to index
      %parallel_loop3A_614 = arith.index_cast %parallel_loop3A_603 : i32 to index
      %parallel_loop3A_615 = arith.constant 0 : index
      %parallel_loop3A_616 = tpu.vector_load %arg7[%parallel_loop3A_613, %parallel_loop3A_614, %parallel_loop3A_615] {strides = array<i32>} : memref<4x128x64xf32, #tpu.memory_space<vmem>>, vector<16xf32>,
      tpu.vector_store %arg7[%parallel_loop3A_613, %parallel_loop3A_614, %parallel_loop3A_615], %parallel_loop3A_611 {strides = array<i32>} : memref<4x128x64xf32, #tpu.memory_space<vmem>>, vector<16xf32>,
      %parallel_loop3A_617 = arith.constant 3 : i32
      %parallel_loop3A_618 = arith.index_cast %parallel_loop3A_617 : i32 to index
      %parallel_loop3A_619 = arith.index_cast %parallel_loop3A_603 : i32 to index
      %parallel_loop3A_620 = arith.constant 16 : index
      %parallel_loop3A_621 = tpu.vector_load %arg6[%parallel_loop3A_618, %parallel_loop3A_619, %parallel_loop3A_620] {strides = array<i32>} : memref<4x128x64xf32, #tpu.memory_space<vmem>>, vector<16xf32>,
      %parallel_loop3A_622 = arith.constant 8.000000e+00 : f32
      %parallel_loop3A_623 = vector.broadcast %parallel_loop3A_622 : f32 to vector<16xf32>
      %parallel_loop3A_624 = arith.mulf %parallel_loop3A_621, %parallel_loop3A_623 : vector<16xf32>
      %parallel_loop3A_625 = arith.constant 3 : i32
      %parallel_loop3A_626 = arith.index_cast %parallel_loop3A_625 : i32 to index
      %parallel_loop3A_627 = arith.index_cast %parallel_loop3A_603 : i32 to index
      %parallel_loop3A_628 = arith.constant 16 : index
      %parallel_loop3A_629 = tpu.vector_load %arg7[%parallel_loop3A_626, %parallel_loop3A_627, %parallel_loop3A_628] {strides = array<i32>} : memref<4x128x64xf32, #tpu.memory_space<vmem>>, vector<16xf32>,
      tpu.vector_store %arg7[%parallel_loop3A_626, %parallel_loop3A_627, %parallel_loop3A_628], %parallel_loop3A_624 {strides = array<i32>} : memref<4x128x64xf32, #tpu.memory_space<vmem>>, vector<16xf32>,
      %parallel_loop3A_630 = arith.constant 3 : i32
      %parallel_loop3A_631 = arith.index_cast %parallel_loop3A_630 : i32 to index
      %parallel_loop3A_632 = arith.index_cast %parallel_loop3A_603 : i32 to index
      %parallel_loop3A_633 = arith.constant 32 : index
      %parallel_loop3A_634 = tpu.vector_load %arg6[%parallel_loop3A_631, %parallel_loop3A_632, %parallel_loop3A_633] {strides = array<i32>} : memref<4x128x64xf32, #tpu.memory_space<vmem>>, vector<16xf32>,
      %parallel_loop3A_635 = arith.constant 8.000000e+00 : f32
      %parallel_loop3A_636 = vector.broadcast %parallel_loop3A_635 : f32 to vector<16xf32>
      %parallel_loop3A_637 = arith.mulf %parallel_loop3A_634, %parallel_loop3A_636 : vector<16xf32>
      %parallel_loop3A_638 = arith.constant 3 : i32
      %parallel_loop3A_639 = arith.index_cast %parallel_loop3A_638 : i32 to index
      %parallel_loop3A_640 = arith.index_cast %parallel_loop3A_603 : i32 to index
      %parallel_loop3A_641 = arith.constant 32 : index
      %parallel_loop3A_642 = tpu.vector_load %arg7[%parallel_loop3A_639, %parallel_loop3A_640, %parallel_loop3A_641] {strides = array<i32>} : memref<4x128x64xf32, #tpu.memory_space<vmem>>, vector<16xf32>,
      tpu.vector_store %arg7[%parallel_loop3A_639, %parallel_loop3A_640, %parallel_loop3A_641], %parallel_loop3A_637 {strides = array<i32>} : memref<4x128x64xf32, #tpu.memory_space<vmem>>, vector<16xf32>,
      %parallel_loop3A_643 = arith.constant 3 : i32
      %parallel_loop3A_644 = arith.index_cast %parallel_loop3A_643 : i32 to index
      %parallel_loop3A_645 = arith.index_cast %parallel_loop3A_603 : i32 to index
      %parallel_loop3A_646 = arith.constant 48 : index
      %parallel_loop3A_647 = tpu.vector_load %arg6[%parallel_loop3A_644, %parallel_loop3A_645, %parallel_loop3A_646] {strides = array<i32>} : memref<4x128x64xf32, #tpu.memory_space<vmem>>, vector<16xf32>,
      %parallel_loop3A_648 = arith.constant 8.000000e+00 : f32
      %parallel_loop3A_649 = vector.broadcast %parallel_loop3A_648 : f32 to vector<16xf32>
      %parallel_loop3A_650 = arith.mulf %parallel_loop3A_647, %parallel_loop3A_649 : vector<16xf32>
      %parallel_loop3A_651 = arith.constant 3 : i32
      %parallel_loop3A_652 = arith.index_cast %parallel_loop3A_651 : i32 to index
      %parallel_loop3A_653 = arith.index_cast %parallel_loop3A_603 : i32 to index
      %parallel_loop3A_654 = arith.constant 48 : index
      %parallel_loop3A_655 = tpu.vector_load %arg7[%parallel_loop3A_652, %parallel_loop3A_653, %parallel_loop3A_654] {strides = array<i32>} : memref<4x128x64xf32, #tpu.memory_space<vmem>>, vector<16xf32>,
      tpu.vector_store %arg7[%parallel_loop3A_652, %parallel_loop3A_653, %parallel_loop3A_654], %parallel_loop3A_650 {strides = array<i32>} : memref<4x128x64xf32, #tpu.memory_space<vmem>>, vector<16xf32>,
    } {sc.loop_unroll_factor = 4 : i64, sc.parallel_access}
    %dma_start3A_498 = arith.constant 3 : i32
    %dma_start3A_499 = arith.constant 199 : i32
    %dma_start3A_500 = arith.constant 3 : i32
    %dma_start3A_501 = arith.constant 0 : i32
    %dma_start3A_502 = arith.constant 0 : i32
    %dma_start3A_503 = tpu.memref_slice %arg7[%dma_start3A_498, %dma_start3A_501, %dma_start3A_502] : memref<4x128x64xf32, #tpu.memory_space<vmem>> -> memref<1x128x64xf32, #tpu.memory_space<vmem>>
    %dma_start3A_504 = tpu.memref_squeeze %dma_start3A_503 : memref<1x128x64xf32, #tpu.memory_space<vmem>> -> memref<128x64xf32, #tpu.memory_space<vmem>>
    %dma_start3A_505 = arith.constant 0 : i32
    %dma_start3A_506 = arith.constant 0 : i32
    %dma_start3A_507 = tpu.memref_slice %arg4[%add3A, %dma_start3A_499, %dma_start3A_505, %dma_start3A_506] : memref<32x200x128x64xf32, #tpu.memory_space<hbm>> -> memref<1x1x128x64xf32, #tpu.memory_space<hbm>>
    %dma_start3A_508 = tpu.memref_squeeze %dma_start3A_507 : memref<1x1x128x64xf32, #tpu.memory_space<hbm>> -> memref<128x64xf32, #tpu.memory_space<hbm>>
    %dma_start3A_509 = tpu.memref_slice %arg9[%dma_start3A_500] : memref<4x!tpu.dma_semaphore, #tpu.memory_space<semaphore_mem>> -> memref<1x!tpu.dma_semaphore, #tpu.memory_space<semaphore_mem>>
    %dma_start3A_510 = tpu.memref_squeeze %dma_start3A_509 : memref<1x!tpu.dma_semaphore, #tpu.memory_space<semaphore_mem>> -> memref<!tpu.dma_semaphore, #tpu.memory_space<semaphore_mem>>
    %dma_start3A_511 = arith.constant 0 : i32
    %dma_start3A_512 = arith.constant 0 : i32
    %dma_start3A_513 = tpu.memref_slice %arg4[%add3A, %dma_start3A_499, %dma_start3A_511, %dma_start3A_512] : memref<32x200x128x64xf32, #tpu.memory_space<hbm>> -> memref<1x1x128x64xf32, #tpu.memory_space<hbm>>
    %dma_start3A_514 = tpu.memref_squeeze %dma_start3A_513 : memref<1x1x128x64xf32, #tpu.memory_space<hbm>> -> memref<128x64xf32, #tpu.memory_space<hbm>>
    %dma_start3A_515 = arith.constant 0 : i32
    %dma_start3A_516 = arith.constant 0 : i32
    %dma_start3A_517 = tpu.memref_slice %arg7[%dma_start3A_498, %dma_start3A_515, %dma_start3A_516] : memref<4x128x64xf32, #tpu.memory_space<vmem>> -> memref<1x128x64xf32, #tpu.memory_space<vmem>>
    %dma_start3A_518 = tpu.memref_squeeze %dma_start3A_517 : memref<1x128x64xf32, #tpu.memory_space<vmem>> -> memref<128x64xf32, #tpu.memory_space<vmem>>
    tpu.enqueue_dma source(%dma_start3A_518 : memref<128x64xf32, #tpu.memory_space<vmem>>) target(%dma_start3A_514 : memref<128x64xf32, #tpu.memory_space<hbm>>) target_semaphore(%dma_start3A_510 : memref<!tpu.dma_semaphore, #tpu.memory_space<semaphore_mem>>)
    %dma_wait3A_519 = arith.constant 0 : i32
    %dma_wait3A_520 = arith.constant 196 : i32
    %dma_wait3A_521 = arith.constant 0 : i32
    %dma_wait3A_522 = arith.constant 0 : i32
    %dma_wait3A_523 = arith.constant 0 : i32
    %dma_wait3A_524 = tpu.memref_slice %arg7[%dma_wait3A_519, %dma_wait3A_522, %dma_wait3A_523] : memref<4x128x64xf32, #tpu.memory_space<vmem>> -> memref<1x128x64xf32, #tpu.memory_space<vmem>>
    %dma_wait3A_525 = tpu.memref_squeeze %dma_wait3A_524 : memref<1x128x64xf32, #tpu.memory_space<vmem>> -> memref<128x64xf32, #tpu.memory_space<vmem>>
    %dma_wait3A_526 = arith.constant 0 : i32
    %dma_wait3A_527 = arith.constant 0 : i32
    %dma_wait3A_528 = tpu.memref_slice %arg4[%add3A, %dma_wait3A_520, %dma_wait3A_526, %dma_wait3A_527] : memref<32x200x128x64xf32, #tpu.memory_space<hbm>> -> memref<1x1x128x64xf32, #tpu.memory_space<hbm>>
    %dma_wait3A_529 = tpu.memref_squeeze %dma_wait3A_528 : memref<1x1x128x64xf32, #tpu.memory_space<hbm>> -> memref<128x64xf32, #tpu.memory_space<hbm>>
    %dma_wait3A_530 = tpu.memref_slice %arg9[%dma_wait3A_521] : memref<4x!tpu.dma_semaphore, #tpu.memory_space<semaphore_mem>> -> memref<1x!tpu.dma_semaphore, #tpu.memory_space<semaphore_mem>>
    %dma_wait3A_531 = tpu.memref_squeeze %dma_wait3A_530 : memref<1x!tpu.dma_semaphore, #tpu.memory_space<semaphore_mem>> -> memref<!tpu.dma_semaphore, #tpu.memory_space<semaphore_mem>>
    %dma_wait3A_532 = arith.constant 0 : i32
    %dma_wait3A_533 = arith.constant 0 : i32
    %dma_wait3A_534 = tpu.memref_slice %arg4[%add3A, %dma_wait3A_520, %dma_wait3A_532, %dma_wait3A_533] : memref<32x200x128x64xf32, #tpu.memory_space<hbm>> -> memref<1x1x128x64xf32, #tpu.memory_space<hbm>>
    %dma_wait3A_535 = tpu.memref_squeeze %dma_wait3A_534 : memref<1x1x128x64xf32, #tpu.memory_space<hbm>> -> memref<128x64xf32, #tpu.memory_space<hbm>>
    %dma_wait3A_536 = arith.constant 0 : i32
    %dma_wait3A_537 = arith.constant 0 : i32
    %dma_wait3A_538 = tpu.memref_slice %arg7[%dma_wait3A_519, %dma_wait3A_536, %dma_wait3A_537] : memref<4x128x64xf32, #tpu.memory_space<vmem>> -> memref<1x128x64xf32, #tpu.memory_space<vmem>>
    %dma_wait3A_539 = tpu.memref_squeeze %dma_wait3A_538 : memref<1x128x64xf32, #tpu.memory_space<vmem>> -> memref<128x64xf32, #tpu.memory_space<vmem>>
    tpu.wait_dma2 semaphore(%dma_wait3A_531 : memref<!tpu.dma_semaphore, #tpu.memory_space<semaphore_mem>>) src(%dma_wait3A_539 : memref<128x64xf32, #tpu.memory_space<vmem>>) dst(%dma_wait3A_535 : memref<128x64xf32, #tpu.memory_space<hbm>>)
    %dma_wait3A_540 = arith.constant 1 : i32
    %dma_wait3A_541 = arith.constant 197 : i32
    %dma_wait3A_542 = arith.constant 1 : i32
    %dma_wait3A_543 = arith.constant 0 : i32
    %dma_wait3A_544 = arith.constant 0 : i32
    %dma_wait3A_545 = tpu.memref_slice %arg7[%dma_wait3A_540, %dma_wait3A_543, %dma_wait3A_544] : memref<4x128x64xf32, #tpu.memory_space<vmem>> -> memref<1x128x64xf32, #tpu.memory_space<vmem>>
    %dma_wait3A_546 = tpu.memref_squeeze %dma_wait3A_545 : memref<1x128x64xf32, #tpu.memory_space<vmem>> -> memref<128x64xf32, #tpu.memory_space<vmem>>
    %dma_wait3A_547 = arith.constant 0 : i32
    %dma_wait3A_548 = arith.constant 0 : i32
    %dma_wait3A_549 = tpu.memref_slice %arg4[%add3A, %dma_wait3A_541, %dma_wait3A_547, %dma_wait3A_548] : memref<32x200x128x64xf32, #tpu.memory_space<hbm>> -> memref<1x1x128x64xf32, #tpu.memory_space<hbm>>
    %dma_wait3A_550 = tpu.memref_squeeze %dma_wait3A_549 : memref<1x1x128x64xf32, #tpu.memory_space<hbm>> -> memref<128x64xf32, #tpu.memory_space<hbm>>
    %dma_wait3A_551 = tpu.memref_slice %arg9[%dma_wait3A_542] : memref<4x!tpu.dma_semaphore, #tpu.memory_space<semaphore_mem>> -> memref<1x!tpu.dma_semaphore, #tpu.memory_space<semaphore_mem>>
    %dma_wait3A_552 = tpu.memref_squeeze %dma_wait3A_551 : memref<1x!tpu.dma_semaphore, #tpu.memory_space<semaphore_mem>> -> memref<!tpu.dma_semaphore, #tpu.memory_space<semaphore_mem>>
    %dma_wait3A_553 = arith.constant 0 : i32
    %dma_wait3A_554 = arith.constant 0 : i32
    %dma_wait3A_555 = tpu.memref_slice %arg4[%add3A, %dma_wait3A_541, %dma_wait3A_553, %dma_wait3A_554] : memref<32x200x128x64xf32, #tpu.memory_space<hbm>> -> memref<1x1x128x64xf32, #tpu.memory_space<hbm>>
    %dma_wait3A_556 = tpu.memref_squeeze %dma_wait3A_555 : memref<1x1x128x64xf32, #tpu.memory_space<hbm>> -> memref<128x64xf32, #tpu.memory_space<hbm>>
    %dma_wait3A_557 = arith.constant 0 : i32
    %dma_wait3A_558 = arith.constant 0 : i32
    %dma_wait3A_559 = tpu.memref_slice %arg7[%dma_wait3A_540, %dma_wait3A_557, %dma_wait3A_558] : memref<4x128x64xf32, #tpu.memory_space<vmem>> -> memref<1x128x64xf32, #tpu.memory_space<vmem>>
    %dma_wait3A_560 = tpu.memref_squeeze %dma_wait3A_559 : memref<1x128x64xf32, #tpu.memory_space<vmem>> -> memref<128x64xf32, #tpu.memory_space<vmem>>
    tpu.wait_dma2 semaphore(%dma_wait3A_552 : memref<!tpu.dma_semaphore, #tpu.memory_space<semaphore_mem>>) src(%dma_wait3A_560 : memref<128x64xf32, #tpu.memory_space<vmem>>) dst(%dma_wait3A_556 : memref<128x64xf32, #tpu.memory_space<hbm>>)
    %dma_wait3A_561 = arith.constant 2 : i32
    %dma_wait3A_562 = arith.constant 198 : i32
    %dma_wait3A_563 = arith.constant 2 : i32
    %dma_wait3A_564 = arith.constant 0 : i32
    %dma_wait3A_565 = arith.constant 0 : i32
    %dma_wait3A_566 = tpu.memref_slice %arg7[%dma_wait3A_561, %dma_wait3A_564, %dma_wait3A_565] : memref<4x128x64xf32, #tpu.memory_space<vmem>> -> memref<1x128x64xf32, #tpu.memory_space<vmem>>
    %dma_wait3A_567 = tpu.memref_squeeze %dma_wait3A_566 : memref<1x128x64xf32, #tpu.memory_space<vmem>> -> memref<128x64xf32, #tpu.memory_space<vmem>>
    %dma_wait3A_568 = arith.constant 0 : i32
    %dma_wait3A_569 = arith.constant 0 : i32
    %dma_wait3A_570 = tpu.memref_slice %arg4[%add3A, %dma_wait3A_562, %dma_wait3A_568, %dma_wait3A_569] : memref<32x200x128x64xf32, #tpu.memory_space<hbm>> -> memref<1x1x128x64xf32, #tpu.memory_space<hbm>>
    %dma_wait3A_571 = tpu.memref_squeeze %dma_wait3A_570 : memref<1x1x128x64xf32, #tpu.memory_space<hbm>> -> memref<128x64xf32, #tpu.memory_space<hbm>>
    %dma_wait3A_572 = tpu.memref_slice %arg9[%dma_wait3A_563] : memref<4x!tpu.dma_semaphore, #tpu.memory_space<semaphore_mem>> -> memref<1x!tpu.dma_semaphore, #tpu.memory_space<semaphore_mem>>
    %dma_wait3A_573 = tpu.memref_squeeze %dma_wait3A_572 : memref<1x!tpu.dma_semaphore, #tpu.memory_space<semaphore_mem>> -> memref<!tpu.dma_semaphore, #tpu.memory_space<semaphore_mem>>
    %dma_wait3A_574 = arith.constant 0 : i32
    %dma_wait3A_575 = arith.constant 0 : i32
    %dma_wait3A_576 = tpu.memref_slice %arg4[%add3A, %dma_wait3A_562, %dma_wait3A_574, %dma_wait3A_575] : memref<32x200x128x64xf32, #tpu.memory_space<hbm>> -> memref<1x1x128x64xf32, #tpu.memory_space<hbm>>
    %dma_wait3A_577 = tpu.memref_squeeze %dma_wait3A_576 : memref<1x1x128x64xf32, #tpu.memory_space<hbm>> -> memref<128x64xf32, #tpu.memory_space<hbm>>
    %dma_wait3A_578 = arith.constant 0 : i32
    %dma_wait3A_579 = arith.constant 0 : i32
    %dma_wait3A_580 = tpu.memref_slice %arg7[%dma_wait3A_561, %dma_wait3A_578, %dma_wait3A_579] : memref<4x128x64xf32, #tpu.memory_space<vmem>> -> memref<1x128x64xf32, #tpu.memory_space<vmem>>
    %dma_wait3A_581 = tpu.memref_squeeze %dma_wait3A_580 : memref<1x128x64xf32, #tpu.memory_space<vmem>> -> memref<128x64xf32, #tpu.memory_space<vmem>>
    tpu.wait_dma2 semaphore(%dma_wait3A_573 : memref<!tpu.dma_semaphore, #tpu.memory_space<semaphore_mem>>) src(%dma_wait3A_581 : memref<128x64xf32, #tpu.memory_space<vmem>>) dst(%dma_wait3A_577 : memref<128x64xf32, #tpu.memory_space<hbm>>)
    %dma_wait3A_582 = arith.constant 3 : i32
    %dma_wait3A_583 = arith.constant 199 : i32
    %dma_wait3A_584 = arith.constant 3 : i32
    %dma_wait3A_585 = arith.constant 0 : i32
    %dma_wait3A_586 = arith.constant 0 : i32
    %dma_wait3A_587 = tpu.memref_slice %arg7[%dma_wait3A_582, %dma_wait3A_585, %dma_wait3A_586] : memref<4x128x64xf32, #tpu.memory_space<vmem>> -> memref<1x128x64xf32, #tpu.memory_space<vmem>>
    %dma_wait3A_588 = tpu.memref_squeeze %dma_wait3A_587 : memref<1x128x64xf32, #tpu.memory_space<vmem>> -> memref<128x64xf32, #tpu.memory_space<vmem>>
    %dma_wait3A_589 = arith.constant 0 : i32
    %dma_wait3A_590 = arith.constant 0 : i32
    %dma_wait3A_591 = tpu.memref_slice %arg4[%add3A, %dma_wait3A_583, %dma_wait3A_589, %dma_wait3A_590] : memref<32x200x128x64xf32, #tpu.memory_space<hbm>> -> memref<1x1x128x64xf32, #tpu.memory_space<hbm>>
    %dma_wait3A_592 = tpu.memref_squeeze %dma_wait3A_591 : memref<1x1x128x64xf32, #tpu.memory_space<hbm>> -> memref<128x64xf32, #tpu.memory_space<hbm>>
    %dma_wait3A_593 = tpu.memref_slice %arg9[%dma_wait3A_584] : memref<4x!tpu.dma_semaphore, #tpu.memory_space<semaphore_mem>> -> memref<1x!tpu.dma_semaphore, #tpu.memory_space<semaphore_mem>>
    %dma_wait3A_594 = tpu.memref_squeeze %dma_wait3A_593 : memref<1x!tpu.dma_semaphore, #tpu.memory_space<semaphore_mem>> -> memref<!tpu.dma_semaphore, #tpu.memory_space<semaphore_mem>>
    %dma_wait3A_595 = arith.constant 0 : i32
    %dma_wait3A_596 = arith.constant 0 : i32
    %dma_wait3A_597 = tpu.memref_slice %arg4[%add3A, %dma_wait3A_583, %dma_wait3A_595, %dma_wait3A_596] : memref<32x200x128x64xf32, #tpu.memory_space<hbm>> -> memref<1x1x128x64xf32, #tpu.memory_space<hbm>>
    %dma_wait3A_598 = tpu.memref_squeeze %dma_wait3A_597 : memref<1x1x128x64xf32, #tpu.memory_space<hbm>> -> memref<128x64xf32, #tpu.memory_space<hbm>>
    %dma_wait3A_599 = arith.constant 0 : i32
    %dma_wait3A_600 = arith.constant 0 : i32
    %dma_wait3A_601 = tpu.memref_slice %arg7[%dma_wait3A_582, %dma_wait3A_599, %dma_wait3A_600] : memref<4x128x64xf32, #tpu.memory_space<vmem>> -> memref<1x128x64xf32, #tpu.memory_space<vmem>>
    %dma_wait3A_602 = tpu.memref_squeeze %dma_wait3A_601 : memref<1x128x64xf32, #tpu.memory_space<vmem>> -> memref<128x64xf32, #tpu.memory_space<vmem>>
    tpu.wait_dma2 semaphore(%dma_wait3A_594 : memref<!tpu.dma_semaphore, #tpu.memory_space<semaphore_mem>>) src(%dma_wait3A_602 : memref<128x64xf32, #tpu.memory_space<vmem>>) dst(%dma_wait3A_598 : memref<128x64xf32, #tpu.memory_space<hbm>>)
    return
  }
}

</mosaic_0001>

<sc_bundles>
// kernel: kernel.3.cloned.1.call-start
scs
__scs_entry_jumppad:
0x0: {  	(pc) =	sbr.rel $0x88, $3  }
0x1: {  	(tag) =	ssettag $0x0;
	lr =	simm.s32 $0x1  }
0x2: {  	[smem:$0x3F9F] =	sst lr;
	_ =	strace $0xD0000000  }
0x3: {  	_ = 	snop  }
0x4: {  	_ = 	snop  }
0x5: {  	_ = 	snop  }
0x6: {  	_ = 	snop  }
0x7: {  	_ = 	snop  }
__scs_overlays_trampoline_lowered:
0x8: {  	[smem:$0x3FAE] =	sst s0  }
0x9: {  	[smem:$0x3FAF] =	sst s1  }
0xa: {  	[smem:$0x3FB0] =	sst s2  }
0xb: {  	[smem:$0x3FB1] =	sst s3  }
0xc: {  	[smem:$0x3FB2] =	sst s4  }
0xd: {  	[smem:$0x3FB3] =	sst s5  }
0xe: {  	[smem:$0x3FB4] =	sst s6  }
0xf: {  	[smem:$0x3FB5] =	sst s7  }
0x10: {  	[smem:$0x3FB6] =	sst s8  }
0x11: {  	[smem:$0x3FB7] =	sst s9;
	s0 =	simm.s32 @!p0 $0x0  }
0x12: {  	s1 =	sld [smem:$0x3F9D];
	s0 =	simm.s32 @p0 $0x1  }
0x13: {  	[smem:$0x3FB8] =	sst s0;
	s0 =	simm.s32 @!p1 $0x0  }
0x14: {  	s2 =	sld [smem:$0x3F9C];
	s0 =	simm.s32 @p1 $0x1  }
0x15: {  	[smem:$0x3FB9] =	sst s0;
	s0 =	simm.s32 @!p2 $0x0  }
0x16: {  	s3 =	sld [smem:$0x3FDB];
	s0 =	simm.s32 @p2 $0x1  }
0x17: {  	s4 =	simm.s32 $0x1BF5;
	[smem:$0x3FBB] =	sst s0  }
0x18: {  	s0 =	sld [smem:$0x3F9E];
	_ =	swait.ge [sflag:s4], $0x0  }
0x19: {  	s7 =	sld [smem:$0x3F9F]  }
0x1a: {  	s8 =	sadd.s32 $0xFFFFE003, lr  }
0x1b: {  	s9 =	sadd.s32 $0xFFFFFEF7, lr;
	s5 =	simm.s32 $0xFFFFFFFF;
	p2 =	slt.u32 s8, $0xFFFFF086  }
0x1c: {  	p1 =	slt.u32 s9, $0xF7A;
	s5 =	simm.s32 @!p2 $0x0  }
0x1d: {  	s5 =	simm.s32 @p1 $0x1;
	p0 =	seq.s32 s7, s2  }
0x1e: {  	s7 =	smul.u32 @!p0 $0xF7A, s2;
	p2 =	seq.s32 @!p0 s5, $0x0  }
0x1f: {  	s9 =	smul.u32 $0xF7A, s1;
	s8 =	simm.s32 @!p0 $0x1BF5;
	p2 =	por !p2, p0  }
0x20: {  	[sflag:s8] =	ssyncset.s32 @!p0 $0xFFFFF086;
	s6 =	sadd.s32 @!p0 s3, s7;
	s7 =	simm.s32 @!p0 $0x108  }
0x21: {  	s3 =	sadd.s32 s3, s9;
	s6 =	sadd.s32 @!p0 $0x88, s6;
	s7 =	simm.s32 @p2 $0x1082  }
0x22: {  	[simem:s7], [sflag:s8] =	dma.local @!p0 [hbm:s6], $0xF7A  }
0x23: {  	s9 =	sor.u32 $0xD0000000, s2;
	s6 =	simm.s32 $0x108;
	_ =	swait.ge @!p0 [sflag:s8], $0x0  }
0x24: {  	s3 =	sadd.s32 $0x88, s3;
	s6 =	simm.s32 @!p1 $0x1082;
	[sflag:s4] =	ssyncset.s32 $0xFFFFF086  }
0x25: {  	[simem:s6], [sflag:s4] =	dma.local [hbm:s3], $0xF7A  }
0x26: {  	[smem:$0x3F9F] =	sst s1;
	(tag) =	ssettag s2;
	_ =	strace s9  }
0x27: {  	s1 =	sld [smem:$0x3FAF]  }
0x28: {  	s2 =	sld [smem:$0x3FB0]  }
0x29: {  	s4 =	sld [smem:$0x3FB2]  }
0x2a: {  	p0 =	seq.s32 s5, $0x0;
	s5 =	sld [smem:$0x3FB3]  }
0x2b: {  	s6 =	sld [smem:$0x3FB4]  }
0x2c: {  	s7 =	sld [smem:$0x3FB5]  }
0x2d: {  	s3 =	simm.s32 $0x108;
	s8 =	sld [smem:$0x3FB6]  }
0x2e: {  	s3 =	simm.s32 @!p0 $0x1082;
	s9 =	sld [smem:$0x3FB7]  }
0x2f: {  	lr =	sadd.s32 s0, s3;
	s0 =	sld [smem:$0x3FAE]  }
0x30: {  	s3 =	sld [smem:$0x3FB1]  }
0x31: {  	[smem:$0x3FBA] =	sst s10  }
0x32: {  	s10 =	sld [smem:$0x3FB8];
	_ =	sdelay $0x3  }
0x33: {  	p0 =	seq.s32 s10, $0x1;
	s10 =	sld [smem:$0x3FBA];
	_ =	sdelay $0x3  }
0x34: {  	[smem:$0x3FBA] =	sst s10  }
0x35: {  	s10 =	sld [smem:$0x3FB9];
	_ =	sdelay $0x3  }
0x36: {  	p1 =	seq.s32 s10, $0x1;
	s10 =	sld [smem:$0x3FBA];
	_ =	sdelay $0x3  }
0x37: {  	[smem:$0x3FBA] =	sst s10  }
0x38: {  	s10 =	sld [smem:$0x3FBB]  }
0x39: {  	_ = 	snop;
	(pc) =	sbr.ind lr, $3  }
0x3a: {  	_ = 	snop  }
0x3b: {  	_ = 	snop  }
0x3c: {  	p2 =	seq.s32 s10, $0x1;
	s10 =	sld [smem:$0x3FBA]  }
0x3d: {  	_ =	shalt  }
0x3e: {  	_ =	shalt  }
0x3f: {  	_ =	shalt  }
0x40: {  	_ =	shalt  }
0x41: {  	_ =	shalt  }
0x42: {  	_ =	shalt  }
0x43: {  	_ =	shalt  }
0x44: {  	_ =	shalt  }
0x45: {  	_ =	shalt  }
0x46: {  	_ =	shalt  }
0x47: {  	_ =	shalt  }
0x48: {  	_ =	shalt  }
0x49: {  	_ =	shalt  }
0x4a: {  	_ =	shalt  }
0x4b: {  	_ =	shalt  }
0x4c: {  	_ =	shalt  }
0x4d: {  	_ =	shalt  }
0x4e: {  	_ =	shalt  }
0x4f: {  	_ =	shalt  }
0x50: {  	_ =	shalt  }
0x51: {  	_ =	shalt  }
0x52: {  	_ =	shalt  }
0x53: {  	_ =	shalt  }
0x54: {  	_ =	shalt  }
0x55: {  	_ =	shalt  }
0x56: {  	_ =	shalt  }
0x57: {  	_ =	shalt  }
0x58: {  	_ =	shalt  }
0x59: {  	_ =	shalt  }
0x5a: {  	_ =	shalt  }
0x5b: {  	_ =	shalt  }
0x5c: {  	_ =	shalt  }
0x5d: {  	_ =	shalt  }
0x5e: {  	_ =	shalt  }
0x5f: {  	_ =	shalt  }
0x60: {  	_ =	shalt  }
0x61: {  	_ =	shalt  }
0x62: {  	_ =	shalt  }
0x63: {  	_ =	shalt  }
0x64: {  	_ =	shalt  }
0x65: {  	_ =	shalt  }
0x66: {  	_ =	shalt  }
0x67: {  	_ =	shalt  }
0x68: {  	_ =	shalt  }
0x69: {  	_ =	shalt  }
0x6a: {  	_ =	shalt  }
0x6b: {  	_ =	shalt  }
0x6c: {  	_ =	shalt  }
0x6d: {  	_ =	shalt  }
0x6e: {  	_ =	shalt  }
0x6f: {  	_ =	shalt  }
0x70: {  	_ =	shalt  }
0x71: {  	_ =	shalt  }
0x72: {  	_ =	shalt  }
0x73: {  	_ =	shalt  }
0x74: {  	_ =	shalt  }
0x75: {  	_ =	shalt  }
0x76: {  	_ =	shalt  }
0x77: {  	_ =	shalt  }
0x78: {  	_ =	shalt  }
0x79: {  	_ =	shalt  }
0x7a: {  	_ =	shalt  }
0x7b: {  	_ =	shalt  }
0x7c: {  	_ =	shalt  }
0x7d: {  	_ =	shalt  }
0x7e: {  	_ =	shalt  }
0x7f: {  	_ =	shalt  }
0x80: {  	_ =	shalt  }
0x81: {  	_ =	shalt  }
0x82: {  	_ =	shalt  }
0x83: {  	_ =	shalt  }
0x84: {  	_ =	shalt  }
0x85: {  	_ =	shalt  }
0x86: {  	_ =	shalt  }
0x87: {  	_ =	shalt  }
.Lfunc_end0:
.L_simem_size_0:
called_computation.1_lowered:
.L_overlay_start_0:
0x88: {  	s2 =	sld [smem:$0x3FD9]  }
0x89: {  	s3 =	sld [smem:$0x3FFE];
	_ =	sdelay $0x1  }
0x8a: {  	s1 =	srdreg.scid  }
0x8b: {  	s0 =	sand.u32 $0x1, s1  }
0x8c: {  	s17 =	sshll.u32 s0, $0xA;
	s2 =	sadd.s32 s3, s2  }
0x8d: {  	s2 =	sadd.s32 s2, s17  }
0x8e: {  	[smem:$0x3FC6] =	sst s2  }
0x8f: {  	_ = 	snop  }
0x90: {  	s2 =	sld [smem:$0x3FD0];
	(tm) =	ssettm $0x1  }
0x91: {  	s18 =	sld [smem:$0x3FFB];
	_ =	sdelay $0x3  }
0x92: {  	_ =	strace s18  }
0x93: {  	s3 =	sld [smem:$0x3FFC];
	_ =	sdelay $0x3  }
0x94: {  	_ =	strace s3  }
0x95: {  	s3 =	sld [smem:$0x3FFD];
	_ =	sdelay $0x3  }
0x96: {  	_ =	strace s3  }
0x97: {  	_ =	strace $0x8FFFFFFF  }
0x98: {  	s19 =	sld [smem:$0x3FDB];
	_ =	sdelay $0x1  }
0x99: {  	s4 =	simm.s32 $_scs_section_size  }
0x9a: {  	s5 =	simm.s32 $_size__tile_overlayer_lowered;
	s6 =	simm.s32 $_tile_overlayer_lowered  }
0x9b: {  	s22 =	simm.s32 $0x1BFF;
	s21 =	sshll.u32 s6, $0x1;
	s3 =	sadd.s32 s4, s19  }
0x9c: {  	s7 =	simm.s32 $0x0;
	s20 =	sshll.u32 s5, $0x1;
	s5 =	sadd.s32 s21, s3  }
0x9d: {  	[timem:s7], [sflag:s22] =	dma.local [hbm:s5], s20  }
0x9e: {  	_ =	swait.ge [sflag:s22], s20  }
0x9f: {  	s4 =	ssub.s32 $0x0, s20;
	[sflag:s22] =	ssyncset.done $0x0  }
0xa0: {  	[sflag:s22] =	ssyncadd.s32 s4;
	_ =	sdelay $0x1  }
0xa1: {  	s23 =	simm.s32 $0x1B8B  }
0xa2: {  	_ =	swait.ge [sflag:s23], $0x1  }
0xa3: {  	[sflag:s23] =	ssyncset.done $0x0  }
0xa4: {  	s25 =	simm.s32 $0x1B8E;
	s24 =	sld [smem:$0x3FFE];
	[sflag:s23] =	ssyncadd.s32 $0xFFFFFFFF  }
0xa5: {  	s26 =	simm.s32 $execute0_lowered;
	[smem:$0x3FD2] =	sst s25  }
0xa6: {  	s5 =	sshll.u32 s26, $0x1;
	_ =	strace $0x80000046;
	[dreg:$0x1] =	wrdreg $0xFFFFFFFF  }
0xa7: {  	s28 =	simm.s32 $_size_execute0_lowered;
	s3 =	sadd.s32 s3, s5;
	[dreg:$0x0] =	wrdreg $0x0  }
0xa8: {  	s5 =	sshll.u32 s28, $0x1;
	[dreg:$0x2] =	wrdreg s3  }
0xa9: {  	[dreg:$0x3] =	wrdreg s5  }
0xaa: {  	[dreg:$0x4] =	wrdreg $0xC0  }
0xab: {  	_ =	task [dreg:s7], $0x5FFFF  }
0xac: {  	[dreg:$0x1] =	wrdreg $0xFFFFFFFF  }
0xad: {  	[dreg:$0x0] =	wrdreg $0x60  }
0xae: {  	[dreg:$0x2] =	wrdreg s24  }
0xaf: {  	[dreg:$0x3] =	wrdreg s2  }
0xb0: {  	[dreg:$0x4] =	wrdreg $0x9  }
0xb1: {  	_ =	task.clear_ibuf [dreg:s7], $0x5FFFF;
	_ =	strace $0x90000046  }
0xb2: {  	s29 =	simm.s32 $0x9;
	_ =	strace $0x80000048  }
0xb3: {  	_ =	swait.ge [sflag:s29], $0x1  }
0xb4: {  	[sflag:s29] =	ssyncadd.s32 $0xFFFFFFFF  }
0xb5: {  	_ =	strace $0x90000048  }
0xb6: {  	_ =	sfence  }
0xb7: {  	s30 =	sld [smem:$0x0];
	_ =	sdelay $0x2  }
0xb8: {  	s31 =	sshll.u32 s1, $0xD;
	s1 =	sshrl.u32 s1, $0x2  }
0xb9: {  	s3 =	sand.u32 $0x4000, s31;
	s1 =	sadd.s32 s1, s30  }
0xba: {  	s0 =	sor.u32 s3, s0;
	s1 =	sshll.u32 s1, $0x11  }
0xbb: {  	s0 =	sor.u32 s1, s0  }
0xbc: {  	s0 =	sadd.s32 $0x8F2B, s0  }
0xbd: {  	[sflag:s0] =	ssyncadd.remote.s32 $0x1  }
0xbe: {  	_ =	sfence.sel $0xFFFF  }
0xbf: {  	[dreg:$0x0] =	wrdreg $0xFFFFFFFF;
	(pc) =	sbr.abs _section_cstart, $3  }
0xc0: {  	[dreg:$0x1] =	wrdreg $0xFFFFFFFF  }
0xc1: {  	_ =	task.clear_ibuf [dreg:s7], $0x2FFFF;
	_ =	strace $0x9FFFFFFF  }
0xc2: {  	(tm) =	ssettm $0x7FFFFFFF  }
0xc3: {  	_ =	shalt  }
tec
execute0_lowered:
.L_overlay_start_1:
0x0: {  	(tag) =	ssettag $0x1  }
0x1: {  	s0 =	srdreg.scid  }
0x2: {  	s2 =	stileid.u32;
	s1 =	rddreg [dreg:$0x0];
	s28 =	simm.s32 $0x1  }
0x3: {  	s29 =	simm.s32 $0xE400;
	s31 =	simm.s32 $0x2;
	s30 =	simm.s32 $0x14400  }
0x4: {  	s8 =	simm.s32 $0x6;
	s0 =	sand.u32 $0x1, s0;
	s3 =	sshll.u32 s2, $0x1  }
0x5: {  	s2 =	rddreg [dreg:$0x1];
	s4 =	sor.u32 s0, s3;
	s0 =	ssub.s32 $0x2, s0  }
0x6: {  	s3 =	simm.s32 $0x0;
	s5 =	smul.u32 $0xC80, s4;
	s18 =	sshrl.u32 s0, $0x1  }
0x7: {  	[smem:$0x7FF] =	sst s3;
	s4 =	smul.u32 $0x190000, s4;
	s0 =	ssub.s32 s0, s18  }
0x8: {  	_ =	strace $0x80000047;
	s6 =	sadd.s32 s5, s1;
	s0 =	smax.u32 s0, $0x1  }
0x9: {  	s7 =	sshrl.u32 s4, $0x3;
	s19 =	sadd.s32 $0xA00, s6;
	[dreg:$0xc] =	wrdreg s0  }
0xa: {  	s9 =	simm.s32 $0x7;
	s20 =	sadd.s32 s2, s7;
	[dreg:$0x3] =	wrdreg s19  }
0xb: {  	s10 =	simm.s32 $0x8;
	s21 =	sadd.s32 $0x400, s20;
	[dreg:$0x4] =	wrdreg s20  }
0xc: {  	s14 =	simm.s32 $0x0;
	s22 =	sadd.s32 $0x800, s20;
	[dreg:$0x5] =	wrdreg s21  }
0xd: {  	s5 =	sadd.s32 $0xF42E00, s1;
	s23 =	sadd.s32 $0xC00, s20;
	[dreg:$0x6] =	wrdreg s22  }
0xe: {  	s11 =	sor.u32 $0x2000, s4;
	s24 =	sadd.s32 $0x31000, s20;
	[dreg:$0x7] =	wrdreg s23  }
0xf: {  	s12 =	sor.u32 $0x4000, s4;
	s25 =	sadd.s32 $0x31400, s20;
	[dreg:$0x8] =	wrdreg s24  }
0x10: {  	s13 =	sor.u32 $0x6000, s4;
	s26 =	sadd.s32 $0x31800, s20;
	[dreg:$0x9] =	wrdreg s25  }
0x11: {  	s0 =	simm.s32 $0x4;
	s1 =	sadd.s32 $0x31C00, s20;
	[dreg:$0xa] =	wrdreg s26  }
0x12: {  	s6 =	simm.s32 $0x5;
	s20 =	simm.s32 $0x80;
	[dreg:$0xb] =	wrdreg s1  }
0x13: {  	s24 =	simm.s32 $0xA400;
	s26 =	simm.s32 $0xC400;
	s1 =	simm.s32 $0x10400  }
0x14: {  	s23 =	simm.s32 $0x3;
	s25 =	simm.s32 $0x12400;
	s22 =	simm.s32 $0x84F0  }
.LBB2_1:
0x15: {  	[dreg:$0xd] =	wrdreg s14  }
0x16: {  	s7 =	rddreg [dreg:$0x3];
	s16 =	simm.s32 $0x9  }
0x17: {  	[tilespmem:s3], [sflag:$0x9] =	stream.linear.gather [hbm4b:s7+s3], $0x6400, $0x38;
	[tilespmem:$0x16400] =	vst v63  }
0x18: {  	_ =	swait.ge [sflag:s16], $0x6400  }
0x19: {  	[sflag:s16] =	ssyncset.done $0x0  }
0x1a: {  	s17 =	simm.s32 $0x6400;
	[sflag:s16] =	ssyncadd.s32 $0xFFFF9C00  }
0x1b: {  	[tilespmem:s17], [sflag:$0x1] =	stream.indirect.gather [hbm4b:s5+s20], $0x40, s3, s20, $0xb8;
	[tilespmem:$0x16400] =	vst v63  }
0x1c: {  	s18 =	simm.s32 $0x8400  }
0x1d: {  	[tilespmem:s18], [sflag:$0x2] =	stream.indirect.gather [hbm4b:s5+s20], $0x40, s20, s20, $0xb8;
	[tilespmem:$0x16400] =	vst v63  }
0x1e: {  	s19 =	simm.s32 $0x100  }
0x1f: {  	[tilespmem:s24], [sflag:$0x3] =	stream.indirect.gather [hbm4b:s5+s20], $0x40, s19, s20, $0xb8;
	[tilespmem:$0x16400] =	vst v63  }
0x20: {  	s21 =	simm.s32 $0x180  }
0x21: {  	[tilespmem:s26], [sflag:$0x4] =	stream.indirect.gather [hbm4b:s5+s20], $0x40, s21, s20, $0xb8;
	[tilespmem:$0x16400] =	vst v63  }
0x22: {  	_ =	swait.ge [sflag:s28], $0x2000  }
0x23: {  	[sflag:s28] =	ssyncset.done $0x0  }
0x24: {  	s18 =	simm.s32 $0x6480;
	[sflag:s28] =	ssyncadd.s32 $0xFFFFE000  }
0x25: {  	v0 =	vld [tilespmem:s18+$0x40];
	_ =	sdelay $0x3  }
0x26: {  	v1 =	vld [tilespmem:s18+$0xFFFFFF80]  }
0x27: {  	v2 =	vld [tilespmem:s18+$0xFFFFFFC0];
	v0 =	vmul.f32 $8.000000000e+00, v0  }
0x28: {  	s15 =	simm.s32 $0xE480;
	v3 =	vld [tilespmem:s18+$0x0]  }
0x29: {  	[tilespmem:s15+$0x40] =	vst v0  }
0x2a: {  	v0 =	vld [tilespmem:s18+$0x50]  }
0x2b: {  	v1 =	vmul.f32 $8.000000000e+00, v1  }
0x2c: {  	v2 =	vmul.f32 $8.000000000e+00, v2  }
0x2d: {  	v3 =	vmul.f32 $8.000000000e+00, v3;
	[tilespmem:s15+$0xFFFFFF80] =	vst v1  }
0x2e: {  	[tilespmem:s15+$0xFFFFFFC0] =	vst v2;
	v1 =	vld [tilespmem:s18+$0xFFFFFF90]  }
0x2f: {  	[tilespmem:s15+$0x0] =	vst v3;
	v2 =	vld [tilespmem:s18+$0xFFFFFFD0];
	v0 =	vmul.f32 $8.000000000e+00, v0  }
0x30: {  	s16 =	simm.s32 $0x6580;
	v3 =	vld [tilespmem:s18+$0x10]  }
0x31: {  	[tilespmem:s15+$0x50] =	vst v0;
	v0 =	vld [tilespmem:s16+$0x40]  }
0x32: {  	v4 =	vld [tilespmem:s18+$0x60]  }
0x33: {  	v5 =	vld [tilespmem:s16+$0xFFFFFFC0];
	v1 =	vmul.f32 $8.000000000e+00, v1  }
0x34: {  	v6 =	vld [tilespmem:s16+$0x0];
	v2 =	vmul.f32 $8.000000000e+00, v2  }
0x35: {  	v3 =	vmul.f32 $8.000000000e+00, v3;
	[tilespmem:s15+$0xFFFFFF90] =	vst v1;
	v1 =	vld [tilespmem:s16+$0xFFFFFF80]  }
0x36: {  	[tilespmem:s15+$0xFFFFFFD0] =	vst v2;
	v2 =	vld [tilespmem:s18+$0xFFFFFFA0];
	v0 =	vmul.f32 $8.000000000e+00, v0  }
0x37: {  	s7 =	simm.s32 $0xE580;
	[tilespmem:s15+$0x10] =	vst v3;
	v7 =	vld [tilespmem:s18+$0xFFFFFFE0];
	v3 =	vmul.f32 $8.000000000e+00, v4  }
0x38: {  	v4 =	vmul.f32 $8.000000000e+00, v5;
	[tilespmem:s7+$0x40] =	vst v0;
	v0 =	vld [tilespmem:s18+$0x20]  }
0x39: {  	v5 =	vmul.f32 $8.000000000e+00, v6;
	v6 =	vld [tilespmem:s16+$0x50];
	[tilespmem:s15+$0x60] =	vst v3  }
0x3a: {  	v1 =	vmul.f32 $8.000000000e+00, v1;
	[tilespmem:s7+$0xFFFFFFC0] =	vst v4;
	v8 =	vld [tilespmem:s18+$0x70]  }
0x3b: {  	v2 =	vmul.f32 $8.000000000e+00, v2;
	[tilespmem:s7+$0x0] =	vst v5;
	v9 =	vld [tilespmem:s16+$0xFFFFFFD0]  }
0x3c: {  	[tilespmem:s7+$0xFFFFFF80] =	vst v1;
	v5 =	vmul.f32 $8.000000000e+00, v7;
	v3 =	vld [tilespmem:s16+$0x10]  }
0x3d: {  	v4 =	vld [tilespmem:s16+$0xFFFFFF90];
	[tilespmem:s15+$0xFFFFFFA0] =	vst v2;
	v2 =	vmul.f32 $8.000000000e+00, v0  }
0x3e: {  	v1 =	vld [tilespmem:s18+$0xFFFFFFB0];
	[tilespmem:s15+$0xFFFFFFE0] =	vst v5;
	v7 =	vmul.f32 $8.000000000e+00, v6  }
0x3f: {  	v0 =	vld [tilespmem:s18+$0xFFFFFFF0];
	[tilespmem:s15+$0x20] =	vst v2;
	v5 =	vmul.f32 $8.000000000e+00, v8  }
0x40: {  	s14 =	simm.s32 $0x6680;
	s17 =	simm.s32 $0x4;
	v6 =	vmul.f32 $8.000000000e+00, v9;
	[tilespmem:s7+$0x50] =	vst v7;
	v2 =	vld [tilespmem:s18+$0x30]  }
.LBB2_2:
0x41: {  	v7 =	vld [tilespmem:s14+$0x40];
	v3 =	vmul.f32 $8.000000000e+00, v3;
	[tilespmem:s15+$0x70] =	vst v5  }
0x42: {  	s17 =	sadd.s32 $0x4, s17;
	v4 =	vmul.f32 $8.000000000e+00, v4;
	[tilespmem:s7+$0xFFFFFFD0] =	vst v6;
	v5 =	vld [tilespmem:s16+$0x60]  }
0x43: {  	p0 =	slt.u32 s17, $0x7C;
	v6 =	vld [tilespmem:s14+$0xFFFFFFC0];
	[tilespmem:s7+$0x10] =	vst v3;
	v1 =	vmul.f32 $8.000000000e+00, v1  }
0x44: {  	v3 =	vld [tilespmem:s14+$0x0];
	[tilespmem:s7+$0xFFFFFF90] =	vst v4;
	v0 =	vmul.f32 $8.000000000e+00, v0  }
0x45: {  	v4 =	vld [tilespmem:s14+$0xFFFFFF80];
	[tilespmem:s15+$0xFFFFFFB0] =	vst v1;
	v1 =	vmul.f32 $8.000000000e+00, v2  }
0x46: {  	v2 =	vmul.f32 $8.000000000e+00, v7;
	v7 =	vld [tilespmem:s16+$0xFFFFFFA0];
	[tilespmem:s15+$0xFFFFFFF0] =	vst v0  }
0x47: {  	v0 =	vld [tilespmem:s16+$0xFFFFFFE0];
	v5 =	vmul.f32 $8.000000000e+00, v5;
	[tilespmem:s15+$0x30] =	vst v1;
	s15 =	smov.u32 s7;
	s7 =	sadd.s32 $0x100, s7  }
0x48: {  	v1 =	vmul.f32 $8.000000000e+00, v6;
	[tilespmem:s7+$0x40] =	vst v2;
	v2 =	vld [tilespmem:s16+$0x20]  }
0x49: {  	v3 =	vmul.f32 $8.000000000e+00, v3;
	v6 =	vld [tilespmem:s14+$0x50];
	[tilespmem:s15+$0x60] =	vst v5  }
0x4a: {  	v4 =	vmul.f32 $8.000000000e+00, v4;
	[tilespmem:s7+$0xFFFFFFC0] =	vst v1;
	v5 =	vld [tilespmem:s16+$0x70]  }
0x4b: {  	v8 =	vld [tilespmem:s14+$0xFFFFFFD0];
	[tilespmem:s7+$0x0] =	vst v3;
	v1 =	vmul.f32 $8.000000000e+00, v7  }
.Ltmp0:
0x4c: {  	[tilespmem:s7+$0xFFFFFF80] =	vst v4;
	v3 =	vld [tilespmem:s14+$0x10];
	v0 =	vmul.f32 $8.000000000e+00, v0;
	(pc) =	sbr.rel @p0 .LBB2_2-.Ltmp0, $4  }
0x4d: {  	v4 =	vld [tilespmem:s14+$0xFFFFFF90];
	[tilespmem:s15+$0xFFFFFFA0] =	vst v1;
	v2 =	vmul.f32 $8.000000000e+00, v2  }
0x4e: {  	v7 =	vmul.f32 $8.000000000e+00, v6;
	v1 =	vld [tilespmem:s16+$0xFFFFFFB0];
	[tilespmem:s15+$0xFFFFFFE0] =	vst v0  }
0x4f: {  	v0 =	vld [tilespmem:s16+$0xFFFFFFF0];
	[tilespmem:s15+$0x20] =	vst v2;
	v5 =	vmul.f32 $8.000000000e+00, v5  }
0x50: {  	v6 =	vmul.f32 $8.000000000e+00, v8;
	[tilespmem:s7+$0x50] =	vst v7;
	v2 =	vld [tilespmem:s16+$0x30];
	s16 =	smov.u32 s14;
	s14 =	sadd.s32 $0x100, s14  }
0x51: {  	_ = 	snop  }
0x52: {  	v4 =	vmul.f32 $8.000000000e+00, v4;
	_ =	sdelay $0x1  }
0x53: {  	v3 =	vmul.f32 $8.000000000e+00, v3;
	v7 =	vld [tilespmem:s16+$0x60];
	[tilespmem:s7+$0xFFFFFF90] =	vst v4  }
0x54: {  	[tilespmem:s7+$0xFFFFFFD0] =	vst v6;
	v4 =	vld [tilespmem:s16+$0xFFFFFFA0]  }
0x55: {  	[tilespmem:s7+$0x10] =	vst v3;
	v3 =	vld [tilespmem:s16+$0xFFFFFFE0]  }
0x56: {  	v6 =	vld [tilespmem:s16+$0x20];
	_ =	sdelay $0x1  }
0x57: {  	v7 =	vmul.f32 $8.000000000e+00, v7  }
0x58: {  	v4 =	vmul.f32 $8.000000000e+00, v4  }
0x59: {  	[tilespmem:s7+$0x60] =	vst v7;
	v3 =	vmul.f32 $8.000000000e+00, v3  }
0x5a: {  	v7 =	vld [tilespmem:s16+$0x70];
	[tilespmem:s7+$0xFFFFFFA0] =	vst v4;
	v4 =	vmul.f32 $8.000000000e+00, v6  }
0x5b: {  	[tilespmem:s7+$0xFFFFFFE0] =	vst v3;
	v6 =	vld [tilespmem:s16+$0xFFFFFFB0]  }
0x5c: {  	v1 =	vmul.f32 $8.000000000e+00, v1;
	v3 =	vld [tilespmem:s16+$0xFFFFFFF0];
	[tilespmem:s7+$0x20] =	vst v4  }
0x5d: {  	[tilespmem:s15+$0x70] =	vst v5;
	v0 =	vmul.f32 $8.000000000e+00, v0;
	v4 =	vld [tilespmem:s16+$0x30]  }
0x5e: {  	[tilespmem:s15+$0xFFFFFFB0] =	vst v1;
	v1 =	vmul.f32 $8.000000000e+00, v2  }
0x5f: {  	[tilespmem:s15+$0xFFFFFFF0] =	vst v0;
	v0 =	vmul.f32 $8.000000000e+00, v7  }
0x60: {  	[tilespmem:s15+$0x30] =	vst v1;
	v1 =	vmul.f32 $8.000000000e+00, v6  }
0x61: {  	[tilespmem:s7+$0x70] =	vst v0;
	v0 =	vmul.f32 $8.000000000e+00, v3  }
0x62: {  	[tilespmem:s7+$0xFFFFFFB0] =	vst v1;
	v1 =	vmul.f32 $8.000000000e+00, v4  }
0x63: {  	[tilespmem:s7+$0xFFFFFFF0] =	vst v0  }
0x64: {  	[tilespmem:s7+$0x30] =	vst v1  }
0x65: {  	s7 =	rddreg [dreg:$0x4]  }
0x66: {  	[hbm4b:s7+s3] =	stream.linear.scatter [tilespmem:s29], [sflag:$0x5], $0x2000, $0x38;
	[tilespmem:$0x16400] =	vst v63  }
0x67: {  	s21 =	simm.s32 $0x6400;
	s14 =	simm.s32 $0x200  }
0x68: {  	[tilespmem:s21], [sflag:$0x1] =	stream.indirect.gather [hbm4b:s5+s20], $0x40, s14, s20, $0xb8;
	[tilespmem:$0x16400] =	vst v63  }
0x69: {  	_ =	swait.ge [sflag:s31], $0x2000  }
0x6a: {  	[sflag:s31] =	ssyncset.done $0x0  }
0x6b: {  	s18 =	simm.s32 $0x84F0;
	[sflag:s31] =	ssyncadd.s32 $0xFFFFE000  }
0x6c: {  	v0 =	vld [tilespmem:s18+$0xFFFFFFD0];
	_ =	sdelay $0x3  }
0x6d: {  	v1 =	vld [tilespmem:s18+$0xFFFFFF10]  }
0x6e: {  	v2 =	vld [tilespmem:s18+$0xFFFFFF50];
	v0 =	vmul.f32 $8.000000000e+00, v0  }
0x6f: {  	s15 =	simm.s32 $0x104F0;
	v3 =	vld [tilespmem:s18+$0xFFFFFF90]  }
0x70: {  	[tilespmem:s15+$0xFFFFFFD0] =	vst v0  }
0x71: {  	v0 =	vld [tilespmem:s18+$0xFFFFFFE0]  }
0x72: {  	v1 =	vmul.f32 $8.000000000e+00, v1  }
0x73: {  	v2 =	vmul.f32 $8.000000000e+00, v2  }
0x74: {  	v3 =	vmul.f32 $8.000000000e+00, v3;
	[tilespmem:s15+$0xFFFFFF10] =	vst v1  }
0x75: {  	[tilespmem:s15+$0xFFFFFF50] =	vst v2;
	v1 =	vld [tilespmem:s18+$0xFFFFFF20]  }
0x76: {  	[tilespmem:s15+$0xFFFFFF90] =	vst v3;
	v2 =	vld [tilespmem:s18+$0xFFFFFF60];
	v0 =	vmul.f32 $8.000000000e+00, v0  }
0x77: {  	s16 =	simm.s32 $0x85F0;
	v3 =	vld [tilespmem:s18+$0xFFFFFFA0]  }
0x78: {  	[tilespmem:s15+$0xFFFFFFE0] =	vst v0;
	v0 =	vld [tilespmem:s16+$0xFFFFFFD0]  }
0x79: {  	v4 =	vld [tilespmem:s18+$0xFFFFFFF0]  }
0x7a: {  	v5 =	vld [tilespmem:s16+$0xFFFFFF50];
	v1 =	vmul.f32 $8.000000000e+00, v1  }
0x7b: {  	v6 =	vld [tilespmem:s16+$0xFFFFFF90];
	v2 =	vmul.f32 $8.000000000e+00, v2  }
0x7c: {  	v3 =	vmul.f32 $8.000000000e+00, v3;
	[tilespmem:s15+$0xFFFFFF20] =	vst v1;
	v1 =	vld [tilespmem:s16+$0xFFFFFF10]  }
0x7d: {  	[tilespmem:s15+$0xFFFFFF60] =	vst v2;
	v2 =	vld [tilespmem:s18+$0xFFFFFF30];
	v0 =	vmul.f32 $8.000000000e+00, v0  }
0x7e: {  	s7 =	simm.s32 $0x105F0;
	[tilespmem:s15+$0xFFFFFFA0] =	vst v3;
	v7 =	vld [tilespmem:s18+$0xFFFFFF70];
	v3 =	vmul.f32 $8.000000000e+00, v4  }
0x7f: {  	v4 =	vmul.f32 $8.000000000e+00, v5;
	[tilespmem:s7+$0xFFFFFFD0] =	vst v0;
	v0 =	vld [tilespmem:s18+$0xFFFFFFB0]  }
0x80: {  	v5 =	vmul.f32 $8.000000000e+00, v6;
	v6 =	vld [tilespmem:s16+$0xFFFFFFE0];
	[tilespmem:s15+$0xFFFFFFF0] =	vst v3  }
0x81: {  	v1 =	vmul.f32 $8.000000000e+00, v1;
	[tilespmem:s7+$0xFFFFFF50] =	vst v4;
	v8 =	vld [tilespmem:s18+$0x0]  }
0x82: {  	v2 =	vmul.f32 $8.000000000e+00, v2;
	[tilespmem:s7+$0xFFFFFF90] =	vst v5;
	v9 =	vld [tilespmem:s16+$0xFFFFFF60]  }
0x83: {  	[tilespmem:s7+$0xFFFFFF10] =	vst v1;
	v5 =	vmul.f32 $8.000000000e+00, v7;
	v3 =	vld [tilespmem:s16+$0xFFFFFFA0]  }
0x84: {  	v4 =	vld [tilespmem:s16+$0xFFFFFF20];
	[tilespmem:s15+$0xFFFFFF30] =	vst v2;
	v2 =	vmul.f32 $8.000000000e+00, v0  }
0x85: {  	v1 =	vld [tilespmem:s18+$0xFFFFFF40];
	[tilespmem:s15+$0xFFFFFF70] =	vst v5;
	v7 =	vmul.f32 $8.000000000e+00, v6  }
0x86: {  	v0 =	vld [tilespmem:s18+$0xFFFFFF80];
	[tilespmem:s15+$0xFFFFFFB0] =	vst v2;
	v5 =	vmul.f32 $8.000000000e+00, v8  }
0x87: {  	s17 =	simm.s32 $0x4;
	s14 =	simm.s32 $0x86F0;
	v6 =	vmul.f32 $8.000000000e+00, v9;
	[tilespmem:s7+$0xFFFFFFE0] =	vst v7;
	v2 =	vld [tilespmem:s18+$0xFFFFFFC0]  }
.LBB2_4:
0x88: {  	v7 =	vld [tilespmem:s14+$0xFFFFFFD0];
	v3 =	vmul.f32 $8.000000000e+00, v3;
	[tilespmem:s15+$0x0] =	vst v5  }
0x89: {  	s17 =	sadd.s32 $0x4, s17;
	v4 =	vmul.f32 $8.000000000e+00, v4;
	[tilespmem:s7+$0xFFFFFF60] =	vst v6;
	v5 =	vld [tilespmem:s16+$0xFFFFFFF0]  }
0x8a: {  	p0 =	slt.u32 s17, $0x7C;
	v6 =	vld [tilespmem:s14+$0xFFFFFF50];
	[tilespmem:s7+$0xFFFFFFA0] =	vst v3;
	v1 =	vmul.f32 $8.000000000e+00, v1  }
0x8b: {  	v3 =	vld [tilespmem:s14+$0xFFFFFF90];
	[tilespmem:s7+$0xFFFFFF20] =	vst v4;
	v0 =	vmul.f32 $8.000000000e+00, v0  }
0x8c: {  	v4 =	vld [tilespmem:s14+$0xFFFFFF10];
	[tilespmem:s15+$0xFFFFFF40] =	vst v1;
	v1 =	vmul.f32 $8.000000000e+00, v2  }
0x8d: {  	v2 =	vmul.f32 $8.000000000e+00, v7;
	v7 =	vld [tilespmem:s16+$0xFFFFFF30];
	[tilespmem:s15+$0xFFFFFF80] =	vst v0  }
0x8e: {  	v0 =	vld [tilespmem:s16+$0xFFFFFF70];
	v5 =	vmul.f32 $8.000000000e+00, v5;
	[tilespmem:s15+$0xFFFFFFC0] =	vst v1;
	s15 =	smov.u32 s7;
	s7 =	sadd.s32 $0x100, s7  }
0x8f: {  	v1 =	vmul.f32 $8.000000000e+00, v6;
	[tilespmem:s7+$0xFFFFFFD0] =	vst v2;
	v2 =	vld [tilespmem:s16+$0xFFFFFFB0]  }
0x90: {  	v3 =	vmul.f32 $8.000000000e+00, v3;
	v6 =	vld [tilespmem:s14+$0xFFFFFFE0];
	[tilespmem:s15+$0xFFFFFFF0] =	vst v5  }
0x91: {  	v4 =	vmul.f32 $8.000000000e+00, v4;
	[tilespmem:s7+$0xFFFFFF50] =	vst v1;
	v5 =	vld [tilespmem:s16+$0x0]  }
0x92: {  	v8 =	vld [tilespmem:s14+$0xFFFFFF60];
	[tilespmem:s7+$0xFFFFFF90] =	vst v3;
	v1 =	vmul.f32 $8.000000000e+00, v7  }
.Ltmp1:
0x93: {  	[tilespmem:s7+$0xFFFFFF10] =	vst v4;
	v3 =	vld [tilespmem:s14+$0xFFFFFFA0];
	v0 =	vmul.f32 $8.000000000e+00, v0;
	(pc) =	sbr.rel @p0 .LBB2_4-.Ltmp1, $4  }
0x94: {  	v4 =	vld [tilespmem:s14+$0xFFFFFF20];
	[tilespmem:s15+$0xFFFFFF30] =	vst v1;
	v2 =	vmul.f32 $8.000000000e+00, v2  }
0x95: {  	v7 =	vmul.f32 $8.000000000e+00, v6;
	v1 =	vld [tilespmem:s16+$0xFFFFFF40];
	[tilespmem:s15+$0xFFFFFF70] =	vst v0  }
0x96: {  	v0 =	vld [tilespmem:s16+$0xFFFFFF80];
	[tilespmem:s15+$0xFFFFFFB0] =	vst v2;
	v5 =	vmul.f32 $8.000000000e+00, v5  }
0x97: {  	v6 =	vmul.f32 $8.000000000e+00, v8;
	[tilespmem:s7+$0xFFFFFFE0] =	vst v7;
	v2 =	vld [tilespmem:s16+$0xFFFFFFC0];
	s16 =	smov.u32 s14;
	s14 =	sadd.s32 $0x100, s14  }
0x98: {  	_ = 	snop  }
0x99: {  	v4 =	vmul.f32 $8.000000000e+00, v4;
	_ =	sdelay $0x1  }
0x9a: {  	v3 =	vmul.f32 $8.000000000e+00, v3;
	v7 =	vld [tilespmem:s16+$0xFFFFFFF0];
	[tilespmem:s7+$0xFFFFFF20] =	vst v4  }
0x9b: {  	[tilespmem:s7+$0xFFFFFF60] =	vst v6;
	v4 =	vld [tilespmem:s16+$0xFFFFFF30]  }
0x9c: {  	[tilespmem:s7+$0xFFFFFFA0] =	vst v3;
	v3 =	vld [tilespmem:s16+$0xFFFFFF70]  }
0x9d: {  	v6 =	vld [tilespmem:s16+$0xFFFFFFB0];
	_ =	sdelay $0x1  }
0x9e: {  	v7 =	vmul.f32 $8.000000000e+00, v7  }
0x9f: {  	v4 =	vmul.f32 $8.000000000e+00, v4  }
0xa0: {  	[tilespmem:s7+$0xFFFFFFF0] =	vst v7;
	v3 =	vmul.f32 $8.000000000e+00, v3  }
0xa1: {  	v7 =	vld [tilespmem:s16+$0x0];
	[tilespmem:s7+$0xFFFFFF30] =	vst v4;
	v4 =	vmul.f32 $8.000000000e+00, v6  }
0xa2: {  	[tilespmem:s7+$0xFFFFFF70] =	vst v3;
	v6 =	vld [tilespmem:s16+$0xFFFFFF40]  }
0xa3: {  	v1 =	vmul.f32 $8.000000000e+00, v1;
	v3 =	vld [tilespmem:s16+$0xFFFFFF80];
	[tilespmem:s7+$0xFFFFFFB0] =	vst v4  }
0xa4: {  	[tilespmem:s15+$0x0] =	vst v5;
	v0 =	vmul.f32 $8.000000000e+00, v0;
	v4 =	vld [tilespmem:s16+$0xFFFFFFC0]  }
0xa5: {  	[tilespmem:s15+$0xFFFFFF40] =	vst v1;
	v1 =	vmul.f32 $8.000000000e+00, v2  }
0xa6: {  	[tilespmem:s15+$0xFFFFFF80] =	vst v0;
	v0 =	vmul.f32 $8.000000000e+00, v7  }
0xa7: {  	[tilespmem:s15+$0xFFFFFFC0] =	vst v1;
	v1 =	vmul.f32 $8.000000000e+00, v6  }
0xa8: {  	[tilespmem:s7+$0x0] =	vst v0;
	v0 =	vmul.f32 $8.000000000e+00, v3  }
0xa9: {  	[tilespmem:s7+$0xFFFFFF40] =	vst v1;
	v1 =	vmul.f32 $8.000000000e+00, v4  }
0xaa: {  	[tilespmem:s7+$0xFFFFFF80] =	vst v0  }
0xab: {  	[tilespmem:s7+$0xFFFFFFC0] =	vst v1  }
0xac: {  	s18 =	simm.s32 $0x0;
	s14 =	rddreg [dreg:$0x5]  }
0xad: {  	[hbm4b:s14+s18] =	stream.linear.scatter [tilespmem:s1], [sflag:$0x6], $0x2000, $0x38;
	[tilespmem:$0x16400] =	vst v63  }
0xae: {  	s19 =	simm.s32 $0x8400;
	s21 =	simm.s32 $0x280  }
0xaf: {  	[tilespmem:s19], [sflag:$0x2] =	stream.indirect.gather [hbm4b:s5+s20], $0x40, s21, s20, $0xb8;
	[tilespmem:$0x16400] =	vst v63  }
0xb0: {  	_ =	swait.ge [sflag:s23], $0x2000  }
0xb1: {  	[sflag:s23] =	ssyncset.done $0x0  }
0xb2: {  	s7 =	simm.s32 $0x0;
	[sflag:s23] =	ssyncadd.s32 $0xFFFFE000  }
0xb3: {  	v0 =	vld [tilespmem:s7+$0xA4F0]  }
0xb4: {  	v1 =	vld [tilespmem:s7+$0xA400]  }
0xb5: {  	v2 =	vld [tilespmem:s7+$0xA410]  }
0xb6: {  	v3 =	vld [tilespmem:s7+$0xA420]  }
0xb7: {  	v7 =	vld [tilespmem:s7+$0xA460]  }
0xb8: {  	v4 =	vld [tilespmem:s7+$0xA430]  }
0xb9: {  	v0 =	vmul.f32 $8.000000000e+00, v0  }
0xba: {  	v5 =	vld [tilespmem:s7+$0xA440];
	v1 =	vmul.f32 $8.000000000e+00, v1  }
0xbb: {  	v6 =	vld [tilespmem:s7+$0xA450];
	v2 =	vmul.f32 $8.000000000e+00, v2;
	[tilespmem:s7+$0x124F0] =	vst v0  }
0xbc: {  	v8 =	vld [tilespmem:s7+$0xA470];
	v7 =	vmul.f32 $8.000000000e+00, v7;
	[tilespmem:s7+$0x12400] =	vst v1  }
0xbd: {  	v0 =	vmul.f32 $8.000000000e+00, v3;
	[tilespmem:s7+$0x12410] =	vst v2;
	v1 =	vmul.f32 $8.000000000e+00, v4;
	v4 =	vld [tilespmem:s7+$0xA480]  }
0xbe: {  	v3 =	vld [tilespmem:s7+$0xA490];
	[tilespmem:s7+$0x12460] =	vst v7  }
0xbf: {  	v2 =	vmul.f32 $8.000000000e+00, v5;
	[tilespmem:s7+$0x12420] =	vst v0;
	v0 =	vld [tilespmem:s7+$0xA4A0]  }
0xc0: {  	v5 =	vmul.f32 $8.000000000e+00, v6;
	[tilespmem:s7+$0x12430] =	vst v1;
	v1 =	vld [tilespmem:s7+$0xA4B0]  }
0xc1: {  	v6 =	vmul.f32 $8.000000000e+00, v8;
	[tilespmem:s7+$0x12440] =	vst v2;
	v2 =	vld [tilespmem:s7+$0xA4C0]  }
0xc2: {  	s15 =	simm.s32 $0x400;
	s14 =	simm.s32 $0x0;
	[tilespmem:s7+$0x12450] =	vst v5;
	v5 =	vmul.f32 $8.000000000e+00, v4;
	v4 =	vld [tilespmem:s7+$0xA4D0]  }
.LBB2_6:
0xc3: {  	s16 =	sshra.s32 s15, $0x2;
	s14 =	sadd.s32 $0x4, s14;
	[tilespmem:s7+$0x12470] =	vst v6;
	v3 =	vmul.f32 $8.000000000e+00, v3;
	v6 =	vld [tilespmem:s7+$0xA4E0]  }
0xc4: {  	v7 =	vld [tilespmem:s16+$0xA4F0];
	p0 =	slt.u32 s14, $0x7C;
	[tilespmem:s7+$0x12480] =	vst v5;
	v0 =	vmul.f32 $8.000000000e+00, v0  }
0xc5: {  	v5 =	vld [tilespmem:s16+$0xA400];
	[tilespmem:s7+$0x12490] =	vst v3;
	v1 =	vmul.f32 $8.000000000e+00, v1  }
0xc6: {  	v3 =	vld [tilespmem:s16+$0xA410];
	[tilespmem:s7+$0x124A0] =	vst v0;
	v0 =	vmul.f32 $8.000000000e+00, v2  }
0xc7: {  	v2 =	vld [tilespmem:s16+$0xA420];
	[tilespmem:s7+$0x124B0] =	vst v1;
	v1 =	vmul.f32 $8.000000000e+00, v4  }
0xc8: {  	v4 =	vld [tilespmem:s16+$0xA430];
	[tilespmem:s7+$0x124C0] =	vst v0;
	v0 =	vmul.f32 $8.000000000e+00, v6  }
0xc9: {  	v6 =	vld [tilespmem:s16+$0xA440];
	v7 =	vmul.f32 $8.000000000e+00, v7;
	[tilespmem:s7+$0x124D0] =	vst v1  }
0xca: {  	v1 =	vmul.f32 $8.000000000e+00, v5;
	v5 =	vld [tilespmem:s16+$0xA450];
	[tilespmem:s7+$0x124E0] =	vst v0;
	s7 =	smov.u32 s16  }
0xcb: {  	v0 =	vmul.f32 $8.000000000e+00, v3;
	v8 =	vld [tilespmem:s7+$0xA460];
	[tilespmem:s7+$0x124F0] =	vst v7  }
0xcc: {  	[tilespmem:s7+$0x12400] =	vst v1;
	v1 =	vmul.f32 $8.000000000e+00, v2;
	v2 =	vld [tilespmem:s7+$0xA470]  }
0xcd: {  	[tilespmem:s7+$0x12410] =	vst v0;
	v0 =	vmul.f32 $8.000000000e+00, v4;
	v4 =	vld [tilespmem:s7+$0xA480]  }
.Ltmp2:
0xce: {  	[tilespmem:s7+$0x12420] =	vst v1;
	v1 =	vmul.f32 $8.000000000e+00, v6;
	v3 =	vld [tilespmem:s7+$0xA490];
	(pc) =	sbr.rel @p0 .LBB2_6-.Ltmp2, $4  }
0xcf: {  	[tilespmem:s7+$0x12430] =	vst v0;
	v5 =	vmul.f32 $8.000000000e+00, v5;
	v0 =	vld [tilespmem:s7+$0xA4A0]  }
0xd0: {  	[tilespmem:s7+$0x12440] =	vst v1;
	v7 =	vmul.f32 $8.000000000e+00, v8;
	v1 =	vld [tilespmem:s7+$0xA4B0]  }
0xd1: {  	[tilespmem:s7+$0x12450] =	vst v5;
	v6 =	vmul.f32 $8.000000000e+00, v2;
	v2 =	vld [tilespmem:s7+$0xA4C0]  }
0xd2: {  	s15 =	sadd.s32 $0x400, s15;
	[tilespmem:s7+$0x12460] =	vst v7;
	v5 =	vmul.f32 $8.000000000e+00, v4;
	v4 =	vld [tilespmem:s7+$0xA4D0]  }
0xd3: {  	[tilespmem:s7+$0x12470] =	vst v6;
	v3 =	vmul.f32 $8.000000000e+00, v3;
	v6 =	vld [tilespmem:s7+$0xA4E0]  }
0xd4: {  	[tilespmem:s7+$0x12480] =	vst v5;
	v0 =	vmul.f32 $8.000000000e+00, v0  }
0xd5: {  	[tilespmem:s7+$0x12490] =	vst v3;
	v1 =	vmul.f32 $8.000000000e+00, v1  }
0xd6: {  	[tilespmem:s7+$0x124A0] =	vst v0;
	v0 =	vmul.f32 $8.000000000e+00, v2  }
0xd7: {  	[tilespmem:s7+$0x124B0] =	vst v1;
	v1 =	vmul.f32 $8.000000000e+00, v4  }
0xd8: {  	[tilespmem:s7+$0x124C0] =	vst v0;
	v0 =	vmul.f32 $8.000000000e+00, v6  }
0xd9: {  	[tilespmem:s7+$0x124D0] =	vst v1  }
0xda: {  	[tilespmem:s7+$0x124E0] =	vst v0  }
0xdb: {  	s19 =	simm.s32 $0x0;
	s14 =	rddreg [dreg:$0x6]  }
0xdc: {  	[hbm4b:s14+s19] =	stream.linear.scatter [tilespmem:s25], [sflag:$0x7], $0x2000, $0x38;
	[tilespmem:$0x16400] =	vst v63  }
0xdd: {  	s21 =	simm.s32 $0x300  }
0xde: {  	[tilespmem:s24], [sflag:$0x3] =	stream.indirect.gather [hbm4b:s5+s20], $0x40, s21, s20, $0xb8;
	[tilespmem:$0x16400] =	vst v63  }
0xdf: {  	_ =	swait.ge [sflag:s0], $0x2000  }
0xe0: {  	[sflag:s0] =	ssyncset.done $0x0  }
0xe1: {  	s7 =	simm.s32 $0x0;
	[sflag:s0] =	ssyncadd.s32 $0xFFFFE000  }
0xe2: {  	v0 =	vld [tilespmem:s7+$0xC4F0]  }
0xe3: {  	v1 =	vld [tilespmem:s7+$0xC400]  }
0xe4: {  	v2 =	vld [tilespmem:s7+$0xC410]  }
0xe5: {  	v3 =	vld [tilespmem:s7+$0xC420]  }
0xe6: {  	v7 =	vld [tilespmem:s7+$0xC460]  }
0xe7: {  	v4 =	vld [tilespmem:s7+$0xC430]  }
0xe8: {  	v0 =	vmul.f32 $8.000000000e+00, v0  }
0xe9: {  	v5 =	vld [tilespmem:s7+$0xC440];
	v1 =	vmul.f32 $8.000000000e+00, v1  }
0xea: {  	v6 =	vld [tilespmem:s7+$0xC450];
	v2 =	vmul.f32 $8.000000000e+00, v2;
	[tilespmem:s7+$0x144F0] =	vst v0  }
0xeb: {  	v8 =	vld [tilespmem:s7+$0xC470];
	v7 =	vmul.f32 $8.000000000e+00, v7;
	[tilespmem:s7+$0x14400] =	vst v1  }
0xec: {  	v0 =	vmul.f32 $8.000000000e+00, v3;
	[tilespmem:s7+$0x14410] =	vst v2;
	v1 =	vmul.f32 $8.000000000e+00, v4;
	v4 =	vld [tilespmem:s7+$0xC480]  }
0xed: {  	v3 =	vld [tilespmem:s7+$0xC490];
	[tilespmem:s7+$0x14460] =	vst v7  }
0xee: {  	v2 =	vmul.f32 $8.000000000e+00, v5;
	[tilespmem:s7+$0x14420] =	vst v0;
	v0 =	vld [tilespmem:s7+$0xC4A0]  }
0xef: {  	v5 =	vmul.f32 $8.000000000e+00, v6;
	[tilespmem:s7+$0x14430] =	vst v1;
	v1 =	vld [tilespmem:s7+$0xC4B0]  }
0xf0: {  	v6 =	vmul.f32 $8.000000000e+00, v8;
	[tilespmem:s7+$0x14440] =	vst v2;
	v2 =	vld [tilespmem:s7+$0xC4C0]  }
0xf1: {  	s15 =	simm.s32 $0x400;
	s14 =	simm.s32 $0x0;
	[tilespmem:s7+$0x14450] =	vst v5;
	v5 =	vmul.f32 $8.000000000e+00, v4;
	v4 =	vld [tilespmem:s7+$0xC4D0]  }
.LBB2_8:
0xf2: {  	s16 =	sshra.s32 s15, $0x2;
	s14 =	sadd.s32 $0x4, s14;
	[tilespmem:s7+$0x14470] =	vst v6;
	v3 =	vmul.f32 $8.000000000e+00, v3;
	v6 =	vld [tilespmem:s7+$0xC4E0]  }
0xf3: {  	v7 =	vld [tilespmem:s16+$0xC4F0];
	p0 =	slt.u32 s14, $0x7C;
	[tilespmem:s7+$0x14480] =	vst v5;
	v0 =	vmul.f32 $8.000000000e+00, v0  }
0xf4: {  	v5 =	vld [tilespmem:s16+$0xC400];
	[tilespmem:s7+$0x14490] =	vst v3;
	v1 =	vmul.f32 $8.000000000e+00, v1  }
0xf5: {  	v3 =	vld [tilespmem:s16+$0xC410];
	[tilespmem:s7+$0x144A0] =	vst v0;
	v0 =	vmul.f32 $8.000000000e+00, v2  }
0xf6: {  	v2 =	vld [tilespmem:s16+$0xC420];
	[tilespmem:s7+$0x144B0] =	vst v1;
	v1 =	vmul.f32 $8.000000000e+00, v4  }
0xf7: {  	v4 =	vld [tilespmem:s16+$0xC430];
	[tilespmem:s7+$0x144C0] =	vst v0;
	v0 =	vmul.f32 $8.000000000e+00, v6  }
0xf8: {  	v6 =	vld [tilespmem:s16+$0xC440];
	v7 =	vmul.f32 $8.000000000e+00, v7;
	[tilespmem:s7+$0x144D0] =	vst v1  }
0xf9: {  	v1 =	vmul.f32 $8.000000000e+00, v5;
	v5 =	vld [tilespmem:s16+$0xC450];
	[tilespmem:s7+$0x144E0] =	vst v0;
	s7 =	smov.u32 s16  }
0xfa: {  	v0 =	vmul.f32 $8.000000000e+00, v3;
	v8 =	vld [tilespmem:s7+$0xC460];
	[tilespmem:s7+$0x144F0] =	vst v7  }
0xfb: {  	[tilespmem:s7+$0x14400] =	vst v1;
	v1 =	vmul.f32 $8.000000000e+00, v2;
	v2 =	vld [tilespmem:s7+$0xC470]  }
0xfc: {  	[tilespmem:s7+$0x14410] =	vst v0;
	v0 =	vmul.f32 $8.000000000e+00, v4;
	v4 =	vld [tilespmem:s7+$0xC480]  }
.Ltmp3:
0xfd: {  	[tilespmem:s7+$0x14420] =	vst v1;
	v1 =	vmul.f32 $8.000000000e+00, v6;
	v3 =	vld [tilespmem:s7+$0xC490];
	(pc) =	sbr.rel @p0 .LBB2_8-.Ltmp3, $4  }
0xfe: {  	[tilespmem:s7+$0x14430] =	vst v0;
	v5 =	vmul.f32 $8.000000000e+00, v5;
	v0 =	vld [tilespmem:s7+$0xC4A0]  }
0xff: {  	[tilespmem:s7+$0x14440] =	vst v1;
	v7 =	vmul.f32 $8.000000000e+00, v8;
	v1 =	vld [tilespmem:s7+$0xC4B0]  }
0x100: {  	[tilespmem:s7+$0x14450] =	vst v5;
	v6 =	vmul.f32 $8.000000000e+00, v2;
	v2 =	vld [tilespmem:s7+$0xC4C0]  }
0x101: {  	s15 =	sadd.s32 $0x400, s15;
	[tilespmem:s7+$0x14460] =	vst v7;
	v5 =	vmul.f32 $8.000000000e+00, v4;
	v4 =	vld [tilespmem:s7+$0xC4D0]  }
0x102: {  	[tilespmem:s7+$0x14470] =	vst v6;
	v3 =	vmul.f32 $8.000000000e+00, v3;
	v60 =	vld [tilespmem:s7+$0xC4E0]  }
0x103: {  	[tilespmem:s7+$0x14480] =	vst v5;
	v0 =	vmul.f32 $8.000000000e+00, v0  }
0x104: {  	[tilespmem:s7+$0x14490] =	vst v3;
	v1 =	vmul.f32 $8.000000000e+00, v1  }
0x105: {  	[tilespmem:s7+$0x144A0] =	vst v0;
	v61 =	vmul.f32 $8.000000000e+00, v2  }
0x106: {  	[tilespmem:s7+$0x144B0] =	vst v1;
	v62 =	vmul.f32 $8.000000000e+00, v4  }
0x107: {  	[tilespmem:s7+$0x144C0] =	vst v61;
	v63 =	vmul.f32 $8.000000000e+00, v60  }
0x108: {  	[tilespmem:s7+$0x144D0] =	vst v62  }
0x109: {  	[tilespmem:s7+$0x144E0] =	vst v63  }
0x10a: {  	s7 =	rddreg [dreg:$0x7]  }
0x10b: {  	[hbm4b:s7+s3] =	stream.linear.scatter [tilespmem:s30], [sflag:$0x8], $0x2000, $0x38;
	[tilespmem:$0x16400] =	vst v63  }
0x10c: {  	s21 =	simm.s32 $0x380;
	s15 =	simm.s32 $0x1  }
0x10d: {  	[tilespmem:s26], [sflag:$0x4] =	stream.indirect.gather [hbm4b:s5+s20], $0x40, s21, s20, $0xb8;
	[tilespmem:$0x16400] =	vst v63  }
.LBB2_10:
0x10e: {  	_ =	swait.ge [sflag:s28], $0x2000  }
0x10f: {  	[sflag:s28] =	ssyncset.done $0x0  }
0x110: {  	[sflag:s28] =	ssyncadd.s32 $0xFFFFE000  }
0x111: {  	_ =	swait.ge [sflag:s6], $0x2000  }
0x112: {  	[sflag:s6] =	ssyncset.done $0x0  }
0x113: {  	s19 =	simm.s32 $0x6480;
	[sflag:s6] =	ssyncadd.s32 $0xFFFFE000  }
0x114: {  	v0 =	vld [tilespmem:s19+$0x40];
	_ =	sdelay $0x3  }
0x115: {  	v1 =	vld [tilespmem:s19+$0xFFFFFF80]  }
0x116: {  	v2 =	vld [tilespmem:s19+$0xFFFFFFC0];
	v0 =	vmul.f32 $8.000000000e+00, v0  }
0x117: {  	s16 =	simm.s32 $0xE480;
	v3 =	vld [tilespmem:s19+$0x0]  }
0x118: {  	[tilespmem:s16+$0x40] =	vst v0  }
0x119: {  	v0 =	vld [tilespmem:s19+$0x50]  }
0x11a: {  	v1 =	vmul.f32 $8.000000000e+00, v1  }
0x11b: {  	v2 =	vmul.f32 $8.000000000e+00, v2  }
0x11c: {  	v3 =	vmul.f32 $8.000000000e+00, v3;
	[tilespmem:s16+$0xFFFFFF80] =	vst v1  }
0x11d: {  	[tilespmem:s16+$0xFFFFFFC0] =	vst v2;
	v1 =	vld [tilespmem:s19+$0xFFFFFF90]  }
0x11e: {  	[tilespmem:s16+$0x0] =	vst v3;
	v2 =	vld [tilespmem:s19+$0xFFFFFFD0];
	v0 =	vmul.f32 $8.000000000e+00, v0  }
0x11f: {  	s17 =	simm.s32 $0x6580;
	v3 =	vld [tilespmem:s19+$0x10]  }
0x120: {  	[tilespmem:s16+$0x50] =	vst v0;
	v0 =	vld [tilespmem:s17+$0x40]  }
0x121: {  	v4 =	vld [tilespmem:s19+$0x60]  }
0x122: {  	v5 =	vld [tilespmem:s17+$0xFFFFFFC0];
	v1 =	vmul.f32 $8.000000000e+00, v1  }
0x123: {  	v6 =	vld [tilespmem:s17+$0x0];
	v2 =	vmul.f32 $8.000000000e+00, v2  }
0x124: {  	v3 =	vmul.f32 $8.000000000e+00, v3;
	[tilespmem:s16+$0xFFFFFF90] =	vst v1;
	v1 =	vld [tilespmem:s17+$0xFFFFFF80]  }
0x125: {  	[tilespmem:s16+$0xFFFFFFD0] =	vst v2;
	v2 =	vld [tilespmem:s19+$0xFFFFFFA0];
	v0 =	vmul.f32 $8.000000000e+00, v0  }
0x126: {  	s7 =	simm.s32 $0xE580;
	[tilespmem:s16+$0x10] =	vst v3;
	v7 =	vld [tilespmem:s19+$0xFFFFFFE0];
	v3 =	vmul.f32 $8.000000000e+00, v4  }
0x127: {  	v4 =	vmul.f32 $8.000000000e+00, v5;
	[tilespmem:s7+$0x40] =	vst v0;
	v0 =	vld [tilespmem:s19+$0x20]  }
0x128: {  	v5 =	vmul.f32 $8.000000000e+00, v6;
	v6 =	vld [tilespmem:s17+$0x50];
	[tilespmem:s16+$0x60] =	vst v3  }
0x129: {  	v1 =	vmul.f32 $8.000000000e+00, v1;
	[tilespmem:s7+$0xFFFFFFC0] =	vst v4;
	v8 =	vld [tilespmem:s19+$0x70]  }
0x12a: {  	v2 =	vmul.f32 $8.000000000e+00, v2;
	[tilespmem:s7+$0x0] =	vst v5;
	v9 =	vld [tilespmem:s17+$0xFFFFFFD0]  }
0x12b: {  	[tilespmem:s7+$0xFFFFFF80] =	vst v1;
	v5 =	vmul.f32 $8.000000000e+00, v7;
	v3 =	vld [tilespmem:s17+$0x10]  }
0x12c: {  	v4 =	vld [tilespmem:s17+$0xFFFFFF90];
	[tilespmem:s16+$0xFFFFFFA0] =	vst v2;
	v2 =	vmul.f32 $8.000000000e+00, v0  }
0x12d: {  	v1 =	vld [tilespmem:s19+$0xFFFFFFB0];
	[tilespmem:s16+$0xFFFFFFE0] =	vst v5;
	v7 =	vmul.f32 $8.000000000e+00, v6  }
0x12e: {  	v0 =	vld [tilespmem:s19+$0xFFFFFFF0];
	[tilespmem:s16+$0x20] =	vst v2;
	v5 =	vmul.f32 $8.000000000e+00, v8  }
0x12f: {  	s18 =	simm.s32 $0x4;
	s14 =	simm.s32 $0x6680;
	v6 =	vmul.f32 $8.000000000e+00, v9;
	[tilespmem:s7+$0x50] =	vst v7;
	v2 =	vld [tilespmem:s19+$0x30]  }
.LBB2_11:
0x130: {  	v7 =	vld [tilespmem:s14+$0x40];
	v3 =	vmul.f32 $8.000000000e+00, v3;
	[tilespmem:s16+$0x70] =	vst v5  }
0x131: {  	s18 =	sadd.s32 $0x4, s18;
	v4 =	vmul.f32 $8.000000000e+00, v4;
	[tilespmem:s7+$0xFFFFFFD0] =	vst v6;
	v5 =	vld [tilespmem:s17+$0x60]  }
0x132: {  	p0 =	slt.u32 s18, $0x7C;
	v6 =	vld [tilespmem:s14+$0xFFFFFFC0];
	[tilespmem:s7+$0x10] =	vst v3;
	v1 =	vmul.f32 $8.000000000e+00, v1  }
0x133: {  	v3 =	vld [tilespmem:s14+$0x0];
	[tilespmem:s7+$0xFFFFFF90] =	vst v4;
	v0 =	vmul.f32 $8.000000000e+00, v0  }
0x134: {  	v4 =	vld [tilespmem:s14+$0xFFFFFF80];
	[tilespmem:s16+$0xFFFFFFB0] =	vst v1;
	v1 =	vmul.f32 $8.000000000e+00, v2  }
0x135: {  	v2 =	vmul.f32 $8.000000000e+00, v7;
	v7 =	vld [tilespmem:s17+$0xFFFFFFA0];
	[tilespmem:s16+$0xFFFFFFF0] =	vst v0  }
0x136: {  	v0 =	vld [tilespmem:s17+$0xFFFFFFE0];
	v5 =	vmul.f32 $8.000000000e+00, v5;
	[tilespmem:s16+$0x30] =	vst v1;
	s16 =	smov.u32 s7;
	s7 =	sadd.s32 $0x100, s7  }
0x137: {  	v1 =	vmul.f32 $8.000000000e+00, v6;
	[tilespmem:s7+$0x40] =	vst v2;
	v2 =	vld [tilespmem:s17+$0x20]  }
0x138: {  	v3 =	vmul.f32 $8.000000000e+00, v3;
	v6 =	vld [tilespmem:s14+$0x50];
	[tilespmem:s16+$0x60] =	vst v5  }
0x139: {  	v4 =	vmul.f32 $8.000000000e+00, v4;
	[tilespmem:s7+$0xFFFFFFC0] =	vst v1;
	v5 =	vld [tilespmem:s17+$0x70]  }
0x13a: {  	v8 =	vld [tilespmem:s14+$0xFFFFFFD0];
	[tilespmem:s7+$0x0] =	vst v3;
	v1 =	vmul.f32 $8.000000000e+00, v7  }
.Ltmp4:
0x13b: {  	[tilespmem:s7+$0xFFFFFF80] =	vst v4;
	v3 =	vld [tilespmem:s14+$0x10];
	v0 =	vmul.f32 $8.000000000e+00, v0;
	(pc) =	sbr.rel @p0 .LBB2_11-.Ltmp4, $4  }
0x13c: {  	v4 =	vld [tilespmem:s14+$0xFFFFFF90];
	[tilespmem:s16+$0xFFFFFFA0] =	vst v1;
	v2 =	vmul.f32 $8.000000000e+00, v2  }
0x13d: {  	v7 =	vmul.f32 $8.000000000e+00, v6;
	v1 =	vld [tilespmem:s17+$0xFFFFFFB0];
	[tilespmem:s16+$0xFFFFFFE0] =	vst v0  }
0x13e: {  	v0 =	vld [tilespmem:s17+$0xFFFFFFF0];
	[tilespmem:s16+$0x20] =	vst v2;
	v5 =	vmul.f32 $8.000000000e+00, v5  }
0x13f: {  	v6 =	vmul.f32 $8.000000000e+00, v8;
	[tilespmem:s7+$0x50] =	vst v7;
	v2 =	vld [tilespmem:s17+$0x30];
	s17 =	smov.u32 s14;
	s14 =	sadd.s32 $0x100, s14  }
0x140: {  	_ = 	snop  }
0x141: {  	v4 =	vmul.f32 $8.000000000e+00, v4;
	_ =	sdelay $0x1  }
0x142: {  	v3 =	vmul.f32 $8.000000000e+00, v3;
	v7 =	vld [tilespmem:s17+$0x60];
	[tilespmem:s7+$0xFFFFFF90] =	vst v4  }
0x143: {  	[tilespmem:s7+$0xFFFFFFD0] =	vst v6;
	v4 =	vld [tilespmem:s17+$0xFFFFFFA0]  }
0x144: {  	[tilespmem:s7+$0x10] =	vst v3;
	v3 =	vld [tilespmem:s17+$0xFFFFFFE0]  }
0x145: {  	v6 =	vld [tilespmem:s17+$0x20];
	_ =	sdelay $0x1  }
0x146: {  	v7 =	vmul.f32 $8.000000000e+00, v7  }
0x147: {  	v4 =	vmul.f32 $8.000000000e+00, v4  }
0x148: {  	[tilespmem:s7+$0x60] =	vst v7;
	v3 =	vmul.f32 $8.000000000e+00, v3  }
0x149: {  	v7 =	vld [tilespmem:s17+$0x70];
	[tilespmem:s7+$0xFFFFFFA0] =	vst v4;
	v4 =	vmul.f32 $8.000000000e+00, v6  }
0x14a: {  	[tilespmem:s7+$0xFFFFFFE0] =	vst v3;
	v6 =	vld [tilespmem:s17+$0xFFFFFFB0]  }
0x14b: {  	v1 =	vmul.f32 $8.000000000e+00, v1;
	v3 =	vld [tilespmem:s17+$0xFFFFFFF0];
	[tilespmem:s7+$0x20] =	vst v4  }
0x14c: {  	[tilespmem:s16+$0x70] =	vst v5;
	v0 =	vmul.f32 $8.000000000e+00, v0;
	v4 =	vld [tilespmem:s17+$0x30]  }
0x14d: {  	[tilespmem:s16+$0xFFFFFFB0] =	vst v1;
	v1 =	vmul.f32 $8.000000000e+00, v2  }
0x14e: {  	[tilespmem:s16+$0xFFFFFFF0] =	vst v0;
	v0 =	vmul.f32 $8.000000000e+00, v7  }
0x14f: {  	[tilespmem:s16+$0x30] =	vst v1;
	v1 =	vmul.f32 $8.000000000e+00, v6  }
0x150: {  	s16 =	sshll.u32 s15, $0xF;
	[tilespmem:s7+$0x70] =	vst v0;
	v0 =	vmul.f32 $8.000000000e+00, v3  }
0x151: {  	s14 =	sadd.s32 s4, s16;
	[tilespmem:s7+$0xFFFFFFB0] =	vst v1;
	v1 =	vmul.f32 $8.000000000e+00, v4  }
0x152: {  	s19 =	sshll.u32 s15, $0x9;
	s14 =	sshrl.u32 s14, $0x3;
	[tilespmem:s7+$0xFFFFFFF0] =	vst v0  }
0x153: {  	s18 =	sadd.s32 s2, s14;
	s17 =	sand.u32 $0x3FFFFE00, s19;
	[tilespmem:s7+$0x30] =	vst v1  }
0x154: {  	[hbm4b:s18+s3] =	stream.linear.scatter [tilespmem:s29], [sflag:$0x5], $0x2000, $0x38;
	[tilespmem:$0x16400] =	vst v63  }
0x155: {  	s21 =	simm.s32 $0x6400;
	s7 =	sadd.s32 $0x200, s17  }
0x156: {  	[tilespmem:s21], [sflag:$0x1] =	stream.indirect.gather [hbm4b:s5+s20], $0x40, s7, s20, $0xb8;
	[tilespmem:$0x16400] =	vst v63  }
0x157: {  	_ =	swait.ge [sflag:s31], $0x2000  }
0x158: {  	[sflag:s31] =	ssyncset.done $0x0  }
0x159: {  	[sflag:s31] =	ssyncadd.s32 $0xFFFFE000  }
0x15a: {  	_ =	swait.ge [sflag:s8], $0x2000  }
0x15b: {  	[sflag:s8] =	ssyncset.done $0x0  }
0x15c: {  	[sflag:s8] =	ssyncadd.s32 $0xFFFFE000  }
0x15d: {  	v0 =	vld [tilespmem:s22+$0xFFFFFFD0];
	_ =	sdelay $0x3  }
0x15e: {  	v1 =	vld [tilespmem:s22+$0xFFFFFF10]  }
0x15f: {  	v2 =	vld [tilespmem:s22+$0xFFFFFF50];
	v0 =	vmul.f32 $8.000000000e+00, v0  }
0x160: {  	s18 =	simm.s32 $0x104F0;
	v3 =	vld [tilespmem:s22+$0xFFFFFF90]  }
0x161: {  	[tilespmem:s18+$0xFFFFFFD0] =	vst v0  }
0x162: {  	v0 =	vld [tilespmem:s22+$0xFFFFFFE0]  }
0x163: {  	v1 =	vmul.f32 $8.000000000e+00, v1  }
0x164: {  	v2 =	vmul.f32 $8.000000000e+00, v2  }
0x165: {  	v3 =	vmul.f32 $8.000000000e+00, v3;
	[tilespmem:s18+$0xFFFFFF10] =	vst v1  }
0x166: {  	[tilespmem:s18+$0xFFFFFF50] =	vst v2;
	v1 =	vld [tilespmem:s22+$0xFFFFFF20]  }
0x167: {  	[tilespmem:s18+$0xFFFFFF90] =	vst v3;
	v2 =	vld [tilespmem:s22+$0xFFFFFF60];
	v0 =	vmul.f32 $8.000000000e+00, v0  }
0x168: {  	s7 =	simm.s32 $0x85F0;
	v3 =	vld [tilespmem:s22+$0xFFFFFFA0]  }
0x169: {  	[tilespmem:s18+$0xFFFFFFE0] =	vst v0;
	v0 =	vld [tilespmem:s7+$0xFFFFFFD0]  }
0x16a: {  	v4 =	vld [tilespmem:s22+$0xFFFFFFF0]  }
0x16b: {  	v5 =	vld [tilespmem:s7+$0xFFFFFF50];
	v1 =	vmul.f32 $8.000000000e+00, v1  }
0x16c: {  	v6 =	vld [tilespmem:s7+$0xFFFFFF90];
	v2 =	vmul.f32 $8.000000000e+00, v2  }
0x16d: {  	v3 =	vmul.f32 $8.000000000e+00, v3;
	[tilespmem:s18+$0xFFFFFF20] =	vst v1;
	v1 =	vld [tilespmem:s7+$0xFFFFFF10]  }
0x16e: {  	[tilespmem:s18+$0xFFFFFF60] =	vst v2;
	v2 =	vld [tilespmem:s22+$0xFFFFFF30];
	v0 =	vmul.f32 $8.000000000e+00, v0  }
0x16f: {  	s19 =	simm.s32 $0x105F0;
	[tilespmem:s18+$0xFFFFFFA0] =	vst v3;
	v7 =	vld [tilespmem:s22+$0xFFFFFF70];
	v3 =	vmul.f32 $8.000000000e+00, v4  }
0x170: {  	v4 =	vmul.f32 $8.000000000e+00, v5;
	[tilespmem:s19+$0xFFFFFFD0] =	vst v0;
	v0 =	vld [tilespmem:s22+$0xFFFFFFB0]  }
0x171: {  	v5 =	vmul.f32 $8.000000000e+00, v6;
	v6 =	vld [tilespmem:s7+$0xFFFFFFE0];
	[tilespmem:s18+$0xFFFFFFF0] =	vst v3  }
0x172: {  	v1 =	vmul.f32 $8.000000000e+00, v1;
	[tilespmem:s19+$0xFFFFFF50] =	vst v4;
	v8 =	vld [tilespmem:s22+$0x0]  }
0x173: {  	v2 =	vmul.f32 $8.000000000e+00, v2;
	[tilespmem:s19+$0xFFFFFF90] =	vst v5;
	v9 =	vld [tilespmem:s7+$0xFFFFFF60]  }
0x174: {  	[tilespmem:s19+$0xFFFFFF10] =	vst v1;
	v5 =	vmul.f32 $8.000000000e+00, v7;
	v3 =	vld [tilespmem:s7+$0xFFFFFFA0]  }
0x175: {  	v4 =	vld [tilespmem:s7+$0xFFFFFF20];
	[tilespmem:s18+$0xFFFFFF30] =	vst v2;
	v2 =	vmul.f32 $8.000000000e+00, v0  }
0x176: {  	v1 =	vld [tilespmem:s22+$0xFFFFFF40];
	[tilespmem:s18+$0xFFFFFF70] =	vst v5;
	v7 =	vmul.f32 $8.000000000e+00, v6  }
0x177: {  	v0 =	vld [tilespmem:s22+$0xFFFFFF80];
	[tilespmem:s18+$0xFFFFFFB0] =	vst v2;
	v5 =	vmul.f32 $8.000000000e+00, v8  }
0x178: {  	s14 =	simm.s32 $0x4;
	s21 =	simm.s32 $0x86F0;
	v6 =	vmul.f32 $8.000000000e+00, v9;
	[tilespmem:s19+$0xFFFFFFE0] =	vst v7;
	v2 =	vld [tilespmem:s22+$0xFFFFFFC0]  }
.LBB2_13:
0x179: {  	v7 =	vld [tilespmem:s21+$0xFFFFFFD0];
	v3 =	vmul.f32 $8.000000000e+00, v3;
	[tilespmem:s18+$0x0] =	vst v5  }
0x17a: {  	s14 =	sadd.s32 $0x4, s14;
	v4 =	vmul.f32 $8.000000000e+00, v4;
	[tilespmem:s19+$0xFFFFFF60] =	vst v6;
	v5 =	vld [tilespmem:s7+$0xFFFFFFF0]  }
0x17b: {  	p0 =	slt.u32 s14, $0x7C;
	v6 =	vld [tilespmem:s21+$0xFFFFFF50];
	[tilespmem:s19+$0xFFFFFFA0] =	vst v3;
	v1 =	vmul.f32 $8.000000000e+00, v1  }
0x17c: {  	v3 =	vld [tilespmem:s21+$0xFFFFFF90];
	[tilespmem:s19+$0xFFFFFF20] =	vst v4;
	v0 =	vmul.f32 $8.000000000e+00, v0  }
0x17d: {  	v4 =	vld [tilespmem:s21+$0xFFFFFF10];
	[tilespmem:s18+$0xFFFFFF40] =	vst v1;
	v1 =	vmul.f32 $8.000000000e+00, v2  }
0x17e: {  	v2 =	vmul.f32 $8.000000000e+00, v7;
	v7 =	vld [tilespmem:s7+$0xFFFFFF30];
	[tilespmem:s18+$0xFFFFFF80] =	vst v0  }
0x17f: {  	v0 =	vld [tilespmem:s7+$0xFFFFFF70];
	v5 =	vmul.f32 $8.000000000e+00, v5;
	[tilespmem:s18+$0xFFFFFFC0] =	vst v1;
	s18 =	smov.u32 s19;
	s19 =	sadd.s32 $0x100, s19  }
0x180: {  	v1 =	vmul.f32 $8.000000000e+00, v6;
	[tilespmem:s19+$0xFFFFFFD0] =	vst v2;
	v2 =	vld [tilespmem:s7+$0xFFFFFFB0]  }
0x181: {  	v3 =	vmul.f32 $8.000000000e+00, v3;
	v6 =	vld [tilespmem:s21+$0xFFFFFFE0];
	[tilespmem:s18+$0xFFFFFFF0] =	vst v5  }
0x182: {  	v4 =	vmul.f32 $8.000000000e+00, v4;
	[tilespmem:s19+$0xFFFFFF50] =	vst v1;
	v5 =	vld [tilespmem:s7+$0x0]  }
0x183: {  	v8 =	vld [tilespmem:s21+$0xFFFFFF60];
	[tilespmem:s19+$0xFFFFFF90] =	vst v3;
	v1 =	vmul.f32 $8.000000000e+00, v7  }
.Ltmp5:
0x184: {  	[tilespmem:s19+$0xFFFFFF10] =	vst v4;
	v3 =	vld [tilespmem:s21+$0xFFFFFFA0];
	v0 =	vmul.f32 $8.000000000e+00, v0;
	(pc) =	sbr.rel @p0 .LBB2_13-.Ltmp5, $4  }
0x185: {  	v4 =	vld [tilespmem:s21+$0xFFFFFF20];
	[tilespmem:s18+$0xFFFFFF30] =	vst v1;
	v2 =	vmul.f32 $8.000000000e+00, v2  }
0x186: {  	v7 =	vmul.f32 $8.000000000e+00, v6;
	v1 =	vld [tilespmem:s7+$0xFFFFFF40];
	[tilespmem:s18+$0xFFFFFF70] =	vst v0  }
0x187: {  	v0 =	vld [tilespmem:s7+$0xFFFFFF80];
	[tilespmem:s18+$0xFFFFFFB0] =	vst v2;
	v5 =	vmul.f32 $8.000000000e+00, v5  }
0x188: {  	v6 =	vmul.f32 $8.000000000e+00, v8;
	[tilespmem:s19+$0xFFFFFFE0] =	vst v7;
	v2 =	vld [tilespmem:s7+$0xFFFFFFC0];
	s7 =	smov.u32 s21;
	s21 =	sadd.s32 $0x100, s21  }
0x189: {  	_ = 	snop  }
0x18a: {  	v4 =	vmul.f32 $8.000000000e+00, v4;
	_ =	sdelay $0x1  }
0x18b: {  	v3 =	vmul.f32 $8.000000000e+00, v3;
	v7 =	vld [tilespmem:s7+$0xFFFFFFF0];
	[tilespmem:s19+$0xFFFFFF20] =	vst v4  }
0x18c: {  	[tilespmem:s19+$0xFFFFFF60] =	vst v6;
	v4 =	vld [tilespmem:s7+$0xFFFFFF30]  }
0x18d: {  	[tilespmem:s19+$0xFFFFFFA0] =	vst v3;
	v3 =	vld [tilespmem:s7+$0xFFFFFF70]  }
0x18e: {  	v6 =	vld [tilespmem:s7+$0xFFFFFFB0];
	_ =	sdelay $0x1  }
0x18f: {  	v7 =	vmul.f32 $8.000000000e+00, v7  }
0x190: {  	v4 =	vmul.f32 $8.000000000e+00, v4  }
0x191: {  	[tilespmem:s19+$0xFFFFFFF0] =	vst v7;
	v3 =	vmul.f32 $8.000000000e+00, v3  }
0x192: {  	v7 =	vld [tilespmem:s7+$0x0];
	[tilespmem:s19+$0xFFFFFF30] =	vst v4;
	v4 =	vmul.f32 $8.000000000e+00, v6  }
0x193: {  	[tilespmem:s19+$0xFFFFFF70] =	vst v3;
	v6 =	vld [tilespmem:s7+$0xFFFFFF40]  }
0x194: {  	v1 =	vmul.f32 $8.000000000e+00, v1;
	v3 =	vld [tilespmem:s7+$0xFFFFFF80];
	[tilespmem:s19+$0xFFFFFFB0] =	vst v4  }
0x195: {  	[tilespmem:s18+$0x0] =	vst v5;
	v0 =	vmul.f32 $8.000000000e+00, v0;
	v4 =	vld [tilespmem:s7+$0xFFFFFFC0]  }
0x196: {  	[tilespmem:s18+$0xFFFFFF40] =	vst v1;
	v1 =	vmul.f32 $8.000000000e+00, v2  }
0x197: {  	[tilespmem:s18+$0xFFFFFF80] =	vst v0;
	v0 =	vmul.f32 $8.000000000e+00, v7  }
0x198: {  	[tilespmem:s18+$0xFFFFFFC0] =	vst v1;
	v1 =	vmul.f32 $8.000000000e+00, v6  }
0x199: {  	[tilespmem:s19+$0x0] =	vst v0;
	v0 =	vmul.f32 $8.000000000e+00, v3  }
0x19a: {  	s18 =	sadd.s32 s16, s11;
	[tilespmem:s19+$0xFFFFFF40] =	vst v1;
	v1 =	vmul.f32 $8.000000000e+00, v4  }
0x19b: {  	s7 =	sshrl.u32 s18, $0x3;
	[tilespmem:s19+$0xFFFFFF80] =	vst v0  }
0x19c: {  	s14 =	simm.s32 $0x0;
	s7 =	sadd.s32 s2, s7;
	[tilespmem:s19+$0xFFFFFFC0] =	vst v1  }
0x19d: {  	[hbm4b:s7+s14] =	stream.linear.scatter [tilespmem:s1], [sflag:$0x6], $0x2000, $0x38;
	[tilespmem:$0x16400] =	vst v63  }
0x19e: {  	s21 =	simm.s32 $0x8400;
	s19 =	sadd.s32 $0x280, s17  }
0x19f: {  	[tilespmem:s21], [sflag:$0x2] =	stream.indirect.gather [hbm4b:s5+s20], $0x40, s19, s20, $0xb8;
	[tilespmem:$0x16400] =	vst v63  }
0x1a0: {  	_ =	swait.ge [sflag:s23], $0x2000  }
0x1a1: {  	[sflag:s23] =	ssyncset.done $0x0  }
0x1a2: {  	[sflag:s23] =	ssyncadd.s32 $0xFFFFE000  }
0x1a3: {  	_ =	swait.ge [sflag:s9], $0x2000  }
0x1a4: {  	[sflag:s9] =	ssyncset.done $0x0  }
0x1a5: {  	s7 =	simm.s32 $0x0;
	[sflag:s9] =	ssyncadd.s32 $0xFFFFE000  }
0x1a6: {  	v0 =	vld [tilespmem:s7+$0xA4F0]  }
0x1a7: {  	v1 =	vld [tilespmem:s7+$0xA400]  }
0x1a8: {  	v2 =	vld [tilespmem:s7+$0xA410]  }
0x1a9: {  	v3 =	vld [tilespmem:s7+$0xA420]  }
0x1aa: {  	v7 =	vld [tilespmem:s7+$0xA460]  }
0x1ab: {  	v4 =	vld [tilespmem:s7+$0xA430]  }
0x1ac: {  	v0 =	vmul.f32 $8.000000000e+00, v0  }
0x1ad: {  	v5 =	vld [tilespmem:s7+$0xA440];
	v1 =	vmul.f32 $8.000000000e+00, v1  }
0x1ae: {  	v6 =	vld [tilespmem:s7+$0xA450];
	v2 =	vmul.f32 $8.000000000e+00, v2;
	[tilespmem:s7+$0x124F0] =	vst v0  }
0x1af: {  	v8 =	vld [tilespmem:s7+$0xA470];
	v7 =	vmul.f32 $8.000000000e+00, v7;
	[tilespmem:s7+$0x12400] =	vst v1  }
0x1b0: {  	v0 =	vmul.f32 $8.000000000e+00, v3;
	[tilespmem:s7+$0x12410] =	vst v2;
	v1 =	vmul.f32 $8.000000000e+00, v4;
	v4 =	vld [tilespmem:s7+$0xA480]  }
0x1b1: {  	v3 =	vld [tilespmem:s7+$0xA490];
	[tilespmem:s7+$0x12460] =	vst v7  }
0x1b2: {  	v2 =	vmul.f32 $8.000000000e+00, v5;
	[tilespmem:s7+$0x12420] =	vst v0;
	v0 =	vld [tilespmem:s7+$0xA4A0]  }
0x1b3: {  	v5 =	vmul.f32 $8.000000000e+00, v6;
	[tilespmem:s7+$0x12430] =	vst v1;
	v1 =	vld [tilespmem:s7+$0xA4B0]  }
0x1b4: {  	v6 =	vmul.f32 $8.000000000e+00, v8;
	[tilespmem:s7+$0x12440] =	vst v2;
	v2 =	vld [tilespmem:s7+$0xA4C0]  }
0x1b5: {  	s18 =	simm.s32 $0x400;
	s14 =	simm.s32 $0x0;
	[tilespmem:s7+$0x12450] =	vst v5;
	v5 =	vmul.f32 $8.000000000e+00, v4;
	v4 =	vld [tilespmem:s7+$0xA4D0]  }
.LBB2_15:
0x1b6: {  	s19 =	sshra.s32 s18, $0x2;
	s14 =	sadd.s32 $0x4, s14;
	[tilespmem:s7+$0x12470] =	vst v6;
	v3 =	vmul.f32 $8.000000000e+00, v3;
	v6 =	vld [tilespmem:s7+$0xA4E0]  }
0x1b7: {  	v7 =	vld [tilespmem:s19+$0xA4F0];
	p0 =	slt.u32 s14, $0x7C;
	[tilespmem:s7+$0x12480] =	vst v5;
	v0 =	vmul.f32 $8.000000000e+00, v0  }
0x1b8: {  	v5 =	vld [tilespmem:s19+$0xA400];
	[tilespmem:s7+$0x12490] =	vst v3;
	v1 =	vmul.f32 $8.000000000e+00, v1  }
0x1b9: {  	v3 =	vld [tilespmem:s19+$0xA410];
	[tilespmem:s7+$0x124A0] =	vst v0;
	v0 =	vmul.f32 $8.000000000e+00, v2  }
0x1ba: {  	v2 =	vld [tilespmem:s19+$0xA420];
	[tilespmem:s7+$0x124B0] =	vst v1;
	v1 =	vmul.f32 $8.000000000e+00, v4  }
0x1bb: {  	v4 =	vld [tilespmem:s19+$0xA430];
	[tilespmem:s7+$0x124C0] =	vst v0;
	v0 =	vmul.f32 $8.000000000e+00, v6  }
0x1bc: {  	v6 =	vld [tilespmem:s19+$0xA440];
	v7 =	vmul.f32 $8.000000000e+00, v7;
	[tilespmem:s7+$0x124D0] =	vst v1  }
0x1bd: {  	v1 =	vmul.f32 $8.000000000e+00, v5;
	v5 =	vld [tilespmem:s19+$0xA450];
	[tilespmem:s7+$0x124E0] =	vst v0;
	s7 =	smov.u32 s19  }
0x1be: {  	v0 =	vmul.f32 $8.000000000e+00, v3;
	v8 =	vld [tilespmem:s7+$0xA460];
	[tilespmem:s7+$0x124F0] =	vst v7  }
0x1bf: {  	[tilespmem:s7+$0x12400] =	vst v1;
	v1 =	vmul.f32 $8.000000000e+00, v2;
	v2 =	vld [tilespmem:s7+$0xA470]  }
0x1c0: {  	[tilespmem:s7+$0x12410] =	vst v0;
	v0 =	vmul.f32 $8.000000000e+00, v4;
	v4 =	vld [tilespmem:s7+$0xA480]  }
.Ltmp6:
0x1c1: {  	[tilespmem:s7+$0x12420] =	vst v1;
	v1 =	vmul.f32 $8.000000000e+00, v6;
	v3 =	vld [tilespmem:s7+$0xA490];
	(pc) =	sbr.rel @p0 .LBB2_15-.Ltmp6, $4  }
0x1c2: {  	[tilespmem:s7+$0x12430] =	vst v0;
	v5 =	vmul.f32 $8.000000000e+00, v5;
	v0 =	vld [tilespmem:s7+$0xA4A0]  }
0x1c3: {  	[tilespmem:s7+$0x12440] =	vst v1;
	v7 =	vmul.f32 $8.000000000e+00, v8;
	v1 =	vld [tilespmem:s7+$0xA4B0]  }
0x1c4: {  	[tilespmem:s7+$0x12450] =	vst v5;
	v6 =	vmul.f32 $8.000000000e+00, v2;
	v2 =	vld [tilespmem:s7+$0xA4C0]  }
0x1c5: {  	s18 =	sadd.s32 $0x400, s18;
	[tilespmem:s7+$0x12460] =	vst v7;
	v5 =	vmul.f32 $8.000000000e+00, v4;
	v4 =	vld [tilespmem:s7+$0xA4D0]  }
0x1c6: {  	[tilespmem:s7+$0x12470] =	vst v6;
	v3 =	vmul.f32 $8.000000000e+00, v3;
	v6 =	vld [tilespmem:s7+$0xA4E0]  }
0x1c7: {  	[tilespmem:s7+$0x12480] =	vst v5;
	v0 =	vmul.f32 $8.000000000e+00, v0  }
0x1c8: {  	[tilespmem:s7+$0x12490] =	vst v3;
	v1 =	vmul.f32 $8.000000000e+00, v1  }
0x1c9: {  	[tilespmem:s7+$0x124A0] =	vst v0;
	v0 =	vmul.f32 $8.000000000e+00, v2  }
0x1ca: {  	[tilespmem:s7+$0x124B0] =	vst v1;
	v1 =	vmul.f32 $8.000000000e+00, v4  }
0x1cb: {  	s14 =	sadd.s32 s16, s12;
	[tilespmem:s7+$0x124C0] =	vst v0;
	v0 =	vmul.f32 $8.000000000e+00, v6  }
0x1cc: {  	s14 =	sshrl.u32 s14, $0x3;
	[tilespmem:s7+$0x124D0] =	vst v1  }
0x1cd: {  	s19 =	simm.s32 $0x0;
	s18 =	sadd.s32 s2, s14;
	[tilespmem:s7+$0x124E0] =	vst v0  }
0x1ce: {  	[hbm4b:s18+s19] =	stream.linear.scatter [tilespmem:s25], [sflag:$0x7], $0x2000, $0x38;
	[tilespmem:$0x16400] =	vst v63  }
0x1cf: {  	s21 =	sadd.s32 $0x300, s17  }
0x1d0: {  	[tilespmem:s24], [sflag:$0x3] =	stream.indirect.gather [hbm4b:s5+s20], $0x40, s21, s20, $0xb8;
	[tilespmem:$0x16400] =	vst v63  }
0x1d1: {  	_ =	swait.ge [sflag:s0], $0x2000  }
0x1d2: {  	[sflag:s0] =	ssyncset.done $0x0  }
0x1d3: {  	[sflag:s0] =	ssyncadd.s32 $0xFFFFE000  }
0x1d4: {  	_ =	swait.ge [sflag:s10], $0x2000  }
0x1d5: {  	[sflag:s10] =	ssyncset.done $0x0  }
0x1d6: {  	s7 =	simm.s32 $0x0;
	[sflag:s10] =	ssyncadd.s32 $0xFFFFE000  }
0x1d7: {  	v0 =	vld [tilespmem:s7+$0xC4F0]  }
0x1d8: {  	v1 =	vld [tilespmem:s7+$0xC400]  }
0x1d9: {  	v2 =	vld [tilespmem:s7+$0xC410]  }
0x1da: {  	v3 =	vld [tilespmem:s7+$0xC420]  }
0x1db: {  	v7 =	vld [tilespmem:s7+$0xC460]  }
0x1dc: {  	v4 =	vld [tilespmem:s7+$0xC430]  }
0x1dd: {  	v0 =	vmul.f32 $8.000000000e+00, v0  }
0x1de: {  	v5 =	vld [tilespmem:s7+$0xC440];
	v1 =	vmul.f32 $8.000000000e+00, v1  }
0x1df: {  	v6 =	vld [tilespmem:s7+$0xC450];
	v2 =	vmul.f32 $8.000000000e+00, v2;
	[tilespmem:s7+$0x144F0] =	vst v0  }
0x1e0: {  	v8 =	vld [tilespmem:s7+$0xC470];
	v7 =	vmul.f32 $8.000000000e+00, v7;
	[tilespmem:s7+$0x14400] =	vst v1  }
0x1e1: {  	v0 =	vmul.f32 $8.000000000e+00, v3;
	[tilespmem:s7+$0x14410] =	vst v2;
	v1 =	vmul.f32 $8.000000000e+00, v4;
	v4 =	vld [tilespmem:s7+$0xC480]  }
0x1e2: {  	v3 =	vld [tilespmem:s7+$0xC490];
	[tilespmem:s7+$0x14460] =	vst v7  }
0x1e3: {  	v2 =	vmul.f32 $8.000000000e+00, v5;
	[tilespmem:s7+$0x14420] =	vst v0;
	v0 =	vld [tilespmem:s7+$0xC4A0]  }
0x1e4: {  	v5 =	vmul.f32 $8.000000000e+00, v6;
	[tilespmem:s7+$0x14430] =	vst v1;
	v1 =	vld [tilespmem:s7+$0xC4B0]  }
0x1e5: {  	v6 =	vmul.f32 $8.000000000e+00, v8;
	[tilespmem:s7+$0x14440] =	vst v2;
	v2 =	vld [tilespmem:s7+$0xC4C0]  }
0x1e6: {  	s14 =	simm.s32 $0x0;
	s18 =	simm.s32 $0x400;
	[tilespmem:s7+$0x14450] =	vst v5;
	v5 =	vmul.f32 $8.000000000e+00, v4;
	v4 =	vld [tilespmem:s7+$0xC4D0]  }
.LBB2_17:
0x1e7: {  	s19 =	sshra.s32 s18, $0x2;
	s14 =	sadd.s32 $0x4, s14;
	[tilespmem:s7+$0x14470] =	vst v6;
	v3 =	vmul.f32 $8.000000000e+00, v3;
	v6 =	vld [tilespmem:s7+$0xC4E0]  }
0x1e8: {  	v7 =	vld [tilespmem:s19+$0xC4F0];
	p0 =	slt.u32 s14, $0x7C;
	[tilespmem:s7+$0x14480] =	vst v5;
	v0 =	vmul.f32 $8.000000000e+00, v0  }
0x1e9: {  	v5 =	vld [tilespmem:s19+$0xC400];
	[tilespmem:s7+$0x14490] =	vst v3;
	v1 =	vmul.f32 $8.000000000e+00, v1  }
0x1ea: {  	v3 =	vld [tilespmem:s19+$0xC410];
	[tilespmem:s7+$0x144A0] =	vst v0;
	v0 =	vmul.f32 $8.000000000e+00, v2  }
0x1eb: {  	v2 =	vld [tilespmem:s19+$0xC420];
	[tilespmem:s7+$0x144B0] =	vst v1;
	v1 =	vmul.f32 $8.000000000e+00, v4  }
0x1ec: {  	v4 =	vld [tilespmem:s19+$0xC430];
	[tilespmem:s7+$0x144C0] =	vst v0;
	v0 =	vmul.f32 $8.000000000e+00, v6  }
0x1ed: {  	v6 =	vld [tilespmem:s19+$0xC440];
	v7 =	vmul.f32 $8.000000000e+00, v7;
	[tilespmem:s7+$0x144D0] =	vst v1  }
0x1ee: {  	v1 =	vmul.f32 $8.000000000e+00, v5;
	v5 =	vld [tilespmem:s19+$0xC450];
	[tilespmem:s7+$0x144E0] =	vst v0;
	s7 =	smov.u32 s19  }
0x1ef: {  	v0 =	vmul.f32 $8.000000000e+00, v3;
	v8 =	vld [tilespmem:s7+$0xC460];
	[tilespmem:s7+$0x144F0] =	vst v7  }
0x1f0: {  	[tilespmem:s7+$0x14400] =	vst v1;
	v1 =	vmul.f32 $8.000000000e+00, v2;
	v2 =	vld [tilespmem:s7+$0xC470]  }
0x1f1: {  	[tilespmem:s7+$0x14410] =	vst v0;
	v0 =	vmul.f32 $8.000000000e+00, v4;
	v4 =	vld [tilespmem:s7+$0xC480]  }
.Ltmp7:
0x1f2: {  	[tilespmem:s7+$0x14420] =	vst v1;
	v1 =	vmul.f32 $8.000000000e+00, v6;
	v3 =	vld [tilespmem:s7+$0xC490];
	(pc) =	sbr.rel @p0 .LBB2_17-.Ltmp7, $4  }
0x1f3: {  	[tilespmem:s7+$0x14430] =	vst v0;
	v5 =	vmul.f32 $8.000000000e+00, v5;
	v0 =	vld [tilespmem:s7+$0xC4A0]  }
0x1f4: {  	[tilespmem:s7+$0x14440] =	vst v1;
	v7 =	vmul.f32 $8.000000000e+00, v8;
	v1 =	vld [tilespmem:s7+$0xC4B0]  }
0x1f5: {  	[tilespmem:s7+$0x14450] =	vst v5;
	v6 =	vmul.f32 $8.000000000e+00, v2;
	v2 =	vld [tilespmem:s7+$0xC4C0]  }
0x1f6: {  	s18 =	sadd.s32 $0x400, s18;
	[tilespmem:s7+$0x14460] =	vst v7;
	v5 =	vmul.f32 $8.000000000e+00, v4;
	v4 =	vld [tilespmem:s7+$0xC4D0]  }
0x1f7: {  	[tilespmem:s7+$0x14470] =	vst v6;
	v3 =	vmul.f32 $8.000000000e+00, v3;
	v60 =	vld [tilespmem:s7+$0xC4E0]  }
0x1f8: {  	[tilespmem:s7+$0x14480] =	vst v5;
	v0 =	vmul.f32 $8.000000000e+00, v0  }
0x1f9: {  	[tilespmem:s7+$0x14490] =	vst v3;
	v1 =	vmul.f32 $8.000000000e+00, v1  }
0x1fa: {  	[tilespmem:s7+$0x144A0] =	vst v0;
	v61 =	vmul.f32 $8.000000000e+00, v2  }
0x1fb: {  	s15 =	sadd.s32 $0x1, s15;
	[tilespmem:s7+$0x144B0] =	vst v1;
	v62 =	vmul.f32 $8.000000000e+00, v4  }
0x1fc: {  	s14 =	sadd.s32 s16, s13;
	p0 =	sne.s32 s15, $0x31;
	[tilespmem:s7+$0x144C0] =	vst v61;
	v63 =	vmul.f32 $8.000000000e+00, v60  }
.Ltmp8:
0x1fd: {  	s14 =	sshrl.u32 s14, $0x3;
	[tilespmem:s7+$0x144D0] =	vst v62;
	(pc) =	sbr.rel @p0 .LBB2_10-.Ltmp8, $4  }
0x1fe: {  	s19 =	sadd.s32 s2, s14;
	[tilespmem:s7+$0x144E0] =	vst v63  }
0x1ff: {  	[hbm4b:s19+s3] =	stream.linear.scatter [tilespmem:s30], [sflag:$0x8], $0x2000, $0x38;
	[tilespmem:$0x16400] =	vst v63  }
0x200: {  	s21 =	sadd.s32 $0x380, s17  }
0x201: {  	[tilespmem:s26], [sflag:$0x4] =	stream.indirect.gather [hbm4b:s5+s20], $0x40, s21, s20, $0xb8;
	[tilespmem:$0x16400] =	vst v63  }
0x202: {  	_ =	swait.ge [sflag:s28], $0x2000  }
0x203: {  	[sflag:s28] =	ssyncset.done $0x0  }
0x204: {  	[sflag:s28] =	ssyncadd.s32 $0xFFFFE000  }
0x205: {  	_ =	swait.ge [sflag:s6], $0x2000  }
0x206: {  	[sflag:s6] =	ssyncset.done $0x0  }
0x207: {  	s18 =	simm.s32 $0x6480;
	[sflag:s6] =	ssyncadd.s32 $0xFFFFE000  }
0x208: {  	v0 =	vld [tilespmem:s18+$0x40];
	_ =	sdelay $0x3  }
0x209: {  	v1 =	vld [tilespmem:s18+$0xFFFFFF80]  }
0x20a: {  	v2 =	vld [tilespmem:s18+$0xFFFFFFC0];
	v0 =	vmul.f32 $8.000000000e+00, v0  }
0x20b: {  	s15 =	simm.s32 $0xE480;
	v3 =	vld [tilespmem:s18+$0x0]  }
0x20c: {  	[tilespmem:s15+$0x40] =	vst v0  }
0x20d: {  	v0 =	vld [tilespmem:s18+$0x50]  }
0x20e: {  	v1 =	vmul.f32 $8.000000000e+00, v1  }
0x20f: {  	v2 =	vmul.f32 $8.000000000e+00, v2  }
0x210: {  	v3 =	vmul.f32 $8.000000000e+00, v3;
	[tilespmem:s15+$0xFFFFFF80] =	vst v1  }
0x211: {  	[tilespmem:s15+$0xFFFFFFC0] =	vst v2;
	v1 =	vld [tilespmem:s18+$0xFFFFFF90]  }
0x212: {  	[tilespmem:s15+$0x0] =	vst v3;
	v2 =	vld [tilespmem:s18+$0xFFFFFFD0];
	v0 =	vmul.f32 $8.000000000e+00, v0  }
0x213: {  	s7 =	simm.s32 $0x6580;
	v3 =	vld [tilespmem:s18+$0x10]  }
0x214: {  	[tilespmem:s15+$0x50] =	vst v0;
	v0 =	vld [tilespmem:s7+$0x40]  }
0x215: {  	v4 =	vld [tilespmem:s18+$0x60]  }
0x216: {  	v5 =	vld [tilespmem:s7+$0xFFFFFFC0];
	v1 =	vmul.f32 $8.000000000e+00, v1  }
0x217: {  	v6 =	vld [tilespmem:s7+$0x0];
	v2 =	vmul.f32 $8.000000000e+00, v2  }
0x218: {  	v3 =	vmul.f32 $8.000000000e+00, v3;
	[tilespmem:s15+$0xFFFFFF90] =	vst v1;
	v1 =	vld [tilespmem:s7+$0xFFFFFF80]  }
0x219: {  	[tilespmem:s15+$0xFFFFFFD0] =	vst v2;
	v2 =	vld [tilespmem:s18+$0xFFFFFFA0];
	v0 =	vmul.f32 $8.000000000e+00, v0  }
0x21a: {  	s16 =	simm.s32 $0xE580;
	[tilespmem:s15+$0x10] =	vst v3;
	v7 =	vld [tilespmem:s18+$0xFFFFFFE0];
	v3 =	vmul.f32 $8.000000000e+00, v4  }
0x21b: {  	v4 =	vmul.f32 $8.000000000e+00, v5;
	[tilespmem:s16+$0x40] =	vst v0;
	v0 =	vld [tilespmem:s18+$0x20]  }
0x21c: {  	v5 =	vmul.f32 $8.000000000e+00, v6;
	v6 =	vld [tilespmem:s7+$0x50];
	[tilespmem:s15+$0x60] =	vst v3  }
0x21d: {  	v1 =	vmul.f32 $8.000000000e+00, v1;
	[tilespmem:s16+$0xFFFFFFC0] =	vst v4;
	v8 =	vld [tilespmem:s18+$0x70]  }
0x21e: {  	v2 =	vmul.f32 $8.000000000e+00, v2;
	[tilespmem:s16+$0x0] =	vst v5;
	v9 =	vld [tilespmem:s7+$0xFFFFFFD0]  }
0x21f: {  	[tilespmem:s16+$0xFFFFFF80] =	vst v1;
	v5 =	vmul.f32 $8.000000000e+00, v7;
	v3 =	vld [tilespmem:s7+$0x10]  }
0x220: {  	v4 =	vld [tilespmem:s7+$0xFFFFFF90];
	[tilespmem:s15+$0xFFFFFFA0] =	vst v2;
	v2 =	vmul.f32 $8.000000000e+00, v0  }
0x221: {  	v1 =	vld [tilespmem:s18+$0xFFFFFFB0];
	[tilespmem:s15+$0xFFFFFFE0] =	vst v5;
	v7 =	vmul.f32 $8.000000000e+00, v6  }
0x222: {  	v0 =	vld [tilespmem:s18+$0xFFFFFFF0];
	[tilespmem:s15+$0x20] =	vst v2;
	v5 =	vmul.f32 $8.000000000e+00, v8  }
0x223: {  	s14 =	simm.s32 $0x4;
	s17 =	simm.s32 $0x6680;
	v6 =	vmul.f32 $8.000000000e+00, v9;
	[tilespmem:s16+$0x50] =	vst v7;
	v2 =	vld [tilespmem:s18+$0x30]  }
.LBB2_20:
0x224: {  	v7 =	vld [tilespmem:s17+$0x40];
	v3 =	vmul.f32 $8.000000000e+00, v3;
	[tilespmem:s15+$0x70] =	vst v5  }
0x225: {  	s14 =	sadd.s32 $0x4, s14;
	v4 =	vmul.f32 $8.000000000e+00, v4;
	[tilespmem:s16+$0xFFFFFFD0] =	vst v6;
	v5 =	vld [tilespmem:s7+$0x60]  }
0x226: {  	p0 =	slt.u32 s14, $0x7C;
	v6 =	vld [tilespmem:s17+$0xFFFFFFC0];
	[tilespmem:s16+$0x10] =	vst v3;
	v1 =	vmul.f32 $8.000000000e+00, v1  }
0x227: {  	v3 =	vld [tilespmem:s17+$0x0];
	[tilespmem:s16+$0xFFFFFF90] =	vst v4;
	v0 =	vmul.f32 $8.000000000e+00, v0  }
0x228: {  	v4 =	vld [tilespmem:s17+$0xFFFFFF80];
	[tilespmem:s15+$0xFFFFFFB0] =	vst v1;
	v1 =	vmul.f32 $8.000000000e+00, v2  }
0x229: {  	v2 =	vmul.f32 $8.000000000e+00, v7;
	v7 =	vld [tilespmem:s7+$0xFFFFFFA0];
	[tilespmem:s15+$0xFFFFFFF0] =	vst v0  }
0x22a: {  	v0 =	vld [tilespmem:s7+$0xFFFFFFE0];
	v5 =	vmul.f32 $8.000000000e+00, v5;
	[tilespmem:s15+$0x30] =	vst v1;
	s15 =	smov.u32 s16;
	s16 =	sadd.s32 $0x100, s16  }
0x22b: {  	v1 =	vmul.f32 $8.000000000e+00, v6;
	[tilespmem:s16+$0x40] =	vst v2;
	v2 =	vld [tilespmem:s7+$0x20]  }
0x22c: {  	v3 =	vmul.f32 $8.000000000e+00, v3;
	v6 =	vld [tilespmem:s17+$0x50];
	[tilespmem:s15+$0x60] =	vst v5  }
0x22d: {  	v4 =	vmul.f32 $8.000000000e+00, v4;
	[tilespmem:s16+$0xFFFFFFC0] =	vst v1;
	v5 =	vld [tilespmem:s7+$0x70]  }
0x22e: {  	v8 =	vld [tilespmem:s17+$0xFFFFFFD0];
	[tilespmem:s16+$0x0] =	vst v3;
	v1 =	vmul.f32 $8.000000000e+00, v7  }
.Ltmp9:
0x22f: {  	[tilespmem:s16+$0xFFFFFF80] =	vst v4;
	v3 =	vld [tilespmem:s17+$0x10];
	v0 =	vmul.f32 $8.000000000e+00, v0;
	(pc) =	sbr.rel @p0 .LBB2_20-.Ltmp9, $4  }
0x230: {  	v4 =	vld [tilespmem:s17+$0xFFFFFF90];
	[tilespmem:s15+$0xFFFFFFA0] =	vst v1;
	v2 =	vmul.f32 $8.000000000e+00, v2  }
0x231: {  	v7 =	vmul.f32 $8.000000000e+00, v6;
	v1 =	vld [tilespmem:s7+$0xFFFFFFB0];
	[tilespmem:s15+$0xFFFFFFE0] =	vst v0  }
0x232: {  	v0 =	vld [tilespmem:s7+$0xFFFFFFF0];
	[tilespmem:s15+$0x20] =	vst v2;
	v5 =	vmul.f32 $8.000000000e+00, v5  }
0x233: {  	v6 =	vmul.f32 $8.000000000e+00, v8;
	[tilespmem:s16+$0x50] =	vst v7;
	v2 =	vld [tilespmem:s7+$0x30];
	s7 =	smov.u32 s17;
	s17 =	sadd.s32 $0x100, s17  }
0x234: {  	_ = 	snop  }
0x235: {  	v4 =	vmul.f32 $8.000000000e+00, v4;
	_ =	sdelay $0x1  }
0x236: {  	v3 =	vmul.f32 $8.000000000e+00, v3;
	v7 =	vld [tilespmem:s7+$0x60];
	[tilespmem:s16+$0xFFFFFF90] =	vst v4  }
0x237: {  	[tilespmem:s16+$0xFFFFFFD0] =	vst v6;
	v4 =	vld [tilespmem:s7+$0xFFFFFFA0]  }
0x238: {  	[tilespmem:s16+$0x10] =	vst v3;
	v3 =	vld [tilespmem:s7+$0xFFFFFFE0]  }
0x239: {  	v6 =	vld [tilespmem:s7+$0x20];
	_ =	sdelay $0x1  }
0x23a: {  	v7 =	vmul.f32 $8.000000000e+00, v7  }
0x23b: {  	v4 =	vmul.f32 $8.000000000e+00, v4  }
0x23c: {  	[tilespmem:s16+$0x60] =	vst v7;
	v3 =	vmul.f32 $8.000000000e+00, v3  }
0x23d: {  	v7 =	vld [tilespmem:s7+$0x70];
	[tilespmem:s16+$0xFFFFFFA0] =	vst v4;
	v4 =	vmul.f32 $8.000000000e+00, v6  }
0x23e: {  	[tilespmem:s16+$0xFFFFFFE0] =	vst v3;
	v6 =	vld [tilespmem:s7+$0xFFFFFFB0]  }
0x23f: {  	v1 =	vmul.f32 $8.000000000e+00, v1;
	v3 =	vld [tilespmem:s7+$0xFFFFFFF0];
	[tilespmem:s16+$0x20] =	vst v4  }
0x240: {  	[tilespmem:s15+$0x70] =	vst v5;
	v0 =	vmul.f32 $8.000000000e+00, v0;
	v4 =	vld [tilespmem:s7+$0x30]  }
0x241: {  	[tilespmem:s15+$0xFFFFFFB0] =	vst v1;
	v1 =	vmul.f32 $8.000000000e+00, v2  }
0x242: {  	[tilespmem:s15+$0xFFFFFFF0] =	vst v0;
	v0 =	vmul.f32 $8.000000000e+00, v7  }
0x243: {  	[tilespmem:s15+$0x30] =	vst v1;
	v1 =	vmul.f32 $8.000000000e+00, v6  }
0x244: {  	[tilespmem:s16+$0x70] =	vst v0;
	v0 =	vmul.f32 $8.000000000e+00, v3  }
0x245: {  	[tilespmem:s16+$0xFFFFFFB0] =	vst v1;
	v1 =	vmul.f32 $8.000000000e+00, v4  }
0x246: {  	[tilespmem:s16+$0xFFFFFFF0] =	vst v0  }
0x247: {  	[tilespmem:s16+$0x30] =	vst v1  }
0x248: {  	s21 =	rddreg [dreg:$0x8]  }
0x249: {  	[hbm4b:s21+s3] =	stream.linear.scatter [tilespmem:s29], [sflag:$0x5], $0x2000, $0x38;
	[tilespmem:$0x16400] =	vst v63  }
0x24a: {  	_ =	swait.ge [sflag:s31], $0x2000  }
0x24b: {  	[sflag:s31] =	ssyncset.done $0x0  }
0x24c: {  	[sflag:s31] =	ssyncadd.s32 $0xFFFFE000  }
0x24d: {  	_ =	swait.ge [sflag:s8], $0x2000  }
0x24e: {  	[sflag:s8] =	ssyncset.done $0x0  }
0x24f: {  	s18 =	simm.s32 $0x84F0;
	[sflag:s8] =	ssyncadd.s32 $0xFFFFE000  }
0x250: {  	v0 =	vld [tilespmem:s18+$0xFFFFFFD0];
	_ =	sdelay $0x3  }
0x251: {  	v1 =	vld [tilespmem:s18+$0xFFFFFF10]  }
0x252: {  	v2 =	vld [tilespmem:s18+$0xFFFFFF50];
	v0 =	vmul.f32 $8.000000000e+00, v0  }
0x253: {  	s15 =	simm.s32 $0x104F0;
	v3 =	vld [tilespmem:s18+$0xFFFFFF90]  }
0x254: {  	[tilespmem:s15+$0xFFFFFFD0] =	vst v0  }
0x255: {  	v0 =	vld [tilespmem:s18+$0xFFFFFFE0]  }
0x256: {  	v1 =	vmul.f32 $8.000000000e+00, v1  }
0x257: {  	v2 =	vmul.f32 $8.000000000e+00, v2  }
0x258: {  	v3 =	vmul.f32 $8.000000000e+00, v3;
	[tilespmem:s15+$0xFFFFFF10] =	vst v1  }
0x259: {  	[tilespmem:s15+$0xFFFFFF50] =	vst v2;
	v1 =	vld [tilespmem:s18+$0xFFFFFF20]  }
0x25a: {  	[tilespmem:s15+$0xFFFFFF90] =	vst v3;
	v2 =	vld [tilespmem:s18+$0xFFFFFF60];
	v0 =	vmul.f32 $8.000000000e+00, v0  }
0x25b: {  	s7 =	simm.s32 $0x85F0;
	v3 =	vld [tilespmem:s18+$0xFFFFFFA0]  }
0x25c: {  	[tilespmem:s15+$0xFFFFFFE0] =	vst v0;
	v0 =	vld [tilespmem:s7+$0xFFFFFFD0]  }
0x25d: {  	v4 =	vld [tilespmem:s18+$0xFFFFFFF0]  }
0x25e: {  	v5 =	vld [tilespmem:s7+$0xFFFFFF50];
	v1 =	vmul.f32 $8.000000000e+00, v1  }
0x25f: {  	v6 =	vld [tilespmem:s7+$0xFFFFFF90];
	v2 =	vmul.f32 $8.000000000e+00, v2  }
0x260: {  	v3 =	vmul.f32 $8.000000000e+00, v3;
	[tilespmem:s15+$0xFFFFFF20] =	vst v1;
	v1 =	vld [tilespmem:s7+$0xFFFFFF10]  }
0x261: {  	[tilespmem:s15+$0xFFFFFF60] =	vst v2;
	v2 =	vld [tilespmem:s18+$0xFFFFFF30];
	v0 =	vmul.f32 $8.000000000e+00, v0  }
0x262: {  	s16 =	simm.s32 $0x105F0;
	[tilespmem:s15+$0xFFFFFFA0] =	vst v3;
	v7 =	vld [tilespmem:s18+$0xFFFFFF70];
	v3 =	vmul.f32 $8.000000000e+00, v4  }
0x263: {  	v4 =	vmul.f32 $8.000000000e+00, v5;
	[tilespmem:s16+$0xFFFFFFD0] =	vst v0;
	v0 =	vld [tilespmem:s18+$0xFFFFFFB0]  }
0x264: {  	v5 =	vmul.f32 $8.000000000e+00, v6;
	v6 =	vld [tilespmem:s7+$0xFFFFFFE0];
	[tilespmem:s15+$0xFFFFFFF0] =	vst v3  }
0x265: {  	v1 =	vmul.f32 $8.000000000e+00, v1;
	[tilespmem:s16+$0xFFFFFF50] =	vst v4;
	v8 =	vld [tilespmem:s18+$0x0]  }
0x266: {  	v2 =	vmul.f32 $8.000000000e+00, v2;
	[tilespmem:s16+$0xFFFFFF90] =	vst v5;
	v9 =	vld [tilespmem:s7+$0xFFFFFF60]  }
0x267: {  	[tilespmem:s16+$0xFFFFFF10] =	vst v1;
	v5 =	vmul.f32 $8.000000000e+00, v7;
	v3 =	vld [tilespmem:s7+$0xFFFFFFA0]  }
0x268: {  	v4 =	vld [tilespmem:s7+$0xFFFFFF20];
	[tilespmem:s15+$0xFFFFFF30] =	vst v2;
	v2 =	vmul.f32 $8.000000000e+00, v0  }
0x269: {  	v1 =	vld [tilespmem:s18+$0xFFFFFF40];
	[tilespmem:s15+$0xFFFFFF70] =	vst v5;
	v7 =	vmul.f32 $8.000000000e+00, v6  }
0x26a: {  	v0 =	vld [tilespmem:s18+$0xFFFFFF80];
	[tilespmem:s15+$0xFFFFFFB0] =	vst v2;
	v5 =	vmul.f32 $8.000000000e+00, v8  }
0x26b: {  	s14 =	simm.s32 $0x4;
	s17 =	simm.s32 $0x86F0;
	v6 =	vmul.f32 $8.000000000e+00, v9;
	[tilespmem:s16+$0xFFFFFFE0] =	vst v7;
	v2 =	vld [tilespmem:s18+$0xFFFFFFC0]  }
.LBB2_22:
0x26c: {  	v7 =	vld [tilespmem:s17+$0xFFFFFFD0];
	v3 =	vmul.f32 $8.000000000e+00, v3;
	[tilespmem:s15+$0x0] =	vst v5  }
0x26d: {  	s14 =	sadd.s32 $0x4, s14;
	v4 =	vmul.f32 $8.000000000e+00, v4;
	[tilespmem:s16+$0xFFFFFF60] =	vst v6;
	v5 =	vld [tilespmem:s7+$0xFFFFFFF0]  }
0x26e: {  	p0 =	slt.u32 s14, $0x7C;
	v6 =	vld [tilespmem:s17+$0xFFFFFF50];
	[tilespmem:s16+$0xFFFFFFA0] =	vst v3;
	v1 =	vmul.f32 $8.000000000e+00, v1  }
0x26f: {  	v3 =	vld [tilespmem:s17+$0xFFFFFF90];
	[tilespmem:s16+$0xFFFFFF20] =	vst v4;
	v0 =	vmul.f32 $8.000000000e+00, v0  }
0x270: {  	v4 =	vld [tilespmem:s17+$0xFFFFFF10];
	[tilespmem:s15+$0xFFFFFF40] =	vst v1;
	v1 =	vmul.f32 $8.000000000e+00, v2  }
0x271: {  	v2 =	vmul.f32 $8.000000000e+00, v7;
	v7 =	vld [tilespmem:s7+$0xFFFFFF30];
	[tilespmem:s15+$0xFFFFFF80] =	vst v0  }
0x272: {  	v0 =	vld [tilespmem:s7+$0xFFFFFF70];
	v5 =	vmul.f32 $8.000000000e+00, v5;
	[tilespmem:s15+$0xFFFFFFC0] =	vst v1;
	s15 =	smov.u32 s16;
	s16 =	sadd.s32 $0x100, s16  }
0x273: {  	v1 =	vmul.f32 $8.000000000e+00, v6;
	[tilespmem:s16+$0xFFFFFFD0] =	vst v2;
	v2 =	vld [tilespmem:s7+$0xFFFFFFB0]  }
0x274: {  	v3 =	vmul.f32 $8.000000000e+00, v3;
	v6 =	vld [tilespmem:s17+$0xFFFFFFE0];
	[tilespmem:s15+$0xFFFFFFF0] =	vst v5  }
0x275: {  	v4 =	vmul.f32 $8.000000000e+00, v4;
	[tilespmem:s16+$0xFFFFFF50] =	vst v1;
	v5 =	vld [tilespmem:s7+$0x0]  }
0x276: {  	v8 =	vld [tilespmem:s17+$0xFFFFFF60];
	[tilespmem:s16+$0xFFFFFF90] =	vst v3;
	v1 =	vmul.f32 $8.000000000e+00, v7  }
.Ltmp10:
0x277: {  	[tilespmem:s16+$0xFFFFFF10] =	vst v4;
	v3 =	vld [tilespmem:s17+$0xFFFFFFA0];
	v0 =	vmul.f32 $8.000000000e+00, v0;
	(pc) =	sbr.rel @p0 .LBB2_22-.Ltmp10, $4  }
0x278: {  	v4 =	vld [tilespmem:s17+$0xFFFFFF20];
	[tilespmem:s15+$0xFFFFFF30] =	vst v1;
	v2 =	vmul.f32 $8.000000000e+00, v2  }
0x279: {  	v7 =	vmul.f32 $8.000000000e+00, v6;
	v1 =	vld [tilespmem:s7+$0xFFFFFF40];
	[tilespmem:s15+$0xFFFFFF70] =	vst v0  }
0x27a: {  	v0 =	vld [tilespmem:s7+$0xFFFFFF80];
	[tilespmem:s15+$0xFFFFFFB0] =	vst v2;
	v5 =	vmul.f32 $8.000000000e+00, v5  }
0x27b: {  	v6 =	vmul.f32 $8.000000000e+00, v8;
	[tilespmem:s16+$0xFFFFFFE0] =	vst v7;
	v2 =	vld [tilespmem:s7+$0xFFFFFFC0];
	s7 =	smov.u32 s17;
	s17 =	sadd.s32 $0x100, s17  }
0x27c: {  	_ = 	snop  }
0x27d: {  	v4 =	vmul.f32 $8.000000000e+00, v4;
	_ =	sdelay $0x1  }
0x27e: {  	v3 =	vmul.f32 $8.000000000e+00, v3;
	v7 =	vld [tilespmem:s7+$0xFFFFFFF0];
	[tilespmem:s16+$0xFFFFFF20] =	vst v4  }
0x27f: {  	[tilespmem:s16+$0xFFFFFF60] =	vst v6;
	v4 =	vld [tilespmem:s7+$0xFFFFFF30]  }
0x280: {  	[tilespmem:s16+$0xFFFFFFA0] =	vst v3;
	v3 =	vld [tilespmem:s7+$0xFFFFFF70]  }
0x281: {  	v6 =	vld [tilespmem:s7+$0xFFFFFFB0];
	_ =	sdelay $0x1  }
0x282: {  	v7 =	vmul.f32 $8.000000000e+00, v7  }
0x283: {  	v4 =	vmul.f32 $8.000000000e+00, v4  }
0x284: {  	[tilespmem:s16+$0xFFFFFFF0] =	vst v7;
	v3 =	vmul.f32 $8.000000000e+00, v3  }
0x285: {  	v7 =	vld [tilespmem:s7+$0x0];
	[tilespmem:s16+$0xFFFFFF30] =	vst v4;
	v4 =	vmul.f32 $8.000000000e+00, v6  }
0x286: {  	[tilespmem:s16+$0xFFFFFF70] =	vst v3;
	v6 =	vld [tilespmem:s7+$0xFFFFFF40]  }
0x287: {  	v1 =	vmul.f32 $8.000000000e+00, v1;
	v3 =	vld [tilespmem:s7+$0xFFFFFF80];
	[tilespmem:s16+$0xFFFFFFB0] =	vst v4  }
0x288: {  	[tilespmem:s15+$0x0] =	vst v5;
	v0 =	vmul.f32 $8.000000000e+00, v0;
	v4 =	vld [tilespmem:s7+$0xFFFFFFC0]  }
0x289: {  	[tilespmem:s15+$0xFFFFFF40] =	vst v1;
	v1 =	vmul.f32 $8.000000000e+00, v2  }
0x28a: {  	[tilespmem:s15+$0xFFFFFF80] =	vst v0;
	v0 =	vmul.f32 $8.000000000e+00, v7  }
0x28b: {  	[tilespmem:s15+$0xFFFFFFC0] =	vst v1;
	v1 =	vmul.f32 $8.000000000e+00, v6  }
0x28c: {  	[tilespmem:s16+$0x0] =	vst v0;
	v0 =	vmul.f32 $8.000000000e+00, v3  }
0x28d: {  	[tilespmem:s16+$0xFFFFFF40] =	vst v1;
	v1 =	vmul.f32 $8.000000000e+00, v4  }
0x28e: {  	[tilespmem:s16+$0xFFFFFF80] =	vst v0  }
0x28f: {  	[tilespmem:s16+$0xFFFFFFC0] =	vst v1  }
0x290: {  	s21 =	simm.s32 $0x0;
	s14 =	rddreg [dreg:$0x9]  }
0x291: {  	[hbm4b:s14+s21] =	stream.linear.scatter [tilespmem:s1], [sflag:$0x6], $0x2000, $0x38;
	[tilespmem:$0x16400] =	vst v63  }
0x292: {  	_ =	swait.ge [sflag:s23], $0x2000  }
0x293: {  	[sflag:s23] =	ssyncset.done $0x0  }
0x294: {  	[sflag:s23] =	ssyncadd.s32 $0xFFFFE000  }
0x295: {  	_ =	swait.ge [sflag:s9], $0x2000  }
0x296: {  	[sflag:s9] =	ssyncset.done $0x0  }
0x297: {  	s7 =	simm.s32 $0x0;
	[sflag:s9] =	ssyncadd.s32 $0xFFFFE000  }
0x298: {  	v0 =	vld [tilespmem:s7+$0xA4F0]  }
0x299: {  	v1 =	vld [tilespmem:s7+$0xA400]  }
0x29a: {  	v2 =	vld [tilespmem:s7+$0xA410]  }
0x29b: {  	v3 =	vld [tilespmem:s7+$0xA420]  }
0x29c: {  	v7 =	vld [tilespmem:s7+$0xA460]  }
0x29d: {  	v4 =	vld [tilespmem:s7+$0xA430]  }
0x29e: {  	v0 =	vmul.f32 $8.000000000e+00, v0  }
0x29f: {  	v5 =	vld [tilespmem:s7+$0xA440];
	v1 =	vmul.f32 $8.000000000e+00, v1  }
0x2a0: {  	v6 =	vld [tilespmem:s7+$0xA450];
	v2 =	vmul.f32 $8.000000000e+00, v2;
	[tilespmem:s7+$0x124F0] =	vst v0  }
0x2a1: {  	v8 =	vld [tilespmem:s7+$0xA470];
	v7 =	vmul.f32 $8.000000000e+00, v7;
	[tilespmem:s7+$0x12400] =	vst v1  }
0x2a2: {  	v0 =	vmul.f32 $8.000000000e+00, v3;
	[tilespmem:s7+$0x12410] =	vst v2;
	v1 =	vmul.f32 $8.000000000e+00, v4;
	v4 =	vld [tilespmem:s7+$0xA480]  }
0x2a3: {  	v3 =	vld [tilespmem:s7+$0xA490];
	[tilespmem:s7+$0x12460] =	vst v7  }
0x2a4: {  	v2 =	vmul.f32 $8.000000000e+00, v5;
	[tilespmem:s7+$0x12420] =	vst v0;
	v0 =	vld [tilespmem:s7+$0xA4A0]  }
0x2a5: {  	v5 =	vmul.f32 $8.000000000e+00, v6;
	[tilespmem:s7+$0x12430] =	vst v1;
	v1 =	vld [tilespmem:s7+$0xA4B0]  }
0x2a6: {  	v6 =	vmul.f32 $8.000000000e+00, v8;
	[tilespmem:s7+$0x12440] =	vst v2;
	v2 =	vld [tilespmem:s7+$0xA4C0]  }
0x2a7: {  	s15 =	simm.s32 $0x400;
	s14 =	simm.s32 $0x0;
	[tilespmem:s7+$0x12450] =	vst v5;
	v5 =	vmul.f32 $8.000000000e+00, v4;
	v4 =	vld [tilespmem:s7+$0xA4D0]  }
.LBB2_24:
0x2a8: {  	s16 =	sshra.s32 s15, $0x2;
	s14 =	sadd.s32 $0x4, s14;
	[tilespmem:s7+$0x12470] =	vst v6;
	v3 =	vmul.f32 $8.000000000e+00, v3;
	v6 =	vld [tilespmem:s7+$0xA4E0]  }
0x2a9: {  	v7 =	vld [tilespmem:s16+$0xA4F0];
	p0 =	slt.u32 s14, $0x7C;
	[tilespmem:s7+$0x12480] =	vst v5;
	v0 =	vmul.f32 $8.000000000e+00, v0  }
0x2aa: {  	v5 =	vld [tilespmem:s16+$0xA400];
	[tilespmem:s7+$0x12490] =	vst v3;
	v1 =	vmul.f32 $8.000000000e+00, v1  }
0x2ab: {  	v3 =	vld [tilespmem:s16+$0xA410];
	[tilespmem:s7+$0x124A0] =	vst v0;
	v0 =	vmul.f32 $8.000000000e+00, v2  }
0x2ac: {  	v2 =	vld [tilespmem:s16+$0xA420];
	[tilespmem:s7+$0x124B0] =	vst v1;
	v1 =	vmul.f32 $8.000000000e+00, v4  }
0x2ad: {  	v4 =	vld [tilespmem:s16+$0xA430];
	[tilespmem:s7+$0x124C0] =	vst v0;
	v0 =	vmul.f32 $8.000000000e+00, v6  }
0x2ae: {  	v6 =	vld [tilespmem:s16+$0xA440];
	v7 =	vmul.f32 $8.000000000e+00, v7;
	[tilespmem:s7+$0x124D0] =	vst v1  }
0x2af: {  	v1 =	vmul.f32 $8.000000000e+00, v5;
	v5 =	vld [tilespmem:s16+$0xA450];
	[tilespmem:s7+$0x124E0] =	vst v0;
	s7 =	smov.u32 s16  }
0x2b0: {  	v0 =	vmul.f32 $8.000000000e+00, v3;
	v8 =	vld [tilespmem:s7+$0xA460];
	[tilespmem:s7+$0x124F0] =	vst v7  }
0x2b1: {  	[tilespmem:s7+$0x12400] =	vst v1;
	v1 =	vmul.f32 $8.000000000e+00, v2;
	v2 =	vld [tilespmem:s7+$0xA470]  }
0x2b2: {  	[tilespmem:s7+$0x12410] =	vst v0;
	v0 =	vmul.f32 $8.000000000e+00, v4;
	v4 =	vld [tilespmem:s7+$0xA480]  }
.Ltmp11:
0x2b3: {  	[tilespmem:s7+$0x12420] =	vst v1;
	v1 =	vmul.f32 $8.000000000e+00, v6;
	v3 =	vld [tilespmem:s7+$0xA490];
	(pc) =	sbr.rel @p0 .LBB2_24-.Ltmp11, $4  }
0x2b4: {  	[tilespmem:s7+$0x12430] =	vst v0;
	v5 =	vmul.f32 $8.000000000e+00, v5;
	v0 =	vld [tilespmem:s7+$0xA4A0]  }
0x2b5: {  	[tilespmem:s7+$0x12440] =	vst v1;
	v7 =	vmul.f32 $8.000000000e+00, v8;
	v1 =	vld [tilespmem:s7+$0xA4B0]  }
0x2b6: {  	[tilespmem:s7+$0x12450] =	vst v5;
	v6 =	vmul.f32 $8.000000000e+00, v2;
	v2 =	vld [tilespmem:s7+$0xA4C0]  }
0x2b7: {  	s15 =	sadd.s32 $0x400, s15;
	[tilespmem:s7+$0x12460] =	vst v7;
	v5 =	vmul.f32 $8.000000000e+00, v4;
	v4 =	vld [tilespmem:s7+$0xA4D0]  }
0x2b8: {  	[tilespmem:s7+$0x12470] =	vst v6;
	v3 =	vmul.f32 $8.000000000e+00, v3;
	v6 =	vld [tilespmem:s7+$0xA4E0]  }
0x2b9: {  	[tilespmem:s7+$0x12480] =	vst v5;
	v0 =	vmul.f32 $8.000000000e+00, v0  }
0x2ba: {  	[tilespmem:s7+$0x12490] =	vst v3;
	v1 =	vmul.f32 $8.000000000e+00, v1  }
0x2bb: {  	[tilespmem:s7+$0x124A0] =	vst v0;
	v0 =	vmul.f32 $8.000000000e+00, v2  }
0x2bc: {  	[tilespmem:s7+$0x124B0] =	vst v1;
	v1 =	vmul.f32 $8.000000000e+00, v4  }
0x2bd: {  	[tilespmem:s7+$0x124C0] =	vst v0;
	v0 =	vmul.f32 $8.000000000e+00, v6  }
0x2be: {  	[tilespmem:s7+$0x124D0] =	vst v1  }
0x2bf: {  	[tilespmem:s7+$0x124E0] =	vst v0  }
0x2c0: {  	s21 =	simm.s32 $0x0;
	s14 =	rddreg [dreg:$0xa]  }
0x2c1: {  	[hbm4b:s14+s21] =	stream.linear.scatter [tilespmem:s25], [sflag:$0x7], $0x2000, $0x38;
	[tilespmem:$0x16400] =	vst v63  }
0x2c2: {  	_ =	swait.ge [sflag:s0], $0x2000  }
0x2c3: {  	[sflag:s0] =	ssyncset.done $0x0  }
0x2c4: {  	[sflag:s0] =	ssyncadd.s32 $0xFFFFE000  }
0x2c5: {  	_ =	swait.ge [sflag:s10], $0x2000  }
0x2c6: {  	[sflag:s10] =	ssyncset.done $0x0  }
0x2c7: {  	s7 =	simm.s32 $0x0;
	[sflag:s10] =	ssyncadd.s32 $0xFFFFE000  }
0x2c8: {  	v0 =	vld [tilespmem:s7+$0xC4F0]  }
0x2c9: {  	v1 =	vld [tilespmem:s7+$0xC400]  }
0x2ca: {  	v2 =	vld [tilespmem:s7+$0xC410]  }
0x2cb: {  	v3 =	vld [tilespmem:s7+$0xC420]  }
0x2cc: {  	v7 =	vld [tilespmem:s7+$0xC460]  }
0x2cd: {  	v4 =	vld [tilespmem:s7+$0xC430]  }
0x2ce: {  	v0 =	vmul.f32 $8.000000000e+00, v0  }
0x2cf: {  	v5 =	vld [tilespmem:s7+$0xC440];
	v1 =	vmul.f32 $8.000000000e+00, v1  }
0x2d0: {  	v6 =	vld [tilespmem:s7+$0xC450];
	v2 =	vmul.f32 $8.000000000e+00, v2;
	[tilespmem:s7+$0x144F0] =	vst v0  }
0x2d1: {  	v8 =	vld [tilespmem:s7+$0xC470];
	v7 =	vmul.f32 $8.000000000e+00, v7;
	[tilespmem:s7+$0x14400] =	vst v1  }
0x2d2: {  	v0 =	vmul.f32 $8.000000000e+00, v3;
	[tilespmem:s7+$0x14410] =	vst v2;
	v1 =	vmul.f32 $8.000000000e+00, v4;
	v4 =	vld [tilespmem:s7+$0xC480]  }
0x2d3: {  	v3 =	vld [tilespmem:s7+$0xC490];
	[tilespmem:s7+$0x14460] =	vst v7  }
0x2d4: {  	v2 =	vmul.f32 $8.000000000e+00, v5;
	[tilespmem:s7+$0x14420] =	vst v0;
	v0 =	vld [tilespmem:s7+$0xC4A0]  }
0x2d5: {  	v5 =	vmul.f32 $8.000000000e+00, v6;
	[tilespmem:s7+$0x14430] =	vst v1;
	v1 =	vld [tilespmem:s7+$0xC4B0]  }
0x2d6: {  	v6 =	vmul.f32 $8.000000000e+00, v8;
	[tilespmem:s7+$0x14440] =	vst v2;
	v2 =	vld [tilespmem:s7+$0xC4C0]  }
0x2d7: {  	s15 =	simm.s32 $0x400;
	s14 =	simm.s32 $0x0;
	[tilespmem:s7+$0x14450] =	vst v5;
	v5 =	vmul.f32 $8.000000000e+00, v4;
	v4 =	vld [tilespmem:s7+$0xC4D0]  }
.LBB2_26:
0x2d8: {  	s16 =	sshra.s32 s15, $0x2;
	s14 =	sadd.s32 $0x4, s14;
	[tilespmem:s7+$0x14470] =	vst v6;
	v3 =	vmul.f32 $8.000000000e+00, v3;
	v6 =	vld [tilespmem:s7+$0xC4E0]  }
0x2d9: {  	v7 =	vld [tilespmem:s16+$0xC4F0];
	p0 =	slt.u32 s14, $0x7C;
	[tilespmem:s7+$0x14480] =	vst v5;
	v0 =	vmul.f32 $8.000000000e+00, v0  }
0x2da: {  	v5 =	vld [tilespmem:s16+$0xC400];
	[tilespmem:s7+$0x14490] =	vst v3;
	v1 =	vmul.f32 $8.000000000e+00, v1  }
0x2db: {  	v3 =	vld [tilespmem:s16+$0xC410];
	[tilespmem:s7+$0x144A0] =	vst v0;
	v0 =	vmul.f32 $8.000000000e+00, v2  }
0x2dc: {  	v2 =	vld [tilespmem:s16+$0xC420];
	[tilespmem:s7+$0x144B0] =	vst v1;
	v1 =	vmul.f32 $8.000000000e+00, v4  }
0x2dd: {  	v4 =	vld [tilespmem:s16+$0xC430];
	[tilespmem:s7+$0x144C0] =	vst v0;
	v0 =	vmul.f32 $8.000000000e+00, v6  }
0x2de: {  	v6 =	vld [tilespmem:s16+$0xC440];
	v7 =	vmul.f32 $8.000000000e+00, v7;
	[tilespmem:s7+$0x144D0] =	vst v1  }
0x2df: {  	v1 =	vmul.f32 $8.000000000e+00, v5;
	v5 =	vld [tilespmem:s16+$0xC450];
	[tilespmem:s7+$0x144E0] =	vst v0;
	s7 =	smov.u32 s16  }
0x2e0: {  	v0 =	vmul.f32 $8.000000000e+00, v3;
	v8 =	vld [tilespmem:s7+$0xC460];
	[tilespmem:s7+$0x144F0] =	vst v7  }
0x2e1: {  	[tilespmem:s7+$0x14400] =	vst v1;
	v1 =	vmul.f32 $8.000000000e+00, v2;
	v2 =	vld [tilespmem:s7+$0xC470]  }
0x2e2: {  	[tilespmem:s7+$0x14410] =	vst v0;
	v0 =	vmul.f32 $8.000000000e+00, v4;
	v4 =	vld [tilespmem:s7+$0xC480]  }
.Ltmp12:
0x2e3: {  	[tilespmem:s7+$0x14420] =	vst v1;
	v1 =	vmul.f32 $8.000000000e+00, v6;
	v3 =	vld [tilespmem:s7+$0xC490];
	(pc) =	sbr.rel @p0 .LBB2_26-.Ltmp12, $4  }
0x2e4: {  	[tilespmem:s7+$0x14430] =	vst v0;
	v5 =	vmul.f32 $8.000000000e+00, v5;
	v0 =	vld [tilespmem:s7+$0xC4A0]  }
0x2e5: {  	[tilespmem:s7+$0x14440] =	vst v1;
	v7 =	vmul.f32 $8.000000000e+00, v8;
	v1 =	vld [tilespmem:s7+$0xC4B0]  }
0x2e6: {  	[tilespmem:s7+$0x14450] =	vst v5;
	v6 =	vmul.f32 $8.000000000e+00, v2;
	v2 =	vld [tilespmem:s7+$0xC4C0]  }
0x2e7: {  	s15 =	sadd.s32 $0x400, s15;
	[tilespmem:s7+$0x14460] =	vst v7;
	v5 =	vmul.f32 $8.000000000e+00, v4;
	v4 =	vld [tilespmem:s7+$0xC4D0]  }
0x2e8: {  	[tilespmem:s7+$0x14470] =	vst v6;
	v3 =	vmul.f32 $8.000000000e+00, v3;
	v60 =	vld [tilespmem:s7+$0xC4E0]  }
0x2e9: {  	[tilespmem:s7+$0x14480] =	vst v5;
	v0 =	vmul.f32 $8.000000000e+00, v0  }
0x2ea: {  	[tilespmem:s7+$0x14490] =	vst v3;
	v1 =	vmul.f32 $8.000000000e+00, v1  }
0x2eb: {  	[tilespmem:s7+$0x144A0] =	vst v0;
	v61 =	vmul.f32 $8.000000000e+00, v2  }
0x2ec: {  	[tilespmem:s7+$0x144B0] =	vst v1;
	v62 =	vmul.f32 $8.000000000e+00, v4  }
0x2ed: {  	[tilespmem:s7+$0x144C0] =	vst v61;
	v63 =	vmul.f32 $8.000000000e+00, v60  }
0x2ee: {  	[tilespmem:s7+$0x144D0] =	vst v62  }
0x2ef: {  	[tilespmem:s7+$0x144E0] =	vst v63  }
0x2f0: {  	s7 =	rddreg [dreg:$0xb]  }
0x2f1: {  	[hbm4b:s7+s3] =	stream.linear.scatter [tilespmem:s30], [sflag:$0x8], $0x2000, $0x38;
	[tilespmem:$0x16400] =	vst v63  }
0x2f2: {  	_ =	swait.ge [sflag:s6], $0x2000  }
0x2f3: {  	[sflag:s6] =	ssyncset.done $0x0  }
0x2f4: {  	[sflag:s6] =	ssyncadd.s32 $0xFFFFE000  }
0x2f5: {  	_ =	swait.ge [sflag:s8], $0x2000  }
0x2f6: {  	[sflag:s8] =	ssyncset.done $0x0  }
0x2f7: {  	[sflag:s8] =	ssyncadd.s32 $0xFFFFE000  }
0x2f8: {  	_ =	swait.ge [sflag:s9], $0x2000  }
0x2f9: {  	[sflag:s9] =	ssyncset.done $0x0  }
0x2fa: {  	[sflag:s9] =	ssyncadd.s32 $0xFFFFE000  }
0x2fb: {  	_ =	swait.ge [sflag:s10], $0x2000  }
0x2fc: {  	s14 =	rddreg [dreg:$0xd]  }
0x2fd: {  	s21 =	rddreg [dreg:$0xc];
	s14 =	sadd.s32 $0x1, s14  }
0x2fe: {  	p0 =	sne.s32 s14, s21  }
.Ltmp13:
0x2ff: {  	_ = 	snop;
	(pc) =	sbr.rel @p0 .LBB2_1-.Ltmp13, $3  }
0x300: {  	_ =	sdelay $0x1  }
0x301: {  	[sflag:s10] =	ssyncset.done $0x0  }
0x302: {  	[sflag:s10] =	ssyncadd.s32 $0xFFFFE000  }
0x303: {  	_ =	sfence.sel $0x180000  }
0x304: {  	[bflag:$0x0] =	sbarrier.arrive $0xFFFF  }
0x305: {  	_ =	strace $0x90000047  }
0x306: {  	s0 =	stileid.u32;
	[bflag:$0x2] =	sbarrier.arrive $0xFFFF  }
0x307: {  	p0 =	sne.s32 s0, $0x0;
	s0 =	rddreg [dreg:$0x2]  }
0x308: {  	s0 =	sadd.s32 @!p0 $0x100000, s0  }
0x309: {  	[sflag:s0] =	ssyncadd.tile.s32 @!p0 $0x1;
	_ =	shalt  }
.Lfunc_end2:
_tile_overlayer_lowered:
.L_overlay_start_2:
0x30a: {  	(tag) =	ssettag $0x2  }
0x30b: {  	s0 =	rddreg [dreg:$0x0];
	s2 =	stileid.u32  }
0x30c: {  	s1 =	rddreg [dreg:$0x1];
	p0 =	sne.s32 s2, $0x0  }
0x30d: {  	s3 =	rddreg [dreg:$0x2];
	[bflag:$0x3] =	sbarrier.arrive $0xFFFF;
	s2 =	simm.s32 @!p0 $0x1C09  }
0x30e: {  	[timem:s3], [sflag:s2] =	dma.local @!p0 [hbm:s0], s1  }
0x30f: {  	s0 =	simm.s32 @!p0 $0x9  }
0x310: {  	_ =	swait.ge @!p0 [sflag:s0], s1  }
0x311: {  	s1 =	ssub.s32 @!p0 $0x0, s1;
	[sflag:s0] =	ssyncset.done @!p0 $0x0  }
0x312: {  	[sflag:s0] =	ssyncadd.s32 @!p0 s1  }
0x313: {  	[bflag:$0x3] =	sbarrier.arrive $0xFFFF  }
0x314: {  	_ =	shalt  }

// kernel: sparse-core-data-format-call.cloned.1.call-start
scs
called_computation_lowered:
.L_overlay_start_0:
0x0: {  	s2 =	sld [smem:$0x3FD9]  }
0x1: {  	s3 =	sld [smem:$0x3FFE];
	_ =	sdelay $0x1  }
0x2: {  	s1 =	srdreg.scid  }
0x3: {  	s0 =	sand.u32 $0x1, s1  }
0x4: {  	s18 =	sshll.u32 s0, $0xA;
	s2 =	sadd.s32 s3, s2  }
0x5: {  	s2 =	sadd.s32 s2, s18  }
0x6: {  	[smem:$0x3FC6] =	sst s2  }
0x7: {  	_ = 	snop  }
0x8: {  	s2 =	sld [smem:$0x3FD0];
	(tm) =	ssettm $0x1  }
0x9: {  	s19 =	sld [smem:$0x3FFB];
	_ =	sdelay $0x3  }
0xa: {  	_ =	strace s19  }
0xb: {  	s3 =	sld [smem:$0x3FFC];
	_ =	sdelay $0x3  }
0xc: {  	_ =	strace s3  }
0xd: {  	s3 =	sld [smem:$0x3FFD];
	_ =	sdelay $0x3  }
0xe: {  	_ =	strace s3  }
0xf: {  	_ =	strace $0x8FFFFFFF  }
0x10: {  	s20 =	sld [smem:$0x3FDB];
	_ =	sdelay $0x1  }
0x11: {  	s4 =	simm.s32 $_scs_section_size  }
0x12: {  	s5 =	simm.s32 $_size__tile_overlayer_lowered;
	s6 =	simm.s32 $_tile_overlayer_lowered  }
0x13: {  	s23 =	simm.s32 $0x1BFF;
	s22 =	sshll.u32 s6, $0x1;
	s3 =	sadd.s32 s4, s20  }
0x14: {  	s7 =	simm.s32 $0x0;
	s21 =	sshll.u32 s5, $0x1;
	s5 =	sadd.s32 s22, s3  }
0x15: {  	[timem:s7], [sflag:s23] =	dma.local [hbm:s5], s21  }
0x16: {  	_ =	swait.ge [sflag:s23], s21  }
0x17: {  	s4 =	ssub.s32 $0x0, s21;
	[sflag:s23] =	ssyncset.done $0x0  }
0x18: {  	[sflag:s23] =	ssyncadd.s32 s4;
	_ =	sdelay $0x1  }
0x19: {  	s24 =	simm.s32 $0x1B8B  }
0x1a: {  	_ =	swait.ge [sflag:s24], $0x1  }
0x1b: {  	[sflag:s24] =	ssyncset.done $0x0  }
0x1c: {  	s26 =	simm.s32 $0x1B8E;
	s25 =	sld [smem:$0x3FFE];
	[sflag:s24] =	ssyncadd.s32 $0xFFFFFFFF  }
0x1d: {  	s27 =	simm.s32 $execute0_lowered;
	[smem:$0x3FD2] =	sst s26  }
0x1e: {  	s5 =	sshll.u32 s27, $0x1;
	_ =	strace $0x80000049;
	[dreg:$0x1] =	wrdreg $0xFFFFFFFF  }
0x1f: {  	s28 =	simm.s32 $_size_execute0_lowered;
	s3 =	sadd.s32 s3, s5;
	[dreg:$0x0] =	wrdreg $0x0  }
0x20: {  	s5 =	sshll.u32 s28, $0x1;
	[dreg:$0x2] =	wrdreg s3  }
0x21: {  	[dreg:$0x3] =	wrdreg s5  }
0x22: {  	[dreg:$0x4] =	wrdreg $0xC0  }
0x23: {  	_ =	task [dreg:s7], $0x5FFFF  }
0x24: {  	[dreg:$0x1] =	wrdreg $0xFFFFFFFF  }
0x25: {  	[dreg:$0x0] =	wrdreg $0x60  }
0x26: {  	[dreg:$0x2] =	wrdreg s25  }
0x27: {  	[dreg:$0x3] =	wrdreg s2  }
0x28: {  	[dreg:$0x4] =	wrdreg $0x9  }
0x29: {  	_ =	task.clear_ibuf [dreg:s7], $0x5FFFF;
	_ =	strace $0x90000049  }
0x2a: {  	s29 =	simm.s32 $0x9;
	_ =	strace $0x8000004B  }
0x2b: {  	_ =	swait.ge [sflag:s29], $0x1  }
0x2c: {  	[sflag:s29] =	ssyncadd.s32 $0xFFFFFFFF  }
0x2d: {  	_ =	strace $0x9000004B  }
0x2e: {  	_ =	sfence  }
0x2f: {  	s30 =	sld [smem:$0x0];
	_ =	sdelay $0x2  }
0x30: {  	s31 =	sshll.u32 s1, $0xD;
	s1 =	sshrl.u32 s1, $0x2  }
0x31: {  	s3 =	sand.u32 $0x4000, s31;
	s1 =	sadd.s32 s1, s30  }
0x32: {  	s0 =	sor.u32 s3, s0;
	s1 =	sshll.u32 s1, $0x11  }
0x33: {  	s0 =	sor.u32 s1, s0  }
0x34: {  	s0 =	sadd.s32 $0x8F2B, s0  }
0x35: {  	[sflag:s0] =	ssyncadd.remote.s32 $0x1  }
0x36: {  	_ =	sfence.sel $0xFFFF  }
0x37: {  	[dreg:$0x0] =	wrdreg $0xFFFFFFFF;
	(pc) =	sbr.abs _section_cstart, $3  }
0x38: {  	[dreg:$0x1] =	wrdreg $0xFFFFFFFF  }
0x39: {  	_ =	task.clear_ibuf [dreg:s7], $0x2FFFF;
	_ =	strace $0x9FFFFFFF  }
0x3a: {  	(tm) =	ssettm $0x7FFFFFFF  }
0x3b: {  	_ =	shalt  }
tec
execute0_lowered:
.L_overlay_start_1:
0x0: {  	(tag) =	ssettag $0x1  }
0x1: {  	s0 =	srdreg.scid  }
0x2: {  	s1 =	sshll.u32 s0, $0x4  }
0x3: {  	s0 =	stileid.u32;
	s1 =	sand.u32 $0x10, s1  }
0x4: {  	s1 =	sor.u32 s0, s1  }
0x5: {  	s6 =	rddreg [dreg:$0x0];
	s4 =	simm.s32 $0x1;
	s2 =	sshll.u32 s1, $0x7  }
0x6: {  	s7 =	simm.s32 $0x2;
	s12 =	simm.s32 $0x0;
	s1 =	ssub.s32 $0x1000, s2  }
0x7: {  	s8 =	simm.s32 $0x8000;
	s13 =	simm.s32 $0x0;
	s3 =	sand.u32 $0xF80, s1  }
0x8: {  	s9 =	simm.s32 $0x0;
	s5 =	sshrl.u32 s1, $0xC;
	p0 =	sne.s32 s3, $0x0  }
.Ltmp0:
0x9: {  	s1 =	rddreg [dreg:$0x2];
	s4 =	simm.s32 @!p0 $0x0;
	(pc) =	sbr.rel .LBB1_1-.Ltmp0, $4  }
0xa: {  	s11 =	simm.s32 $0x0;
	s3 =	rddreg [dreg:$0x1];
	s5 =	sadd.s32 s4, s5  }
0xb: {  	_ =	strace $0x8000004A;
	s4 =	simm.s32 $0x1;
	s5 =	smul.u32 $0xC8, s5  }
0xc: {  	s6 =	sadd.s32 $0xA00, s6;
	s10 =	smov.u32 s2;
	[sflag:s4] =	ssyncpa.u1 $0x0  }
0xd: {  	p0 =	por $0x0, $0x0;
	[sflag:s7] =	ssyncpa.u1 $0x0;
	s7 =	sor.u32 $0x1, s5  }
.LBB1_4:
0xe: {  	s16 =	sshll.u32 s13, $0x3;
	s17 =	sand.u32 $0x78, s13  }
0xf: {  	s30 =	sand.u32 $0x7E00, s13;
	s12 =	sshll.u32 s12, $0xF;
	s16 =	sand.u32 $0xC00, s16  }
0x10: {  	[tilespmem:s15+$0x810 ss:$0x81] =	vst.msk $0xffff, v2;
	s31 =	sand.u32 $0x7, s13;
	s16 =	sor.u32 s17, s16;
	s17 =	sadd.s32 s3, s30  }
0x11: {  	[tilespmem:s15+$0x1020 ss:$0x81] =	vst.msk $0xffff, v0;
	s13 =	sshll.u32 s31, $0x12;
	s12 =	sadd.s32 s12, s17;
	s16 =	sshrl.u32 s16, $0x3  }
0x12: {  	[tilespmem:s15+$0x0 ss:$0x81] =	vst.msk $0xffff, v1;
	s13 =	sor.u32 $0x400, s13;
	s12 =	sadd.s32 s16, s12  }
0x13: {  	[hbm4b:s12+s13] =	stream.strided.scatter [tilespmem:s14], [sflag:$0x2], $0x2000, s8, s13, $0x20;
	[tilespmem:$0x8080] =	vst v63  }
.LBB1_5:
0x14: {  	s14 =	sadd.s32 $0x1, s9  }
0x15: {  	s12 =	sadd.s32 $0x1000, s10;
	s16 =	smov.u32 s10;
	p2 =	sgt.s32 s14, $0xC7  }
0x16: {  	s16 =	smov.u32 @p2 s12  }
0x17: {  	s14 =	simm.s32 @p2 $0x0;
	p2 =	sgt.s32 s16, $0xFFF  }
0x18: {  	s16 =	smov.u32 @p2 s2;
	p2 =	sne.s32 s11, s7  }
.Ltmp1:
0x19: {  	p1 =	slt.u32 s11, $0x2;
	(pc) =	sbr.rel @!p2 .LBB1_6-.Ltmp1, $4  }
0x1a: {  	s15 =	simm.s32 @!p1 $0x2  }
0x1b: {  	s13 =	smov.u32 s10;
	p0 =	por !p0, !p0;
	_ =	swait.ge @!p1 [sflag:s15], $0x2000  }
0x1c: {  	s12 =	smov.u32 s9;
	[sflag:s15] =	ssyncset.done @!p1 $0x0;
	s9 =	smov.u32 s14  }
0x1d: {  	s11 =	sadd.s32 $0x1, s11;
	[sflag:s15] =	ssyncadd.s32 @!p1 $0xFFFFE000;
	s10 =	smov.u32 s16  }
.LBB1_1:
0x1e: {  	p1 =	sge.u32 s11, s5  }
0x1f: {  	s14 =	sand.u32 @!p1 $0x1FFFFFF, s9  }
0x20: {  	s15 =	smulhi.u32 @!p1 $0x147AE15, s14;
	_ =	sdelay $0x1  }
0x21: {  	s15 =	smul.u32 @!p1 $0xC8, s15  }
0x22: {  	s16 =	sxor.u32 @!p1 $0xFFFFFFFF, s11;
	s17 =	smul.u32 @!p1 $0xC80, s10  }
0x23: {  	s31 =	sadd.s32 $0xFFFFFFFF, s11;
	s16 =	sshll.u32 @!p1 s16, $0xD;
	s14 =	ssub.s32 @!p1 s14, s15  }
0x24: {  	s15 =	sand.u32 @!p1 $0x2000, s16;
	s16 =	sadd.s32 @!p1 s6, s17;
	s14 =	sshll.u32 @!p1 s14, $0x4  }
0x25: {  	s17 =	simm.s32 @!p1 $0x6400;
	s14 =	sadd.s32 @!p1 s14, s16;
	s16 =	simm.s32 @!p1 $0x40  }
0x26: {  	[tilespmem:s15], [sflag:$0x1] =	stream.strided.gather @!p1 [hbm4b:s14+s16], $0x2000, s17, s16, $0x38;
	[tilespmem:$0x8080] =	vst v63  }
0x27: {  	p1 =	sge.u32 s31, s5  }
.Ltmp2:
0x28: {  	_ = 	snop;
	(pc) =	sbr.rel @p1 .LBB1_5-.Ltmp2, $1  }
0x29: {  	_ =	sdelay $0x3  }
0x2a: {  	s14 =	simm.s32 $0x1  }
0x2b: {  	_ =	swait.ge [sflag:s4], $0x2000;
	s14 =	simm.s32 @!p0 $0x0  }
0x2c: {  	[sflag:s4] =	ssyncset.done $0x0;
	s15 =	sshll.u32 s14, $0xD  }
0x2d: {  	[sflag:s4] =	ssyncadd.s32 $0xFFFFE000;
	s18 =	sor.u32 $0x20, s15  }
0x2e: {  	s14 =	smul.u32 $0x8100, s14;
	v3 =	vld [tilespmem:s18+$0x10]  }
0x2f: {  	s30 =	sand.u32 $0x1, s11;
	v2 =	vld [tilespmem:s18+$0xFFFFFFF0]  }
0x30: {  	s15 =	smul.u32 $0x8100, s30;
	s14 =	sshrl.u32 s14, $0x2;
	v0 =	vld [tilespmem:s18+$0x0]  }
0x31: {  	v1 =	vld [tilespmem:s18+$0xFFFFFFE0];
	s16 =	sor.u32 $0x4000, s14  }
0x32: {  	s31 =	sshrl.u32 s15, $0x2;
	s15 =	sadd.s32 $0x0, s16  }
0x33: {  	s17 =	simm.s32 $0x4;
	s18 =	sadd.s32 $0x40, s18;
	s14 =	sor.u32 $0x4000, s31;
	[tilespmem:s15+$0x1830 ss:$0x81] =	vst.msk $0xffff, v3  }
.LBB1_3:
0x34: {  	v3 =	vld [tilespmem:s18+$0x10];
	p1 =	sne.s32 s17, $0x1FC;
	[tilespmem:s15+$0x810 ss:$0x81] =	vst.msk $0xffff, v2;
	s19 =	smov.u32 s17;
	s17 =	sadd.s32 $0x4, s17  }
.Ltmp3:
0x35: {  	v2 =	vld [tilespmem:s18+$0xFFFFFFF0];
	[tilespmem:s15+$0x1020 ss:$0x81] =	vst.msk $0xffff, v0;
	(pc) =	sbr.rel @p1 .LBB1_3-.Ltmp3, $4  }
0x36: {  	v0 =	vld [tilespmem:s18+$0x0];
	[tilespmem:s15+$0x0 ss:$0x81] =	vst.msk $0xffff, v1  }
0x37: {  	s15 =	sshra.s32 s19, $0x2;
	v1 =	vld [tilespmem:s18+$0xFFFFFFE0]  }
0x38: {  	s15 =	sadd.s32 s15, s16  }
0x39: {  	s18 =	sadd.s32 $0x40, s18;
	[tilespmem:s15+$0x1830 ss:$0x81] =	vst.msk $0xffff, v3  }
.Ltmp4:
0x3a: {  	_ = 	snop;
	(pc) =	sbr.rel .LBB1_4-.Ltmp4, $1  }
0x3b: {  	_ =	sdelay $0x3  }
.LBB1_6:
0x3c: {  	_ =	sfence.sel $0x180000  }
0x3d: {  	s2 =	simm.s32 $0x1;
	[bflag:$0x0] =	sbarrier.arrive $0xFFFF  }
0x3e: {  	s31 =	simm.s32 $0x2;
	[sflag:s2] =	ssyncpa.u1 $0x1  }
0x3f: {  	[sflag:s31] =	ssyncpa.u1 $0x1  }
0x40: {  	p0 =	sne.s32 s0, $0x0;
	_ =	strace $0x9000004A  }
0x41: {  	s0 =	sadd.s32 @!p0 $0x100000, s1;
	[bflag:$0x2] =	sbarrier.arrive $0xFFFF  }
0x42: {  	[sflag:s0] =	ssyncadd.tile.s32 @!p0 $0x1;
	_ =	shalt  }
.Lfunc_end1:
_tile_overlayer_lowered:
.L_overlay_start_2:
0x43: {  	(tag) =	ssettag $0x2  }
0x44: {  	s0 =	rddreg [dreg:$0x0];
	s2 =	stileid.u32  }
0x45: {  	s1 =	rddreg [dreg:$0x1];
	p0 =	sne.s32 s2, $0x0  }
0x46: {  	s3 =	rddreg [dreg:$0x2];
	[bflag:$0x3] =	sbarrier.arrive $0xFFFF;
	s2 =	simm.s32 @!p0 $0x1C01  }
0x47: {  	[timem:s3], [sflag:s2] =	dma.local @!p0 [hbm:s0], s1  }
0x48: {  	s0 =	simm.s32 @!p0 $0x1  }
0x49: {  	_ =	swait.ge @!p0 [sflag:s0], s1  }
0x4a: {  	s1 =	ssub.s32 @!p0 $0x0, s1;
	[sflag:s0] =	ssyncset.done @!p0 $0x0  }
0x4b: {  	[sflag:s0] =	ssyncadd.s32 @!p0 s1  }
0x4c: {  	[bflag:$0x3] =	sbarrier.arrive $0xFFFF  }
0x4d: {  	_ =	shalt  }

</sc_bundles>
